<compile_context>
chip_gen: v7x
topology: tpu7x:2x2x1
jax: 0.10.2.dev20260603
libtpu: 0.0.44.dev20260713+nightly
codegen_flags: <defaults>
</compile_context>

<pallas_src>
import functools

import jax
import jax.numpy as jnp
from jax import lax
from jax.experimental import pallas as pl
from jax.experimental.pallas import tpu as pltpu
from jax.experimental.pallas import tpu_sc as plsc

N = 160000
D = 256
DIM = 10000
NC = 2
NS = 16
L = 16
SPAD = 10240
SEG_SC = SPAD // NC
SEG_W = SPAD // (NC * NS)
EPT = N // NS
VPT = EPT // L
NT = 2 * NS
ROWS_CHUNK = 64
NCHUNK = SEG_W // ROWS_CHUNK
TAIL = DIM % ROWS_CHUNK


def _body(idx_hbm, t_hbm, msg_hbm, out_hbm,
          idx_v, t_v, segmax_a, argmax_a, segmax_b, argmax_b,
          amax_rows, rows_v, rows2_v, sem, sem2,
          shared_f, shared_i):
  merge_i = idx_v
  merge_f = t_v
  c = lax.axis_index("c")
  s = lax.axis_index("s")
  sc_base = c * SEG_SC

  stage_idx = pltpu.async_copy(idx_hbm.at[pl.ds(s * EPT, EPT)],
                               idx_v.at[pl.ds(0, EPT)], sem)
  stage_t = pltpu.async_copy(t_hbm.at[pl.ds(s * EPT, EPT)],
                             t_v.at[pl.ds(0, EPT)], sem2)

  neg_inf = jnp.full((L,), -jnp.inf, jnp.float32)

  def init_body(j, carry):
    segmax_a[pl.ds(sc_base + j * L, L)] = neg_inf
    segmax_b[pl.ds(sc_base + j * L, L)] = neg_inf
    return carry

  lax.fori_loop(0, SEG_SC // L, init_body, 0)
  stage_idx.wait()
  stage_t.wait()

  lanes = lax.iota(jnp.int32, L)
  elem_base = s * EPT

  def stage1(vi):
    iv = idx_v[pl.ds(vi * L, L)]
    tv = t_v[pl.ds(vi * L, L)]
    stv, sval = plsc.sort_key_val(tv, iv * L + lanes)
    siv = lax.shift_right_logical(sval, 4)
    spos = elem_base + vi * L + (sval & (L - 1))
    return stv, siv, spos

  def stage2(st, seg_ref, arg_ref):
    stv, siv, spos = st
    cm = plsc.load_gather(seg_ref, [siv])
    wm = stv >= cm
    plsc.store_scatter(seg_ref, [siv], stv, mask=wm)
    plsc.store_scatter(arg_ref, [siv], spos, mask=wm)

  def pair_body(i, carry):
    sa = stage1(2 * i)
    sb = stage1(2 * i + 1)
    stage2(sa, segmax_a, argmax_a)
    stage2(sb, segmax_b, argmax_b)
    return carry

  lax.fori_loop(0, VPT // 2, pair_body, 0)
  if VPT % 2:
    stage2(stage1(VPT - 1), segmax_a, argmax_a)

  plsc.subcore_barrier()

  copies = []
  for r in range(NS):
    src = sc_base + r * SEG_W
    dst = (r * NT + 2 * s) * SEG_W
    copies.append(pltpu.async_copy(
        segmax_a.at[pl.ds(src, SEG_W)],
        shared_f.at[pl.ds(dst, SEG_W)], sem))
    copies.append(pltpu.async_copy(
        argmax_a.at[pl.ds(src, SEG_W)],
        shared_i.at[pl.ds(dst, SEG_W)], sem))
    copies.append(pltpu.async_copy(
        segmax_b.at[pl.ds(src, SEG_W)],
        shared_f.at[pl.ds(dst + SEG_W, SEG_W)], sem2))
    copies.append(pltpu.async_copy(
        argmax_b.at[pl.ds(src, SEG_W)],
        shared_i.at[pl.ds(dst + SEG_W, SEG_W)], sem2))
  for cp_ in copies:
    cp_.wait()
  plsc.subcore_barrier()

  pltpu.sync_copy(shared_f.at[pl.ds(s * NT * SEG_W, NT * SEG_W)], merge_f)
  pltpu.sync_copy(shared_i.at[pl.ds(s * NT * SEG_W, NT * SEG_W)], merge_i)

  out_base = sc_base + s * SEG_W

  def merge_body(j, carry):
    am = merge_f[pl.ds(j * L, L)]
    ap = merge_i[pl.ds(j * L, L)]
    for r in range(1, NT):
      m = merge_f[pl.ds(r * SEG_W + j * L, L)]
      p = merge_i[pl.ds(r * SEG_W + j * L, L)]
      b = m > am
      am = jnp.where(b, m, am)
      ap = jnp.where(b, p, ap)
    gseg = out_base + j * L + lanes
    fill = jnp.where(gseg >= DIM, gseg, jnp.int32(DIM - 1))
    ap = jnp.where(am == -jnp.inf, fill, ap)
    amax_rows[pl.ds(j * L, L)] = ap
    return carry

  lax.fori_loop(0, SEG_W // L, merge_body, 0)

  def chunk_gather(k, buf, gsem):
    return pltpu.async_copy(
        msg_hbm.at[amax_rows.at[pl.ds(k * ROWS_CHUNK, ROWS_CHUNK)]],
        buf, gsem)

  def chunk_write(k, buf):
    chunk_base = out_base + k * ROWS_CHUNK

    @pl.when(chunk_base + ROWS_CHUNK <= DIM)
    def _full_write():
      pltpu.sync_copy(buf, out_hbm.at[pl.ds(chunk_base, ROWS_CHUNK)])

    @pl.when(chunk_base == DIM - TAIL)
    def _tail_write():
      pltpu.sync_copy(buf.at[pl.ds(0, TAIL)],
                      out_hbm.at[pl.ds(DIM - TAIL, TAIL)])

  plsc.subcore_barrier()

  bufs = (rows_v, rows2_v)
  gsems = (sem, sem2)
  g = chunk_gather(0, bufs[0], gsems[0])
  for k in range(NCHUNK):
    g.wait()
    if k + 1 < NCHUNK:
      g = chunk_gather(k + 1, bufs[(k + 1) % 2], gsems[(k + 1) % 2])
    chunk_write(k, bufs[k % 2])


@jax.jit
def _aggregate(msg, index, t):
  mesh = plsc.VectorSubcoreMesh(core_axis_name="c", subcore_axis_name="s")
  run = functools.partial(
      pl.kernel,
      out_type=jax.ShapeDtypeStruct((DIM, D), jnp.float32),
      mesh=mesh,
      scratch_types=[
          pltpu.VMEM((NT * SEG_W,), jnp.int32),
          pltpu.VMEM((NT * SEG_W,), jnp.float32),
          pltpu.VMEM((SPAD,), jnp.float32),
          pltpu.VMEM((SPAD,), jnp.int32),
          pltpu.VMEM((SPAD,), jnp.float32),
          pltpu.VMEM((SPAD,), jnp.int32),
          pltpu.VMEM((SEG_W,), jnp.int32),
          pltpu.VMEM((ROWS_CHUNK, D), jnp.float32),
          pltpu.VMEM((ROWS_CHUNK, D), jnp.float32),
          pltpu.SemaphoreType.DMA,
          pltpu.SemaphoreType.DMA,
          pltpu.VMEM_SHARED((NS * NT * SEG_W,), jnp.float32),
          pltpu.VMEM_SHARED((NS * NT * SEG_W,), jnp.int32),
      ],
      compiler_params=pltpu.CompilerParams(needs_layout_passes=False),
  )(_body)
  return run(index, t, msg)


def kernel(msg, index, t, dim_size):
  del dim_size
  return _aggregate(msg, index, t)

# --- scband reference (transcript-rebuilt; emitter-appended) ---
"""Pipeline reference for scband-aggregator-19756849562134 (READ-ONLY COPY).

The authoritative reference and input builder live on the scoring server;
editing this copy changes nothing except your own understanding.
"""

import jax, jax.numpy as jnp
import numpy as np

N = 160000
D = 256
DIM_SIZE = 10000


def setup_inputs(seed: int = 0) -> dict:
    key = jax.random.key(seed)
    k1, k2, k3 = jax.random.split(key, 3)
    msg = jax.random.normal(k1, (N, D), dtype=jnp.float32)
    index = jax.random.randint(k2, (N,), 0, DIM_SIZE, dtype=jnp.int32)
    t = jax.random.uniform(k3, (N,), dtype=jnp.float32)
    return {"msg": msg, "index": index, "t": t, "dim_size": DIM_SIZE}


def scatter_argmax(src, index, dim_size):
    # scatter_reduce_(amax, include_self=False): per-segment max of src
    res = jax.ops.segment_max(src, index, num_segments=DIM_SIZE)
    # out = full(dim_size, dim_size - 1); out[index[nonzero]] = nonzero
    match = src == res[index]
    pos = jnp.arange(src.shape[0], dtype=index.dtype)
    # route non-matching writes to a dummy slot dim_size, then drop it
    tgt = jnp.where(match, index, dim_size)
    out_pad = jnp.full((DIM_SIZE + 1,), dim_size - 1, dtype=index.dtype)
    out_pad = out_pad.at[tgt].set(pos)
    return out_pad[:DIM_SIZE]


def reference(msg, index, t, dim_size):
    argmax = scatter_argmax(t, index, dim_size)
    mask = argmax < msg.shape[0]
    safe = jnp.clip(argmax, 0, msg.shape[0] - 1)
    gathered = jnp.take(msg, safe, axis=0)
    out = jnp.where(mask[:, None], gathered, jnp.zeros_like(gathered))
    return out

if __name__ == "__main__":
    import jax
    _d = setup_inputs()
    print(jax.jit(kernel)(*tuple(_d.values())))

</pallas_src>

<mosaic_0001>
#map = affine_map<(d0, d1) -> (0)>
#map1 = affine_map<(d0, d1) -> (0, 0)>
module attributes {stable_mosaic.version = 14 : i64} {
  func.func @_body(%arg0: i32, %arg1: i32, %arg2: memref<160000xi32, #tpu.memory_space<hbm>>, %arg3: memref<160000xf32, #tpu.memory_space<hbm>>, %arg4: memref<160000x256xf32, #tpu.memory_space<hbm>>, %arg5: memref<10000x256xf32, #tpu.memory_space<hbm>>, %arg6: memref<10240xi32, #tpu.memory_space<vmem>>, %arg7: memref<10240xf32, #tpu.memory_space<vmem>>, %arg8: memref<10240xf32, #tpu.memory_space<vmem>>, %arg9: memref<10240xi32, #tpu.memory_space<vmem>>, %arg10: memref<10240xf32, #tpu.memory_space<vmem>>, %arg11: memref<10240xi32, #tpu.memory_space<vmem>>, %arg12: memref<320xi32, #tpu.memory_space<vmem>>, %arg13: memref<64x256xf32, #tpu.memory_space<vmem>>, %arg14: memref<64x256xf32, #tpu.memory_space<vmem>>, %arg15: memref<!tpu.dma_semaphore, #tpu.memory_space<semaphore_mem>>, %arg16: memref<!tpu.dma_semaphore, #tpu.memory_space<semaphore_mem>>, %arg17: memref<163840xf32, #tpu.memory_space<vmem_shared>>, %arg18: memref<163840xi32, #tpu.memory_space<vmem_shared>>) attributes {dimension_semantics = [#tpu.dimension_semantics<core_parallel>, #tpu.dimension_semantics<subcore_parallel>], iteration_bounds = array<i64: 2, 16>, scalar_prefetch = 0 : i64, scratch_operands = 13 : i64, tpu.core_type = #tpu.core_type<sc_vector_subcore>, window_params = [{transform_indices = #map}, {transform_indices = #map}, {transform_indices = #map1}, {transform_indices = #map1}]} {
    %mul3A = arith.constant 5120 : i32
    %mul3A_0 = arith.muli %arg0, %mul3A : i32
    %mul3A_1 = arith.constant 10000 : i32
    %mul3A_2 = arith.muli %arg1, %mul3A_1 : i32
    %dma_start3A = arith.constant 0 : i32
    %dma_start3A_3 = tpu.memref_slice %arg6[%dma_start3A] : memref<10240xi32, #tpu.memory_space<vmem>> -> memref<10000xi32, #tpu.memory_space<vmem>>
    %dma_start3A_4 = tpu.memref_slice %arg2[%mul3A_2] : memref<160000xi32, #tpu.memory_space<hbm>> -> memref<10000xi32, #tpu.memory_space<hbm>>
    %dma_start3A_5 = arith.constant 0 : i32
    %dma_start3A_6 = tpu.memref_slice %arg6[%dma_start3A_5] : memref<10240xi32, #tpu.memory_space<vmem>> -> memref<10000xi32, #tpu.memory_space<vmem>>
    %dma_start3A_7 = tpu.memref_slice %arg2[%mul3A_2] : memref<160000xi32, #tpu.memory_space<hbm>> -> memref<10000xi32, #tpu.memory_space<hbm>>
    tpu.enqueue_dma source(%dma_start3A_7 : memref<10000xi32, #tpu.memory_space<hbm>>) target(%dma_start3A_6 : memref<10000xi32, #tpu.memory_space<vmem>>) target_semaphore(%arg15 : memref<!tpu.dma_semaphore, #tpu.memory_space<semaphore_mem>>)
    %mul3A_8 = arith.constant 10000 : i32
    %mul3A_9 = arith.muli %arg1, %mul3A_8 : i32
    %dma_start3A_10 = arith.constant 0 : i32
    %dma_start3A_11 = tpu.memref_slice %arg7[%dma_start3A_10] : memref<10240xf32, #tpu.memory_space<vmem>> -> memref<10000xf32, #tpu.memory_space<vmem>>
    %dma_start3A_12 = tpu.memref_slice %arg3[%mul3A_9] : memref<160000xf32, #tpu.memory_space<hbm>> -> memref<10000xf32, #tpu.memory_space<hbm>>
    %dma_start3A_13 = arith.constant 0 : i32
    %dma_start3A_14 = tpu.memref_slice %arg7[%dma_start3A_13] : memref<10240xf32, #tpu.memory_space<vmem>> -> memref<10000xf32, #tpu.memory_space<vmem>>
    %dma_start3A_15 = tpu.memref_slice %arg3[%mul3A_9] : memref<160000xf32, #tpu.memory_space<hbm>> -> memref<10000xf32, #tpu.memory_space<hbm>>
    tpu.enqueue_dma source(%dma_start3A_15 : memref<10000xf32, #tpu.memory_space<hbm>>) target(%dma_start3A_14 : memref<10000xf32, #tpu.memory_space<vmem>>) target_semaphore(%arg16 : memref<!tpu.dma_semaphore, #tpu.memory_space<semaphore_mem>>)
    %broadcast_in_dim3A = arith.constant 0xFF800000 : f32
    %broadcast_in_dim3A_16 = vector.broadcast %broadcast_in_dim3A : f32 to vector<16xf32>
    %scan3A = arith.constant 0 : i32
    %scan3A_17 = arith.constant 0 : i32
    %scan3A_18 = arith.constant 320 : i32
    %scan3A_19 = arith.addi %scan3A_17, %scan3A_18 : i32
    %scan3A_20 = arith.constant 1 : i32
    scf.for %scan3A_897 = %scan3A_17 to %scan3A_19 step %scan3A_20  : i32 {
      %mul3A_898 = arith.constant 16 : i32
      %mul3A_899 = arith.muli %scan3A_897, %mul3A_898 : i32
      %add3A_900 = arith.addi %mul3A_0, %mul3A_899 : i32
      %swap3A = arith.index_cast %add3A_900 : i32 to index
      %swap3A_901 = tpu.vector_load %arg8[%swap3A] {strides = array<i32>} : memref<10240xf32, #tpu.memory_space<vmem>>, vector<16xf32>,
      tpu.vector_store %arg8[%swap3A], %broadcast_in_dim3A_16 {strides = array<i32>} : memref<10240xf32, #tpu.memory_space<vmem>>, vector<16xf32>,
      %mul3A_902 = arith.constant 16 : i32
      %mul3A_903 = arith.muli %scan3A_897, %mul3A_902 : i32
      %add3A_904 = arith.addi %mul3A_0, %mul3A_903 : i32
      %swap3A_905 = arith.index_cast %add3A_904 : i32 to index
      %swap3A_906 = tpu.vector_load %arg10[%swap3A_905] {strides = array<i32>} : memref<10240xf32, #tpu.memory_space<vmem>>, vector<16xf32>,
      tpu.vector_store %arg10[%swap3A_905], %broadcast_in_dim3A_16 {strides = array<i32>} : memref<10240xf32, #tpu.memory_space<vmem>>, vector<16xf32>,
    }
    %scan3A_21 = arith.constant 320 : i32
    %dma_wait3A = arith.constant 0 : i32
    %dma_wait3A_22 = tpu.memref_slice %arg6[%dma_wait3A] : memref<10240xi32, #tpu.memory_space<vmem>> -> memref<10000xi32, #tpu.memory_space<vmem>>
    %dma_wait3A_23 = tpu.memref_slice %arg2[%mul3A_2] : memref<160000xi32, #tpu.memory_space<hbm>> -> memref<10000xi32, #tpu.memory_space<hbm>>
    %dma_wait3A_24 = arith.constant 0 : i32
    %dma_wait3A_25 = tpu.memref_slice %arg6[%dma_wait3A_24] : memref<10240xi32, #tpu.memory_space<vmem>> -> memref<10000xi32, #tpu.memory_space<vmem>>
    %dma_wait3A_26 = tpu.memref_slice %arg2[%mul3A_2] : memref<160000xi32, #tpu.memory_space<hbm>> -> memref<10000xi32, #tpu.memory_space<hbm>>
    tpu.wait_dma2 semaphore(%arg15 : memref<!tpu.dma_semaphore, #tpu.memory_space<semaphore_mem>>) src(%dma_wait3A_26 : memref<10000xi32, #tpu.memory_space<hbm>>) dst(%dma_wait3A_25 : memref<10000xi32, #tpu.memory_space<vmem>>)
    %dma_wait3A_27 = arith.constant 0 : i32
    %dma_wait3A_28 = tpu.memref_slice %arg7[%dma_wait3A_27] : memref<10240xf32, #tpu.memory_space<vmem>> -> memref<10000xf32, #tpu.memory_space<vmem>>
    %dma_wait3A_29 = tpu.memref_slice %arg3[%mul3A_9] : memref<160000xf32, #tpu.memory_space<hbm>> -> memref<10000xf32, #tpu.memory_space<hbm>>
    %dma_wait3A_30 = arith.constant 0 : i32
    %dma_wait3A_31 = tpu.memref_slice %arg7[%dma_wait3A_30] : memref<10240xf32, #tpu.memory_space<vmem>> -> memref<10000xf32, #tpu.memory_space<vmem>>
    %dma_wait3A_32 = tpu.memref_slice %arg3[%mul3A_9] : memref<160000xf32, #tpu.memory_space<hbm>> -> memref<10000xf32, #tpu.memory_space<hbm>>
    tpu.wait_dma2 semaphore(%arg16 : memref<!tpu.dma_semaphore, #tpu.memory_space<semaphore_mem>>) src(%dma_wait3A_32 : memref<10000xf32, #tpu.memory_space<hbm>>) dst(%dma_wait3A_31 : memref<10000xf32, #tpu.memory_space<vmem>>)
    %iota3A = tpu.iota {dimensions = array<i32: 0>} : vector<16xi32>
    %mul3A_33 = arith.constant 10000 : i32
    %mul3A_34 = arith.muli %arg1, %mul3A_33 : i32
    %scan3A_35 = arith.constant 0 : i32
    %scan3A_36 = arith.constant 0 : i32
    %scan3A_37 = arith.constant 312 : i32
    %scan3A_38 = arith.addi %scan3A_36, %scan3A_37 : i32
    %scan3A_39 = arith.constant 1 : i32
    scf.for %scan3A_897 = %scan3A_36 to %scan3A_38 step %scan3A_39  : i32 {
      %mul3A_898 = arith.constant 2 : i32
      %mul3A_899 = arith.muli %mul3A_898, %scan3A_897 : i32
      %mul3A_900 = arith.constant 16 : i32
      %mul3A_901 = arith.muli %mul3A_899, %mul3A_900 : i32
      %get3A_902 = arith.index_cast %mul3A_901 : i32 to index
      %get3A_903 = tpu.vector_load %arg6[%get3A_902] {strides = array<i32>} : memref<10240xi32, #tpu.memory_space<vmem>>, vector<16xi32>,
      %mul3A_904 = arith.constant 16 : i32
      %mul3A_905 = arith.muli %mul3A_899, %mul3A_904 : i32
      %get3A_906 = arith.index_cast %mul3A_905 : i32 to index
      %get3A_907 = tpu.vector_load %arg7[%get3A_906] {strides = array<i32>} : memref<10240xf32, #tpu.memory_space<vmem>>, vector<16xf32>,
      %mul3A_908 = arith.constant 16 : i32
      %mul3A_909 = vector.broadcast %mul3A_908 : i32 to vector<16xi32>
      %mul3A_910 = arith.muli %get3A_903, %mul3A_909 : vector<16xi32>
      %add3A_911 = arith.addi %mul3A_910, %iota3A : vector<16xi32>
      %masked_sort3A_912 = arith.constant dense<true> : vector<16xi1>
      %masked_sort3A_913, %masked_sort3A_914, %masked_sort3A_915 = tpu.sort %get3A_907, %add3A_911 masked %masked_sort3A_912 : (vector<16xf32>, vector<16xi32>, vector<16xi1>) -> (vector<16xi1>, vector<16xf32>, vector<16xi32>)
      %shift_right_logical3A_916 = arith.constant 4 : i32
      %shift_right_logical3A_917 = vector.broadcast %shift_right_logical3A_916 : i32 to vector<16xi32>
      %shift_right_logical3A_918 = arith.shrui %masked_sort3A_915, %shift_right_logical3A_917 : vector<16xi32>
      %mul3A_919 = arith.constant 16 : i32
      %mul3A_920 = arith.muli %mul3A_899, %mul3A_919 : i32
      %add3A_921 = arith.addi %mul3A_34, %mul3A_920 : i32
      %and3A_922 = arith.constant 15 : i32
      %and3A_923 = vector.broadcast %and3A_922 : i32 to vector<16xi32>
      %and3A_924 = arith.andi %masked_sort3A_915, %and3A_923 : vector<16xi32>
      %add3A_925 = vector.broadcast %add3A_921 : i32 to vector<16xi32>
      %add3A_926 = arith.addi %add3A_925, %and3A_924 : vector<16xi32>
      %mul3A_927 = arith.constant 2 : i32
      %mul3A_928 = arith.muli %mul3A_927, %scan3A_897 : i32
      %add3A_929 = arith.constant 1 : i32
      %add3A_930 = arith.addi %mul3A_928, %add3A_929 : i32
      %mul3A_931 = arith.constant 16 : i32
      %mul3A_932 = arith.muli %add3A_930, %mul3A_931 : i32
      %get3A_933 = arith.index_cast %mul3A_932 : i32 to index
      %get3A_934 = tpu.vector_load %arg6[%get3A_933] {strides = array<i32>} : memref<10240xi32, #tpu.memory_space<vmem>>, vector<16xi32>,
      %mul3A_935 = arith.constant 16 : i32
      %mul3A_936 = arith.muli %add3A_930, %mul3A_935 : i32
      %get3A_937 = arith.index_cast %mul3A_936 : i32 to index
      %get3A_938 = tpu.vector_load %arg7[%get3A_937] {strides = array<i32>} : memref<10240xf32, #tpu.memory_space<vmem>>, vector<16xf32>,
      %mul3A_939 = arith.constant 16 : i32
      %mul3A_940 = vector.broadcast %mul3A_939 : i32 to vector<16xi32>
      %mul3A_941 = arith.muli %get3A_934, %mul3A_940 : vector<16xi32>
      %add3A_942 = arith.addi %mul3A_941, %iota3A : vector<16xi32>
      %masked_sort3A_943 = arith.constant dense<true> : vector<16xi1>
      %masked_sort3A_944, %masked_sort3A_945, %masked_sort3A_946 = tpu.sort %get3A_938, %add3A_942 masked %masked_sort3A_943 : (vector<16xf32>, vector<16xi32>, vector<16xi1>) -> (vector<16xi1>, vector<16xf32>, vector<16xi32>)
      %shift_right_logical3A_947 = arith.constant 4 : i32
      %shift_right_logical3A_948 = vector.broadcast %shift_right_logical3A_947 : i32 to vector<16xi32>
      %shift_right_logical3A_949 = arith.shrui %masked_sort3A_946, %shift_right_logical3A_948 : vector<16xi32>
      %mul3A_950 = arith.constant 16 : i32
      %mul3A_951 = arith.muli %add3A_930, %mul3A_950 : i32
      %add3A_952 = arith.addi %mul3A_34, %mul3A_951 : i32
      %and3A_953 = arith.constant 15 : i32
      %and3A_954 = vector.broadcast %and3A_953 : i32 to vector<16xi32>
      %and3A_955 = arith.andi %masked_sort3A_946, %and3A_954 : vector<16xi32>
      %add3A_956 = vector.broadcast %add3A_952 : i32 to vector<16xi32>
      %add3A_957 = arith.addi %add3A_956, %and3A_955 : vector<16xi32>
      %gather3A_958 = tpu.vector_load_idx %arg8[%shift_right_logical3A_918] : memref<10240xf32, #tpu.memory_space<vmem>>[vector<16xi32>], vector<16xf32>,
      %ge3A_959 = arith.cmpf oge, %masked_sort3A_914, %gather3A_958 : vector<16xf32>
      tpu.vector_store_idx %arg8[%shift_right_logical3A_918], %masked_sort3A_914 masked %ge3A_959 : memref<10240xf32, #tpu.memory_space<vmem>>[vector<16xi32>], vector<16xf32>, vector<16xi1>
      tpu.vector_store_idx %arg9[%shift_right_logical3A_918], %add3A_926 masked %ge3A_959 : memref<10240xi32, #tpu.memory_space<vmem>>[vector<16xi32>], vector<16xi32>, vector<16xi1>
      %gather3A_960 = tpu.vector_load_idx %arg10[%shift_right_logical3A_949] : memref<10240xf32, #tpu.memory_space<vmem>>[vector<16xi32>], vector<16xf32>,
      %ge3A_961 = arith.cmpf oge, %masked_sort3A_945, %gather3A_960 : vector<16xf32>
      tpu.vector_store_idx %arg10[%shift_right_logical3A_949], %masked_sort3A_945 masked %ge3A_961 : memref<10240xf32, #tpu.memory_space<vmem>>[vector<16xi32>], vector<16xf32>, vector<16xi1>
      tpu.vector_store_idx %arg11[%shift_right_logical3A_949], %add3A_957 masked %ge3A_961 : memref<10240xi32, #tpu.memory_space<vmem>>[vector<16xi32>], vector<16xi32>, vector<16xi1>
    }
    %scan3A_40 = arith.constant 312 : i32
    %get3A = arith.constant 9984 : index
    %get3A_41 = tpu.vector_load %arg6[%get3A] {strides = array<i32>} : memref<10240xi32, #tpu.memory_space<vmem>>, vector<16xi32>,
    %get3A_42 = arith.constant 9984 : index
    %get3A_43 = tpu.vector_load %arg7[%get3A_42] {strides = array<i32>} : memref<10240xf32, #tpu.memory_space<vmem>>, vector<16xf32>,
    %mul3A_44 = arith.constant 16 : i32
    %mul3A_45 = vector.broadcast %mul3A_44 : i32 to vector<16xi32>
    %mul3A_46 = arith.muli %get3A_41, %mul3A_45 : vector<16xi32>
    %add3A = arith.addi %mul3A_46, %iota3A : vector<16xi32>
    %masked_sort3A = arith.constant dense<true> : vector<16xi1>
    %masked_sort3A_47, %masked_sort3A_48, %masked_sort3A_49 = tpu.sort %get3A_43, %add3A masked %masked_sort3A : (vector<16xf32>, vector<16xi32>, vector<16xi1>) -> (vector<16xi1>, vector<16xf32>, vector<16xi32>)
    %shift_right_logical3A = arith.constant 4 : i32
    %shift_right_logical3A_50 = vector.broadcast %shift_right_logical3A : i32 to vector<16xi32>
    %shift_right_logical3A_51 = arith.shrui %masked_sort3A_49, %shift_right_logical3A_50 : vector<16xi32>
    %add3A_52 = arith.constant 9984 : i32
    %add3A_53 = arith.addi %mul3A_34, %add3A_52 : i32
    %and3A = arith.constant 15 : i32
    %and3A_54 = vector.broadcast %and3A : i32 to vector<16xi32>
    %and3A_55 = arith.andi %masked_sort3A_49, %and3A_54 : vector<16xi32>
    %add3A_56 = vector.broadcast %add3A_53 : i32 to vector<16xi32>
    %add3A_57 = arith.addi %add3A_56, %and3A_55 : vector<16xi32>
    %gather3A = tpu.vector_load_idx %arg8[%shift_right_logical3A_51] : memref<10240xf32, #tpu.memory_space<vmem>>[vector<16xi32>], vector<16xf32>,
    %ge3A = arith.cmpf oge, %masked_sort3A_48, %gather3A : vector<16xf32>
    tpu.vector_store_idx %arg8[%shift_right_logical3A_51], %masked_sort3A_48 masked %ge3A : memref<10240xf32, #tpu.memory_space<vmem>>[vector<16xi32>], vector<16xf32>, vector<16xi1>
    tpu.vector_store_idx %arg9[%shift_right_logical3A_51], %add3A_57 masked %ge3A : memref<10240xi32, #tpu.memory_space<vmem>>[vector<16xi32>], vector<16xi32>, vector<16xi1>
    %barrier3A = arith.constant 0 : index
    tpu.barrier barrier_id(%barrier3A)
    %add3A_58 = arith.constant 0 : i32
    %add3A_59 = arith.addi %mul3A_0, %add3A_58 : i32
    %mul3A_60 = arith.constant 2 : i32
    %mul3A_61 = arith.muli %mul3A_60, %arg1 : i32
    %add3A_62 = arith.constant 0 : i32
    %add3A_63 = arith.addi %add3A_62, %mul3A_61 : i32
    %mul3A_64 = arith.constant 320 : i32
    %mul3A_65 = arith.muli %add3A_63, %mul3A_64 : i32
    %dma_start3A_66 = tpu.memref_slice %arg8[%add3A_59] : memref<10240xf32, #tpu.memory_space<vmem>> -> memref<320xf32, #tpu.memory_space<vmem>>
    %dma_start3A_67 = tpu.memref_slice %arg17[%mul3A_65] : memref<163840xf32, #tpu.memory_space<vmem_shared>> -> memref<320xf32, #tpu.memory_space<vmem_shared>>
    %dma_start3A_68 = tpu.memref_slice %arg17[%mul3A_65] : memref<163840xf32, #tpu.memory_space<vmem_shared>> -> memref<320xf32, #tpu.memory_space<vmem_shared>>
    %dma_start3A_69 = tpu.memref_slice %arg8[%add3A_59] : memref<10240xf32, #tpu.memory_space<vmem>> -> memref<320xf32, #tpu.memory_space<vmem>>
    tpu.enqueue_dma source(%dma_start3A_69 : memref<320xf32, #tpu.memory_space<vmem>>) target(%dma_start3A_68 : memref<320xf32, #tpu.memory_space<vmem_shared>>) target_semaphore(%arg15 : memref<!tpu.dma_semaphore, #tpu.memory_space<semaphore_mem>>)
    %dma_start3A_70 = tpu.memref_slice %arg9[%add3A_59] : memref<10240xi32, #tpu.memory_space<vmem>> -> memref<320xi32, #tpu.memory_space<vmem>>
    %dma_start3A_71 = tpu.memref_slice %arg18[%mul3A_65] : memref<163840xi32, #tpu.memory_space<vmem_shared>> -> memref<320xi32, #tpu.memory_space<vmem_shared>>
    %dma_start3A_72 = tpu.memref_slice %arg18[%mul3A_65] : memref<163840xi32, #tpu.memory_space<vmem_shared>> -> memref<320xi32, #tpu.memory_space<vmem_shared>>
    %dma_start3A_73 = tpu.memref_slice %arg9[%add3A_59] : memref<10240xi32, #tpu.memory_space<vmem>> -> memref<320xi32, #tpu.memory_space<vmem>>
    tpu.enqueue_dma source(%dma_start3A_73 : memref<320xi32, #tpu.memory_space<vmem>>) target(%dma_start3A_72 : memref<320xi32, #tpu.memory_space<vmem_shared>>) target_semaphore(%arg15 : memref<!tpu.dma_semaphore, #tpu.memory_space<semaphore_mem>>)
    %add3A_74 = arith.constant 320 : i32
    %add3A_75 = arith.addi %mul3A_65, %add3A_74 : i32
    %dma_start3A_76 = tpu.memref_slice %arg10[%add3A_59] : memref<10240xf32, #tpu.memory_space<vmem>> -> memref<320xf32, #tpu.memory_space<vmem>>
    %dma_start3A_77 = tpu.memref_slice %arg17[%add3A_75] : memref<163840xf32, #tpu.memory_space<vmem_shared>> -> memref<320xf32, #tpu.memory_space<vmem_shared>>
    %dma_start3A_78 = tpu.memref_slice %arg17[%add3A_75] : memref<163840xf32, #tpu.memory_space<vmem_shared>> -> memref<320xf32, #tpu.memory_space<vmem_shared>>
    %dma_start3A_79 = tpu.memref_slice %arg10[%add3A_59] : memref<10240xf32, #tpu.memory_space<vmem>> -> memref<320xf32, #tpu.memory_space<vmem>>
    tpu.enqueue_dma source(%dma_start3A_79 : memref<320xf32, #tpu.memory_space<vmem>>) target(%dma_start3A_78 : memref<320xf32, #tpu.memory_space<vmem_shared>>) target_semaphore(%arg16 : memref<!tpu.dma_semaphore, #tpu.memory_space<semaphore_mem>>)
    %add3A_80 = arith.constant 320 : i32
    %add3A_81 = arith.addi %mul3A_65, %add3A_80 : i32
    %dma_start3A_82 = tpu.memref_slice %arg11[%add3A_59] : memref<10240xi32, #tpu.memory_space<vmem>> -> memref<320xi32, #tpu.memory_space<vmem>>
    %dma_start3A_83 = tpu.memref_slice %arg18[%add3A_81] : memref<163840xi32, #tpu.memory_space<vmem_shared>> -> memref<320xi32, #tpu.memory_space<vmem_shared>>
    %dma_start3A_84 = tpu.memref_slice %arg18[%add3A_81] : memref<163840xi32, #tpu.memory_space<vmem_shared>> -> memref<320xi32, #tpu.memory_space<vmem_shared>>
    %dma_start3A_85 = tpu.memref_slice %arg11[%add3A_59] : memref<10240xi32, #tpu.memory_space<vmem>> -> memref<320xi32, #tpu.memory_space<vmem>>
    tpu.enqueue_dma source(%dma_start3A_85 : memref<320xi32, #tpu.memory_space<vmem>>) target(%dma_start3A_84 : memref<320xi32, #tpu.memory_space<vmem_shared>>) target_semaphore(%arg16 : memref<!tpu.dma_semaphore, #tpu.memory_space<semaphore_mem>>)
    %add3A_86 = arith.constant 320 : i32
    %add3A_87 = arith.addi %mul3A_0, %add3A_86 : i32
    %mul3A_88 = arith.constant 2 : i32
    %mul3A_89 = arith.muli %mul3A_88, %arg1 : i32
    %add3A_90 = arith.constant 32 : i32
    %add3A_91 = arith.addi %add3A_90, %mul3A_89 : i32
    %mul3A_92 = arith.constant 320 : i32
    %mul3A_93 = arith.muli %add3A_91, %mul3A_92 : i32
    %dma_start3A_94 = tpu.memref_slice %arg8[%add3A_87] : memref<10240xf32, #tpu.memory_space<vmem>> -> memref<320xf32, #tpu.memory_space<vmem>>
    %dma_start3A_95 = tpu.memref_slice %arg17[%mul3A_93] : memref<163840xf32, #tpu.memory_space<vmem_shared>> -> memref<320xf32, #tpu.memory_space<vmem_shared>>
    %dma_start3A_96 = tpu.memref_slice %arg17[%mul3A_93] : memref<163840xf32, #tpu.memory_space<vmem_shared>> -> memref<320xf32, #tpu.memory_space<vmem_shared>>
    %dma_start3A_97 = tpu.memref_slice %arg8[%add3A_87] : memref<10240xf32, #tpu.memory_space<vmem>> -> memref<320xf32, #tpu.memory_space<vmem>>
    tpu.enqueue_dma source(%dma_start3A_97 : memref<320xf32, #tpu.memory_space<vmem>>) target(%dma_start3A_96 : memref<320xf32, #tpu.memory_space<vmem_shared>>) target_semaphore(%arg15 : memref<!tpu.dma_semaphore, #tpu.memory_space<semaphore_mem>>)
    %dma_start3A_98 = tpu.memref_slice %arg9[%add3A_87] : memref<10240xi32, #tpu.memory_space<vmem>> -> memref<320xi32, #tpu.memory_space<vmem>>
    %dma_start3A_99 = tpu.memref_slice %arg18[%mul3A_93] : memref<163840xi32, #tpu.memory_space<vmem_shared>> -> memref<320xi32, #tpu.memory_space<vmem_shared>>
    %dma_start3A_100 = tpu.memref_slice %arg18[%mul3A_93] : memref<163840xi32, #tpu.memory_space<vmem_shared>> -> memref<320xi32, #tpu.memory_space<vmem_shared>>
    %dma_start3A_101 = tpu.memref_slice %arg9[%add3A_87] : memref<10240xi32, #tpu.memory_space<vmem>> -> memref<320xi32, #tpu.memory_space<vmem>>
    tpu.enqueue_dma source(%dma_start3A_101 : memref<320xi32, #tpu.memory_space<vmem>>) target(%dma_start3A_100 : memref<320xi32, #tpu.memory_space<vmem_shared>>) target_semaphore(%arg15 : memref<!tpu.dma_semaphore, #tpu.memory_space<semaphore_mem>>)
    %add3A_102 = arith.constant 320 : i32
    %add3A_103 = arith.addi %mul3A_93, %add3A_102 : i32
    %dma_start3A_104 = tpu.memref_slice %arg10[%add3A_87] : memref<10240xf32, #tpu.memory_space<vmem>> -> memref<320xf32, #tpu.memory_space<vmem>>
    %dma_start3A_105 = tpu.memref_slice %arg17[%add3A_103] : memref<163840xf32, #tpu.memory_space<vmem_shared>> -> memref<320xf32, #tpu.memory_space<vmem_shared>>
    %dma_start3A_106 = tpu.memref_slice %arg17[%add3A_103] : memref<163840xf32, #tpu.memory_space<vmem_shared>> -> memref<320xf32, #tpu.memory_space<vmem_shared>>
    %dma_start3A_107 = tpu.memref_slice %arg10[%add3A_87] : memref<10240xf32, #tpu.memory_space<vmem>> -> memref<320xf32, #tpu.memory_space<vmem>>
    tpu.enqueue_dma source(%dma_start3A_107 : memref<320xf32, #tpu.memory_space<vmem>>) target(%dma_start3A_106 : memref<320xf32, #tpu.memory_space<vmem_shared>>) target_semaphore(%arg16 : memref<!tpu.dma_semaphore, #tpu.memory_space<semaphore_mem>>)
    %add3A_108 = arith.constant 320 : i32
    %add3A_109 = arith.addi %mul3A_93, %add3A_108 : i32
    %dma_start3A_110 = tpu.memref_slice %arg11[%add3A_87] : memref<10240xi32, #tpu.memory_space<vmem>> -> memref<320xi32, #tpu.memory_space<vmem>>
    %dma_start3A_111 = tpu.memref_slice %arg18[%add3A_109] : memref<163840xi32, #tpu.memory_space<vmem_shared>> -> memref<320xi32, #tpu.memory_space<vmem_shared>>
    %dma_start3A_112 = tpu.memref_slice %arg18[%add3A_109] : memref<163840xi32, #tpu.memory_space<vmem_shared>> -> memref<320xi32, #tpu.memory_space<vmem_shared>>
    %dma_start3A_113 = tpu.memref_slice %arg11[%add3A_87] : memref<10240xi32, #tpu.memory_space<vmem>> -> memref<320xi32, #tpu.memory_space<vmem>>
    tpu.enqueue_dma source(%dma_start3A_113 : memref<320xi32, #tpu.memory_space<vmem>>) target(%dma_start3A_112 : memref<320xi32, #tpu.memory_space<vmem_shared>>) target_semaphore(%arg16 : memref<!tpu.dma_semaphore, #tpu.memory_space<semaphore_mem>>)
    %add3A_114 = arith.constant 640 : i32
    %add3A_115 = arith.addi %mul3A_0, %add3A_114 : i32
    %mul3A_116 = arith.constant 2 : i32
    %mul3A_117 = arith.muli %mul3A_116, %arg1 : i32
    %add3A_118 = arith.constant 64 : i32
    %add3A_119 = arith.addi %add3A_118, %mul3A_117 : i32
    %mul3A_120 = arith.constant 320 : i32
    %mul3A_121 = arith.muli %add3A_119, %mul3A_120 : i32
    %dma_start3A_122 = tpu.memref_slice %arg8[%add3A_115] : memref<10240xf32, #tpu.memory_space<vmem>> -> memref<320xf32, #tpu.memory_space<vmem>>
    %dma_start3A_123 = tpu.memref_slice %arg17[%mul3A_121] : memref<163840xf32, #tpu.memory_space<vmem_shared>> -> memref<320xf32, #tpu.memory_space<vmem_shared>>
    %dma_start3A_124 = tpu.memref_slice %arg17[%mul3A_121] : memref<163840xf32, #tpu.memory_space<vmem_shared>> -> memref<320xf32, #tpu.memory_space<vmem_shared>>
    %dma_start3A_125 = tpu.memref_slice %arg8[%add3A_115] : memref<10240xf32, #tpu.memory_space<vmem>> -> memref<320xf32, #tpu.memory_space<vmem>>
    tpu.enqueue_dma source(%dma_start3A_125 : memref<320xf32, #tpu.memory_space<vmem>>) target(%dma_start3A_124 : memref<320xf32, #tpu.memory_space<vmem_shared>>) target_semaphore(%arg15 : memref<!tpu.dma_semaphore, #tpu.memory_space<semaphore_mem>>)
    %dma_start3A_126 = tpu.memref_slice %arg9[%add3A_115] : memref<10240xi32, #tpu.memory_space<vmem>> -> memref<320xi32, #tpu.memory_space<vmem>>
    %dma_start3A_127 = tpu.memref_slice %arg18[%mul3A_121] : memref<163840xi32, #tpu.memory_space<vmem_shared>> -> memref<320xi32, #tpu.memory_space<vmem_shared>>
    %dma_start3A_128 = tpu.memref_slice %arg18[%mul3A_121] : memref<163840xi32, #tpu.memory_space<vmem_shared>> -> memref<320xi32, #tpu.memory_space<vmem_shared>>
    %dma_start3A_129 = tpu.memref_slice %arg9[%add3A_115] : memref<10240xi32, #tpu.memory_space<vmem>> -> memref<320xi32, #tpu.memory_space<vmem>>
    tpu.enqueue_dma source(%dma_start3A_129 : memref<320xi32, #tpu.memory_space<vmem>>) target(%dma_start3A_128 : memref<320xi32, #tpu.memory_space<vmem_shared>>) target_semaphore(%arg15 : memref<!tpu.dma_semaphore, #tpu.memory_space<semaphore_mem>>)
    %add3A_130 = arith.constant 320 : i32
    %add3A_131 = arith.addi %mul3A_121, %add3A_130 : i32
    %dma_start3A_132 = tpu.memref_slice %arg10[%add3A_115] : memref<10240xf32, #tpu.memory_space<vmem>> -> memref<320xf32, #tpu.memory_space<vmem>>
    %dma_start3A_133 = tpu.memref_slice %arg17[%add3A_131] : memref<163840xf32, #tpu.memory_space<vmem_shared>> -> memref<320xf32, #tpu.memory_space<vmem_shared>>
    %dma_start3A_134 = tpu.memref_slice %arg17[%add3A_131] : memref<163840xf32, #tpu.memory_space<vmem_shared>> -> memref<320xf32, #tpu.memory_space<vmem_shared>>
    %dma_start3A_135 = tpu.memref_slice %arg10[%add3A_115] : memref<10240xf32, #tpu.memory_space<vmem>> -> memref<320xf32, #tpu.memory_space<vmem>>
    tpu.enqueue_dma source(%dma_start3A_135 : memref<320xf32, #tpu.memory_space<vmem>>) target(%dma_start3A_134 : memref<320xf32, #tpu.memory_space<vmem_shared>>) target_semaphore(%arg16 : memref<!tpu.dma_semaphore, #tpu.memory_space<semaphore_mem>>)
    %add3A_136 = arith.constant 320 : i32
    %add3A_137 = arith.addi %mul3A_121, %add3A_136 : i32
    %dma_start3A_138 = tpu.memref_slice %arg11[%add3A_115] : memref<10240xi32, #tpu.memory_space<vmem>> -> memref<320xi32, #tpu.memory_space<vmem>>
    %dma_start3A_139 = tpu.memref_slice %arg18[%add3A_137] : memref<163840xi32, #tpu.memory_space<vmem_shared>> -> memref<320xi32, #tpu.memory_space<vmem_shared>>
    %dma_start3A_140 = tpu.memref_slice %arg18[%add3A_137] : memref<163840xi32, #tpu.memory_space<vmem_shared>> -> memref<320xi32, #tpu.memory_space<vmem_shared>>
    %dma_start3A_141 = tpu.memref_slice %arg11[%add3A_115] : memref<10240xi32, #tpu.memory_space<vmem>> -> memref<320xi32, #tpu.memory_space<vmem>>
    tpu.enqueue_dma source(%dma_start3A_141 : memref<320xi32, #tpu.memory_space<vmem>>) target(%dma_start3A_140 : memref<320xi32, #tpu.memory_space<vmem_shared>>) target_semaphore(%arg16 : memref<!tpu.dma_semaphore, #tpu.memory_space<semaphore_mem>>)
    %add3A_142 = arith.constant 960 : i32
    %add3A_143 = arith.addi %mul3A_0, %add3A_142 : i32
    %mul3A_144 = arith.constant 2 : i32
    %mul3A_145 = arith.muli %mul3A_144, %arg1 : i32
    %add3A_146 = arith.constant 96 : i32
    %add3A_147 = arith.addi %add3A_146, %mul3A_145 : i32
    %mul3A_148 = arith.constant 320 : i32
    %mul3A_149 = arith.muli %add3A_147, %mul3A_148 : i32
    %dma_start3A_150 = tpu.memref_slice %arg8[%add3A_143] : memref<10240xf32, #tpu.memory_space<vmem>> -> memref<320xf32, #tpu.memory_space<vmem>>
    %dma_start3A_151 = tpu.memref_slice %arg17[%mul3A_149] : memref<163840xf32, #tpu.memory_space<vmem_shared>> -> memref<320xf32, #tpu.memory_space<vmem_shared>>
    %dma_start3A_152 = tpu.memref_slice %arg17[%mul3A_149] : memref<163840xf32, #tpu.memory_space<vmem_shared>> -> memref<320xf32, #tpu.memory_space<vmem_shared>>
    %dma_start3A_153 = tpu.memref_slice %arg8[%add3A_143] : memref<10240xf32, #tpu.memory_space<vmem>> -> memref<320xf32, #tpu.memory_space<vmem>>
    tpu.enqueue_dma source(%dma_start3A_153 : memref<320xf32, #tpu.memory_space<vmem>>) target(%dma_start3A_152 : memref<320xf32, #tpu.memory_space<vmem_shared>>) target_semaphore(%arg15 : memref<!tpu.dma_semaphore, #tpu.memory_space<semaphore_mem>>)
    %dma_start3A_154 = tpu.memref_slice %arg9[%add3A_143] : memref<10240xi32, #tpu.memory_space<vmem>> -> memref<320xi32, #tpu.memory_space<vmem>>
    %dma_start3A_155 = tpu.memref_slice %arg18[%mul3A_149] : memref<163840xi32, #tpu.memory_space<vmem_shared>> -> memref<320xi32, #tpu.memory_space<vmem_shared>>
    %dma_start3A_156 = tpu.memref_slice %arg18[%mul3A_149] : memref<163840xi32, #tpu.memory_space<vmem_shared>> -> memref<320xi32, #tpu.memory_space<vmem_shared>>
    %dma_start3A_157 = tpu.memref_slice %arg9[%add3A_143] : memref<10240xi32, #tpu.memory_space<vmem>> -> memref<320xi32, #tpu.memory_space<vmem>>
    tpu.enqueue_dma source(%dma_start3A_157 : memref<320xi32, #tpu.memory_space<vmem>>) target(%dma_start3A_156 : memref<320xi32, #tpu.memory_space<vmem_shared>>) target_semaphore(%arg15 : memref<!tpu.dma_semaphore, #tpu.memory_space<semaphore_mem>>)
    %add3A_158 = arith.constant 320 : i32
    %add3A_159 = arith.addi %mul3A_149, %add3A_158 : i32
    %dma_start3A_160 = tpu.memref_slice %arg10[%add3A_143] : memref<10240xf32, #tpu.memory_space<vmem>> -> memref<320xf32, #tpu.memory_space<vmem>>
    %dma_start3A_161 = tpu.memref_slice %arg17[%add3A_159] : memref<163840xf32, #tpu.memory_space<vmem_shared>> -> memref<320xf32, #tpu.memory_space<vmem_shared>>
    %dma_start3A_162 = tpu.memref_slice %arg17[%add3A_159] : memref<163840xf32, #tpu.memory_space<vmem_shared>> -> memref<320xf32, #tpu.memory_space<vmem_shared>>
    %dma_start3A_163 = tpu.memref_slice %arg10[%add3A_143] : memref<10240xf32, #tpu.memory_space<vmem>> -> memref<320xf32, #tpu.memory_space<vmem>>
    tpu.enqueue_dma source(%dma_start3A_163 : memref<320xf32, #tpu.memory_space<vmem>>) target(%dma_start3A_162 : memref<320xf32, #tpu.memory_space<vmem_shared>>) target_semaphore(%arg16 : memref<!tpu.dma_semaphore, #tpu.memory_space<semaphore_mem>>)
    %add3A_164 = arith.constant 320 : i32
    %add3A_165 = arith.addi %mul3A_149, %add3A_164 : i32
    %dma_start3A_166 = tpu.memref_slice %arg11[%add3A_143] : memref<10240xi32, #tpu.memory_space<vmem>> -> memref<320xi32, #tpu.memory_space<vmem>>
    %dma_start3A_167 = tpu.memref_slice %arg18[%add3A_165] : memref<163840xi32, #tpu.memory_space<vmem_shared>> -> memref<320xi32, #tpu.memory_space<vmem_shared>>
    %dma_start3A_168 = tpu.memref_slice %arg18[%add3A_165] : memref<163840xi32, #tpu.memory_space<vmem_shared>> -> memref<320xi32, #tpu.memory_space<vmem_shared>>
    %dma_start3A_169 = tpu.memref_slice %arg11[%add3A_143] : memref<10240xi32, #tpu.memory_space<vmem>> -> memref<320xi32, #tpu.memory_space<vmem>>
    tpu.enqueue_dma source(%dma_start3A_169 : memref<320xi32, #tpu.memory_space<vmem>>) target(%dma_start3A_168 : memref<320xi32, #tpu.memory_space<vmem_shared>>) target_semaphore(%arg16 : memref<!tpu.dma_semaphore, #tpu.memory_space<semaphore_mem>>)
    %add3A_170 = arith.constant 1280 : i32
    %add3A_171 = arith.addi %mul3A_0, %add3A_170 : i32
    %mul3A_172 = arith.constant 2 : i32
    %mul3A_173 = arith.muli %mul3A_172, %arg1 : i32
    %add3A_174 = arith.constant 128 : i32
    %add3A_175 = arith.addi %add3A_174, %mul3A_173 : i32
    %mul3A_176 = arith.constant 320 : i32
    %mul3A_177 = arith.muli %add3A_175, %mul3A_176 : i32
    %dma_start3A_178 = tpu.memref_slice %arg8[%add3A_171] : memref<10240xf32, #tpu.memory_space<vmem>> -> memref<320xf32, #tpu.memory_space<vmem>>
    %dma_start3A_179 = tpu.memref_slice %arg17[%mul3A_177] : memref<163840xf32, #tpu.memory_space<vmem_shared>> -> memref<320xf32, #tpu.memory_space<vmem_shared>>
    %dma_start3A_180 = tpu.memref_slice %arg17[%mul3A_177] : memref<163840xf32, #tpu.memory_space<vmem_shared>> -> memref<320xf32, #tpu.memory_space<vmem_shared>>
    %dma_start3A_181 = tpu.memref_slice %arg8[%add3A_171] : memref<10240xf32, #tpu.memory_space<vmem>> -> memref<320xf32, #tpu.memory_space<vmem>>
    tpu.enqueue_dma source(%dma_start3A_181 : memref<320xf32, #tpu.memory_space<vmem>>) target(%dma_start3A_180 : memref<320xf32, #tpu.memory_space<vmem_shared>>) target_semaphore(%arg15 : memref<!tpu.dma_semaphore, #tpu.memory_space<semaphore_mem>>)
    %dma_start3A_182 = tpu.memref_slice %arg9[%add3A_171] : memref<10240xi32, #tpu.memory_space<vmem>> -> memref<320xi32, #tpu.memory_space<vmem>>
    %dma_start3A_183 = tpu.memref_slice %arg18[%mul3A_177] : memref<163840xi32, #tpu.memory_space<vmem_shared>> -> memref<320xi32, #tpu.memory_space<vmem_shared>>
    %dma_start3A_184 = tpu.memref_slice %arg18[%mul3A_177] : memref<163840xi32, #tpu.memory_space<vmem_shared>> -> memref<320xi32, #tpu.memory_space<vmem_shared>>
    %dma_start3A_185 = tpu.memref_slice %arg9[%add3A_171] : memref<10240xi32, #tpu.memory_space<vmem>> -> memref<320xi32, #tpu.memory_space<vmem>>
    tpu.enqueue_dma source(%dma_start3A_185 : memref<320xi32, #tpu.memory_space<vmem>>) target(%dma_start3A_184 : memref<320xi32, #tpu.memory_space<vmem_shared>>) target_semaphore(%arg15 : memref<!tpu.dma_semaphore, #tpu.memory_space<semaphore_mem>>)
    %add3A_186 = arith.constant 320 : i32
    %add3A_187 = arith.addi %mul3A_177, %add3A_186 : i32
    %dma_start3A_188 = tpu.memref_slice %arg10[%add3A_171] : memref<10240xf32, #tpu.memory_space<vmem>> -> memref<320xf32, #tpu.memory_space<vmem>>
    %dma_start3A_189 = tpu.memref_slice %arg17[%add3A_187] : memref<163840xf32, #tpu.memory_space<vmem_shared>> -> memref<320xf32, #tpu.memory_space<vmem_shared>>
    %dma_start3A_190 = tpu.memref_slice %arg17[%add3A_187] : memref<163840xf32, #tpu.memory_space<vmem_shared>> -> memref<320xf32, #tpu.memory_space<vmem_shared>>
    %dma_start3A_191 = tpu.memref_slice %arg10[%add3A_171] : memref<10240xf32, #tpu.memory_space<vmem>> -> memref<320xf32, #tpu.memory_space<vmem>>
    tpu.enqueue_dma source(%dma_start3A_191 : memref<320xf32, #tpu.memory_space<vmem>>) target(%dma_start3A_190 : memref<320xf32, #tpu.memory_space<vmem_shared>>) target_semaphore(%arg16 : memref<!tpu.dma_semaphore, #tpu.memory_space<semaphore_mem>>)
    %add3A_192 = arith.constant 320 : i32
    %add3A_193 = arith.addi %mul3A_177, %add3A_192 : i32
    %dma_start3A_194 = tpu.memref_slice %arg11[%add3A_171] : memref<10240xi32, #tpu.memory_space<vmem>> -> memref<320xi32, #tpu.memory_space<vmem>>
    %dma_start3A_195 = tpu.memref_slice %arg18[%add3A_193] : memref<163840xi32, #tpu.memory_space<vmem_shared>> -> memref<320xi32, #tpu.memory_space<vmem_shared>>
    %dma_start3A_196 = tpu.memref_slice %arg18[%add3A_193] : memref<163840xi32, #tpu.memory_space<vmem_shared>> -> memref<320xi32, #tpu.memory_space<vmem_shared>>
    %dma_start3A_197 = tpu.memref_slice %arg11[%add3A_171] : memref<10240xi32, #tpu.memory_space<vmem>> -> memref<320xi32, #tpu.memory_space<vmem>>
    tpu.enqueue_dma source(%dma_start3A_197 : memref<320xi32, #tpu.memory_space<vmem>>) target(%dma_start3A_196 : memref<320xi32, #tpu.memory_space<vmem_shared>>) target_semaphore(%arg16 : memref<!tpu.dma_semaphore, #tpu.memory_space<semaphore_mem>>)
    %add3A_198 = arith.constant 1600 : i32
    %add3A_199 = arith.addi %mul3A_0, %add3A_198 : i32
    %mul3A_200 = arith.constant 2 : i32
    %mul3A_201 = arith.muli %mul3A_200, %arg1 : i32
    %add3A_202 = arith.constant 160 : i32
    %add3A_203 = arith.addi %add3A_202, %mul3A_201 : i32
    %mul3A_204 = arith.constant 320 : i32
    %mul3A_205 = arith.muli %add3A_203, %mul3A_204 : i32
    %dma_start3A_206 = tpu.memref_slice %arg8[%add3A_199] : memref<10240xf32, #tpu.memory_space<vmem>> -> memref<320xf32, #tpu.memory_space<vmem>>
    %dma_start3A_207 = tpu.memref_slice %arg17[%mul3A_205] : memref<163840xf32, #tpu.memory_space<vmem_shared>> -> memref<320xf32, #tpu.memory_space<vmem_shared>>
    %dma_start3A_208 = tpu.memref_slice %arg17[%mul3A_205] : memref<163840xf32, #tpu.memory_space<vmem_shared>> -> memref<320xf32, #tpu.memory_space<vmem_shared>>
    %dma_start3A_209 = tpu.memref_slice %arg8[%add3A_199] : memref<10240xf32, #tpu.memory_space<vmem>> -> memref<320xf32, #tpu.memory_space<vmem>>
    tpu.enqueue_dma source(%dma_start3A_209 : memref<320xf32, #tpu.memory_space<vmem>>) target(%dma_start3A_208 : memref<320xf32, #tpu.memory_space<vmem_shared>>) target_semaphore(%arg15 : memref<!tpu.dma_semaphore, #tpu.memory_space<semaphore_mem>>)
    %dma_start3A_210 = tpu.memref_slice %arg9[%add3A_199] : memref<10240xi32, #tpu.memory_space<vmem>> -> memref<320xi32, #tpu.memory_space<vmem>>
    %dma_start3A_211 = tpu.memref_slice %arg18[%mul3A_205] : memref<163840xi32, #tpu.memory_space<vmem_shared>> -> memref<320xi32, #tpu.memory_space<vmem_shared>>
    %dma_start3A_212 = tpu.memref_slice %arg18[%mul3A_205] : memref<163840xi32, #tpu.memory_space<vmem_shared>> -> memref<320xi32, #tpu.memory_space<vmem_shared>>
    %dma_start3A_213 = tpu.memref_slice %arg9[%add3A_199] : memref<10240xi32, #tpu.memory_space<vmem>> -> memref<320xi32, #tpu.memory_space<vmem>>
    tpu.enqueue_dma source(%dma_start3A_213 : memref<320xi32, #tpu.memory_space<vmem>>) target(%dma_start3A_212 : memref<320xi32, #tpu.memory_space<vmem_shared>>) target_semaphore(%arg15 : memref<!tpu.dma_semaphore, #tpu.memory_space<semaphore_mem>>)
    %add3A_214 = arith.constant 320 : i32
    %add3A_215 = arith.addi %mul3A_205, %add3A_214 : i32
    %dma_start3A_216 = tpu.memref_slice %arg10[%add3A_199] : memref<10240xf32, #tpu.memory_space<vmem>> -> memref<320xf32, #tpu.memory_space<vmem>>
    %dma_start3A_217 = tpu.memref_slice %arg17[%add3A_215] : memref<163840xf32, #tpu.memory_space<vmem_shared>> -> memref<320xf32, #tpu.memory_space<vmem_shared>>
    %dma_start3A_218 = tpu.memref_slice %arg17[%add3A_215] : memref<163840xf32, #tpu.memory_space<vmem_shared>> -> memref<320xf32, #tpu.memory_space<vmem_shared>>
    %dma_start3A_219 = tpu.memref_slice %arg10[%add3A_199] : memref<10240xf32, #tpu.memory_space<vmem>> -> memref<320xf32, #tpu.memory_space<vmem>>
    tpu.enqueue_dma source(%dma_start3A_219 : memref<320xf32, #tpu.memory_space<vmem>>) target(%dma_start3A_218 : memref<320xf32, #tpu.memory_space<vmem_shared>>) target_semaphore(%arg16 : memref<!tpu.dma_semaphore, #tpu.memory_space<semaphore_mem>>)
    %add3A_220 = arith.constant 320 : i32
    %add3A_221 = arith.addi %mul3A_205, %add3A_220 : i32
    %dma_start3A_222 = tpu.memref_slice %arg11[%add3A_199] : memref<10240xi32, #tpu.memory_space<vmem>> -> memref<320xi32, #tpu.memory_space<vmem>>
    %dma_start3A_223 = tpu.memref_slice %arg18[%add3A_221] : memref<163840xi32, #tpu.memory_space<vmem_shared>> -> memref<320xi32, #tpu.memory_space<vmem_shared>>
    %dma_start3A_224 = tpu.memref_slice %arg18[%add3A_221] : memref<163840xi32, #tpu.memory_space<vmem_shared>> -> memref<320xi32, #tpu.memory_space<vmem_shared>>
    %dma_start3A_225 = tpu.memref_slice %arg11[%add3A_199] : memref<10240xi32, #tpu.memory_space<vmem>> -> memref<320xi32, #tpu.memory_space<vmem>>
    tpu.enqueue_dma source(%dma_start3A_225 : memref<320xi32, #tpu.memory_space<vmem>>) target(%dma_start3A_224 : memref<320xi32, #tpu.memory_space<vmem_shared>>) target_semaphore(%arg16 : memref<!tpu.dma_semaphore, #tpu.memory_space<semaphore_mem>>)
    %add3A_226 = arith.constant 1920 : i32
    %add3A_227 = arith.addi %mul3A_0, %add3A_226 : i32
    %mul3A_228 = arith.constant 2 : i32
    %mul3A_229 = arith.muli %mul3A_228, %arg1 : i32
    %add3A_230 = arith.constant 192 : i32
    %add3A_231 = arith.addi %add3A_230, %mul3A_229 : i32
    %mul3A_232 = arith.constant 320 : i32
    %mul3A_233 = arith.muli %add3A_231, %mul3A_232 : i32
    %dma_start3A_234 = tpu.memref_slice %arg8[%add3A_227] : memref<10240xf32, #tpu.memory_space<vmem>> -> memref<320xf32, #tpu.memory_space<vmem>>
    %dma_start3A_235 = tpu.memref_slice %arg17[%mul3A_233] : memref<163840xf32, #tpu.memory_space<vmem_shared>> -> memref<320xf32, #tpu.memory_space<vmem_shared>>
    %dma_start3A_236 = tpu.memref_slice %arg17[%mul3A_233] : memref<163840xf32, #tpu.memory_space<vmem_shared>> -> memref<320xf32, #tpu.memory_space<vmem_shared>>
    %dma_start3A_237 = tpu.memref_slice %arg8[%add3A_227] : memref<10240xf32, #tpu.memory_space<vmem>> -> memref<320xf32, #tpu.memory_space<vmem>>
    tpu.enqueue_dma source(%dma_start3A_237 : memref<320xf32, #tpu.memory_space<vmem>>) target(%dma_start3A_236 : memref<320xf32, #tpu.memory_space<vmem_shared>>) target_semaphore(%arg15 : memref<!tpu.dma_semaphore, #tpu.memory_space<semaphore_mem>>)
    %dma_start3A_238 = tpu.memref_slice %arg9[%add3A_227] : memref<10240xi32, #tpu.memory_space<vmem>> -> memref<320xi32, #tpu.memory_space<vmem>>
    %dma_start3A_239 = tpu.memref_slice %arg18[%mul3A_233] : memref<163840xi32, #tpu.memory_space<vmem_shared>> -> memref<320xi32, #tpu.memory_space<vmem_shared>>
    %dma_start3A_240 = tpu.memref_slice %arg18[%mul3A_233] : memref<163840xi32, #tpu.memory_space<vmem_shared>> -> memref<320xi32, #tpu.memory_space<vmem_shared>>
    %dma_start3A_241 = tpu.memref_slice %arg9[%add3A_227] : memref<10240xi32, #tpu.memory_space<vmem>> -> memref<320xi32, #tpu.memory_space<vmem>>
    tpu.enqueue_dma source(%dma_start3A_241 : memref<320xi32, #tpu.memory_space<vmem>>) target(%dma_start3A_240 : memref<320xi32, #tpu.memory_space<vmem_shared>>) target_semaphore(%arg15 : memref<!tpu.dma_semaphore, #tpu.memory_space<semaphore_mem>>)
    %add3A_242 = arith.constant 320 : i32
    %add3A_243 = arith.addi %mul3A_233, %add3A_242 : i32
    %dma_start3A_244 = tpu.memref_slice %arg10[%add3A_227] : memref<10240xf32, #tpu.memory_space<vmem>> -> memref<320xf32, #tpu.memory_space<vmem>>
    %dma_start3A_245 = tpu.memref_slice %arg17[%add3A_243] : memref<163840xf32, #tpu.memory_space<vmem_shared>> -> memref<320xf32, #tpu.memory_space<vmem_shared>>
    %dma_start3A_246 = tpu.memref_slice %arg17[%add3A_243] : memref<163840xf32, #tpu.memory_space<vmem_shared>> -> memref<320xf32, #tpu.memory_space<vmem_shared>>
    %dma_start3A_247 = tpu.memref_slice %arg10[%add3A_227] : memref<10240xf32, #tpu.memory_space<vmem>> -> memref<320xf32, #tpu.memory_space<vmem>>
    tpu.enqueue_dma source(%dma_start3A_247 : memref<320xf32, #tpu.memory_space<vmem>>) target(%dma_start3A_246 : memref<320xf32, #tpu.memory_space<vmem_shared>>) target_semaphore(%arg16 : memref<!tpu.dma_semaphore, #tpu.memory_space<semaphore_mem>>)
    %add3A_248 = arith.constant 320 : i32
    %add3A_249 = arith.addi %mul3A_233, %add3A_248 : i32
    %dma_start3A_250 = tpu.memref_slice %arg11[%add3A_227] : memref<10240xi32, #tpu.memory_space<vmem>> -> memref<320xi32, #tpu.memory_space<vmem>>
    %dma_start3A_251 = tpu.memref_slice %arg18[%add3A_249] : memref<163840xi32, #tpu.memory_space<vmem_shared>> -> memref<320xi32, #tpu.memory_space<vmem_shared>>
    %dma_start3A_252 = tpu.memref_slice %arg18[%add3A_249] : memref<163840xi32, #tpu.memory_space<vmem_shared>> -> memref<320xi32, #tpu.memory_space<vmem_shared>>
    %dma_start3A_253 = tpu.memref_slice %arg11[%add3A_227] : memref<10240xi32, #tpu.memory_space<vmem>> -> memref<320xi32, #tpu.memory_space<vmem>>
    tpu.enqueue_dma source(%dma_start3A_253 : memref<320xi32, #tpu.memory_space<vmem>>) target(%dma_start3A_252 : memref<320xi32, #tpu.memory_space<vmem_shared>>) target_semaphore(%arg16 : memref<!tpu.dma_semaphore, #tpu.memory_space<semaphore_mem>>)
    %add3A_254 = arith.constant 2240 : i32
    %add3A_255 = arith.addi %mul3A_0, %add3A_254 : i32
    %mul3A_256 = arith.constant 2 : i32
    %mul3A_257 = arith.muli %mul3A_256, %arg1 : i32
    %add3A_258 = arith.constant 224 : i32
    %add3A_259 = arith.addi %add3A_258, %mul3A_257 : i32
    %mul3A_260 = arith.constant 320 : i32
    %mul3A_261 = arith.muli %add3A_259, %mul3A_260 : i32
    %dma_start3A_262 = tpu.memref_slice %arg8[%add3A_255] : memref<10240xf32, #tpu.memory_space<vmem>> -> memref<320xf32, #tpu.memory_space<vmem>>
    %dma_start3A_263 = tpu.memref_slice %arg17[%mul3A_261] : memref<163840xf32, #tpu.memory_space<vmem_shared>> -> memref<320xf32, #tpu.memory_space<vmem_shared>>
    %dma_start3A_264 = tpu.memref_slice %arg17[%mul3A_261] : memref<163840xf32, #tpu.memory_space<vmem_shared>> -> memref<320xf32, #tpu.memory_space<vmem_shared>>
    %dma_start3A_265 = tpu.memref_slice %arg8[%add3A_255] : memref<10240xf32, #tpu.memory_space<vmem>> -> memref<320xf32, #tpu.memory_space<vmem>>
    tpu.enqueue_dma source(%dma_start3A_265 : memref<320xf32, #tpu.memory_space<vmem>>) target(%dma_start3A_264 : memref<320xf32, #tpu.memory_space<vmem_shared>>) target_semaphore(%arg15 : memref<!tpu.dma_semaphore, #tpu.memory_space<semaphore_mem>>)
    %dma_start3A_266 = tpu.memref_slice %arg9[%add3A_255] : memref<10240xi32, #tpu.memory_space<vmem>> -> memref<320xi32, #tpu.memory_space<vmem>>
    %dma_start3A_267 = tpu.memref_slice %arg18[%mul3A_261] : memref<163840xi32, #tpu.memory_space<vmem_shared>> -> memref<320xi32, #tpu.memory_space<vmem_shared>>
    %dma_start3A_268 = tpu.memref_slice %arg18[%mul3A_261] : memref<163840xi32, #tpu.memory_space<vmem_shared>> -> memref<320xi32, #tpu.memory_space<vmem_shared>>
    %dma_start3A_269 = tpu.memref_slice %arg9[%add3A_255] : memref<10240xi32, #tpu.memory_space<vmem>> -> memref<320xi32, #tpu.memory_space<vmem>>
    tpu.enqueue_dma source(%dma_start3A_269 : memref<320xi32, #tpu.memory_space<vmem>>) target(%dma_start3A_268 : memref<320xi32, #tpu.memory_space<vmem_shared>>) target_semaphore(%arg15 : memref<!tpu.dma_semaphore, #tpu.memory_space<semaphore_mem>>)
    %add3A_270 = arith.constant 320 : i32
    %add3A_271 = arith.addi %mul3A_261, %add3A_270 : i32
    %dma_start3A_272 = tpu.memref_slice %arg10[%add3A_255] : memref<10240xf32, #tpu.memory_space<vmem>> -> memref<320xf32, #tpu.memory_space<vmem>>
    %dma_start3A_273 = tpu.memref_slice %arg17[%add3A_271] : memref<163840xf32, #tpu.memory_space<vmem_shared>> -> memref<320xf32, #tpu.memory_space<vmem_shared>>
    %dma_start3A_274 = tpu.memref_slice %arg17[%add3A_271] : memref<163840xf32, #tpu.memory_space<vmem_shared>> -> memref<320xf32, #tpu.memory_space<vmem_shared>>
    %dma_start3A_275 = tpu.memref_slice %arg10[%add3A_255] : memref<10240xf32, #tpu.memory_space<vmem>> -> memref<320xf32, #tpu.memory_space<vmem>>
    tpu.enqueue_dma source(%dma_start3A_275 : memref<320xf32, #tpu.memory_space<vmem>>) target(%dma_start3A_274 : memref<320xf32, #tpu.memory_space<vmem_shared>>) target_semaphore(%arg16 : memref<!tpu.dma_semaphore, #tpu.memory_space<semaphore_mem>>)
    %add3A_276 = arith.constant 320 : i32
    %add3A_277 = arith.addi %mul3A_261, %add3A_276 : i32
    %dma_start3A_278 = tpu.memref_slice %arg11[%add3A_255] : memref<10240xi32, #tpu.memory_space<vmem>> -> memref<320xi32, #tpu.memory_space<vmem>>
    %dma_start3A_279 = tpu.memref_slice %arg18[%add3A_277] : memref<163840xi32, #tpu.memory_space<vmem_shared>> -> memref<320xi32, #tpu.memory_space<vmem_shared>>
    %dma_start3A_280 = tpu.memref_slice %arg18[%add3A_277] : memref<163840xi32, #tpu.memory_space<vmem_shared>> -> memref<320xi32, #tpu.memory_space<vmem_shared>>
    %dma_start3A_281 = tpu.memref_slice %arg11[%add3A_255] : memref<10240xi32, #tpu.memory_space<vmem>> -> memref<320xi32, #tpu.memory_space<vmem>>
    tpu.enqueue_dma source(%dma_start3A_281 : memref<320xi32, #tpu.memory_space<vmem>>) target(%dma_start3A_280 : memref<320xi32, #tpu.memory_space<vmem_shared>>) target_semaphore(%arg16 : memref<!tpu.dma_semaphore, #tpu.memory_space<semaphore_mem>>)
    %add3A_282 = arith.constant 2560 : i32
    %add3A_283 = arith.addi %mul3A_0, %add3A_282 : i32
    %mul3A_284 = arith.constant 2 : i32
    %mul3A_285 = arith.muli %mul3A_284, %arg1 : i32
    %add3A_286 = arith.constant 256 : i32
    %add3A_287 = arith.addi %add3A_286, %mul3A_285 : i32
    %mul3A_288 = arith.constant 320 : i32
    %mul3A_289 = arith.muli %add3A_287, %mul3A_288 : i32
    %dma_start3A_290 = tpu.memref_slice %arg8[%add3A_283] : memref<10240xf32, #tpu.memory_space<vmem>> -> memref<320xf32, #tpu.memory_space<vmem>>
    %dma_start3A_291 = tpu.memref_slice %arg17[%mul3A_289] : memref<163840xf32, #tpu.memory_space<vmem_shared>> -> memref<320xf32, #tpu.memory_space<vmem_shared>>
    %dma_start3A_292 = tpu.memref_slice %arg17[%mul3A_289] : memref<163840xf32, #tpu.memory_space<vmem_shared>> -> memref<320xf32, #tpu.memory_space<vmem_shared>>
    %dma_start3A_293 = tpu.memref_slice %arg8[%add3A_283] : memref<10240xf32, #tpu.memory_space<vmem>> -> memref<320xf32, #tpu.memory_space<vmem>>
    tpu.enqueue_dma source(%dma_start3A_293 : memref<320xf32, #tpu.memory_space<vmem>>) target(%dma_start3A_292 : memref<320xf32, #tpu.memory_space<vmem_shared>>) target_semaphore(%arg15 : memref<!tpu.dma_semaphore, #tpu.memory_space<semaphore_mem>>)
    %dma_start3A_294 = tpu.memref_slice %arg9[%add3A_283] : memref<10240xi32, #tpu.memory_space<vmem>> -> memref<320xi32, #tpu.memory_space<vmem>>
    %dma_start3A_295 = tpu.memref_slice %arg18[%mul3A_289] : memref<163840xi32, #tpu.memory_space<vmem_shared>> -> memref<320xi32, #tpu.memory_space<vmem_shared>>
    %dma_start3A_296 = tpu.memref_slice %arg18[%mul3A_289] : memref<163840xi32, #tpu.memory_space<vmem_shared>> -> memref<320xi32, #tpu.memory_space<vmem_shared>>
    %dma_start3A_297 = tpu.memref_slice %arg9[%add3A_283] : memref<10240xi32, #tpu.memory_space<vmem>> -> memref<320xi32, #tpu.memory_space<vmem>>
    tpu.enqueue_dma source(%dma_start3A_297 : memref<320xi32, #tpu.memory_space<vmem>>) target(%dma_start3A_296 : memref<320xi32, #tpu.memory_space<vmem_shared>>) target_semaphore(%arg15 : memref<!tpu.dma_semaphore, #tpu.memory_space<semaphore_mem>>)
    %add3A_298 = arith.constant 320 : i32
    %add3A_299 = arith.addi %mul3A_289, %add3A_298 : i32
    %dma_start3A_300 = tpu.memref_slice %arg10[%add3A_283] : memref<10240xf32, #tpu.memory_space<vmem>> -> memref<320xf32, #tpu.memory_space<vmem>>
    %dma_start3A_301 = tpu.memref_slice %arg17[%add3A_299] : memref<163840xf32, #tpu.memory_space<vmem_shared>> -> memref<320xf32, #tpu.memory_space<vmem_shared>>
    %dma_start3A_302 = tpu.memref_slice %arg17[%add3A_299] : memref<163840xf32, #tpu.memory_space<vmem_shared>> -> memref<320xf32, #tpu.memory_space<vmem_shared>>
    %dma_start3A_303 = tpu.memref_slice %arg10[%add3A_283] : memref<10240xf32, #tpu.memory_space<vmem>> -> memref<320xf32, #tpu.memory_space<vmem>>
    tpu.enqueue_dma source(%dma_start3A_303 : memref<320xf32, #tpu.memory_space<vmem>>) target(%dma_start3A_302 : memref<320xf32, #tpu.memory_space<vmem_shared>>) target_semaphore(%arg16 : memref<!tpu.dma_semaphore, #tpu.memory_space<semaphore_mem>>)
    %add3A_304 = arith.constant 320 : i32
    %add3A_305 = arith.addi %mul3A_289, %add3A_304 : i32
    %dma_start3A_306 = tpu.memref_slice %arg11[%add3A_283] : memref<10240xi32, #tpu.memory_space<vmem>> -> memref<320xi32, #tpu.memory_space<vmem>>
    %dma_start3A_307 = tpu.memref_slice %arg18[%add3A_305] : memref<163840xi32, #tpu.memory_space<vmem_shared>> -> memref<320xi32, #tpu.memory_space<vmem_shared>>
    %dma_start3A_308 = tpu.memref_slice %arg18[%add3A_305] : memref<163840xi32, #tpu.memory_space<vmem_shared>> -> memref<320xi32, #tpu.memory_space<vmem_shared>>
    %dma_start3A_309 = tpu.memref_slice %arg11[%add3A_283] : memref<10240xi32, #tpu.memory_space<vmem>> -> memref<320xi32, #tpu.memory_space<vmem>>
    tpu.enqueue_dma source(%dma_start3A_309 : memref<320xi32, #tpu.memory_space<vmem>>) target(%dma_start3A_308 : memref<320xi32, #tpu.memory_space<vmem_shared>>) target_semaphore(%arg16 : memref<!tpu.dma_semaphore, #tpu.memory_space<semaphore_mem>>)
    %add3A_310 = arith.constant 2880 : i32
    %add3A_311 = arith.addi %mul3A_0, %add3A_310 : i32
    %mul3A_312 = arith.constant 2 : i32
    %mul3A_313 = arith.muli %mul3A_312, %arg1 : i32
    %add3A_314 = arith.constant 288 : i32
    %add3A_315 = arith.addi %add3A_314, %mul3A_313 : i32
    %mul3A_316 = arith.constant 320 : i32
    %mul3A_317 = arith.muli %add3A_315, %mul3A_316 : i32
    %dma_start3A_318 = tpu.memref_slice %arg8[%add3A_311] : memref<10240xf32, #tpu.memory_space<vmem>> -> memref<320xf32, #tpu.memory_space<vmem>>
    %dma_start3A_319 = tpu.memref_slice %arg17[%mul3A_317] : memref<163840xf32, #tpu.memory_space<vmem_shared>> -> memref<320xf32, #tpu.memory_space<vmem_shared>>
    %dma_start3A_320 = tpu.memref_slice %arg17[%mul3A_317] : memref<163840xf32, #tpu.memory_space<vmem_shared>> -> memref<320xf32, #tpu.memory_space<vmem_shared>>
    %dma_start3A_321 = tpu.memref_slice %arg8[%add3A_311] : memref<10240xf32, #tpu.memory_space<vmem>> -> memref<320xf32, #tpu.memory_space<vmem>>
    tpu.enqueue_dma source(%dma_start3A_321 : memref<320xf32, #tpu.memory_space<vmem>>) target(%dma_start3A_320 : memref<320xf32, #tpu.memory_space<vmem_shared>>) target_semaphore(%arg15 : memref<!tpu.dma_semaphore, #tpu.memory_space<semaphore_mem>>)
    %dma_start3A_322 = tpu.memref_slice %arg9[%add3A_311] : memref<10240xi32, #tpu.memory_space<vmem>> -> memref<320xi32, #tpu.memory_space<vmem>>
    %dma_start3A_323 = tpu.memref_slice %arg18[%mul3A_317] : memref<163840xi32, #tpu.memory_space<vmem_shared>> -> memref<320xi32, #tpu.memory_space<vmem_shared>>
    %dma_start3A_324 = tpu.memref_slice %arg18[%mul3A_317] : memref<163840xi32, #tpu.memory_space<vmem_shared>> -> memref<320xi32, #tpu.memory_space<vmem_shared>>
    %dma_start3A_325 = tpu.memref_slice %arg9[%add3A_311] : memref<10240xi32, #tpu.memory_space<vmem>> -> memref<320xi32, #tpu.memory_space<vmem>>
    tpu.enqueue_dma source(%dma_start3A_325 : memref<320xi32, #tpu.memory_space<vmem>>) target(%dma_start3A_324 : memref<320xi32, #tpu.memory_space<vmem_shared>>) target_semaphore(%arg15 : memref<!tpu.dma_semaphore, #tpu.memory_space<semaphore_mem>>)
    %add3A_326 = arith.constant 320 : i32
    %add3A_327 = arith.addi %mul3A_317, %add3A_326 : i32
    %dma_start3A_328 = tpu.memref_slice %arg10[%add3A_311] : memref<10240xf32, #tpu.memory_space<vmem>> -> memref<320xf32, #tpu.memory_space<vmem>>
    %dma_start3A_329 = tpu.memref_slice %arg17[%add3A_327] : memref<163840xf32, #tpu.memory_space<vmem_shared>> -> memref<320xf32, #tpu.memory_space<vmem_shared>>
    %dma_start3A_330 = tpu.memref_slice %arg17[%add3A_327] : memref<163840xf32, #tpu.memory_space<vmem_shared>> -> memref<320xf32, #tpu.memory_space<vmem_shared>>
    %dma_start3A_331 = tpu.memref_slice %arg10[%add3A_311] : memref<10240xf32, #tpu.memory_space<vmem>> -> memref<320xf32, #tpu.memory_space<vmem>>
    tpu.enqueue_dma source(%dma_start3A_331 : memref<320xf32, #tpu.memory_space<vmem>>) target(%dma_start3A_330 : memref<320xf32, #tpu.memory_space<vmem_shared>>) target_semaphore(%arg16 : memref<!tpu.dma_semaphore, #tpu.memory_space<semaphore_mem>>)
    %add3A_332 = arith.constant 320 : i32
    %add3A_333 = arith.addi %mul3A_317, %add3A_332 : i32
    %dma_start3A_334 = tpu.memref_slice %arg11[%add3A_311] : memref<10240xi32, #tpu.memory_space<vmem>> -> memref<320xi32, #tpu.memory_space<vmem>>
    %dma_start3A_335 = tpu.memref_slice %arg18[%add3A_333] : memref<163840xi32, #tpu.memory_space<vmem_shared>> -> memref<320xi32, #tpu.memory_space<vmem_shared>>
    %dma_start3A_336 = tpu.memref_slice %arg18[%add3A_333] : memref<163840xi32, #tpu.memory_space<vmem_shared>> -> memref<320xi32, #tpu.memory_space<vmem_shared>>
    %dma_start3A_337 = tpu.memref_slice %arg11[%add3A_311] : memref<10240xi32, #tpu.memory_space<vmem>> -> memref<320xi32, #tpu.memory_space<vmem>>
    tpu.enqueue_dma source(%dma_start3A_337 : memref<320xi32, #tpu.memory_space<vmem>>) target(%dma_start3A_336 : memref<320xi32, #tpu.memory_space<vmem_shared>>) target_semaphore(%arg16 : memref<!tpu.dma_semaphore, #tpu.memory_space<semaphore_mem>>)
    %add3A_338 = arith.constant 3200 : i32
    %add3A_339 = arith.addi %mul3A_0, %add3A_338 : i32
    %mul3A_340 = arith.constant 2 : i32
    %mul3A_341 = arith.muli %mul3A_340, %arg1 : i32
    %add3A_342 = arith.constant 320 : i32
    %add3A_343 = arith.addi %add3A_342, %mul3A_341 : i32
    %mul3A_344 = arith.constant 320 : i32
    %mul3A_345 = arith.muli %add3A_343, %mul3A_344 : i32
    %dma_start3A_346 = tpu.memref_slice %arg8[%add3A_339] : memref<10240xf32, #tpu.memory_space<vmem>> -> memref<320xf32, #tpu.memory_space<vmem>>
    %dma_start3A_347 = tpu.memref_slice %arg17[%mul3A_345] : memref<163840xf32, #tpu.memory_space<vmem_shared>> -> memref<320xf32, #tpu.memory_space<vmem_shared>>
    %dma_start3A_348 = tpu.memref_slice %arg17[%mul3A_345] : memref<163840xf32, #tpu.memory_space<vmem_shared>> -> memref<320xf32, #tpu.memory_space<vmem_shared>>
    %dma_start3A_349 = tpu.memref_slice %arg8[%add3A_339] : memref<10240xf32, #tpu.memory_space<vmem>> -> memref<320xf32, #tpu.memory_space<vmem>>
    tpu.enqueue_dma source(%dma_start3A_349 : memref<320xf32, #tpu.memory_space<vmem>>) target(%dma_start3A_348 : memref<320xf32, #tpu.memory_space<vmem_shared>>) target_semaphore(%arg15 : memref<!tpu.dma_semaphore, #tpu.memory_space<semaphore_mem>>)
    %dma_start3A_350 = tpu.memref_slice %arg9[%add3A_339] : memref<10240xi32, #tpu.memory_space<vmem>> -> memref<320xi32, #tpu.memory_space<vmem>>
    %dma_start3A_351 = tpu.memref_slice %arg18[%mul3A_345] : memref<163840xi32, #tpu.memory_space<vmem_shared>> -> memref<320xi32, #tpu.memory_space<vmem_shared>>
    %dma_start3A_352 = tpu.memref_slice %arg18[%mul3A_345] : memref<163840xi32, #tpu.memory_space<vmem_shared>> -> memref<320xi32, #tpu.memory_space<vmem_shared>>
    %dma_start3A_353 = tpu.memref_slice %arg9[%add3A_339] : memref<10240xi32, #tpu.memory_space<vmem>> -> memref<320xi32, #tpu.memory_space<vmem>>
    tpu.enqueue_dma source(%dma_start3A_353 : memref<320xi32, #tpu.memory_space<vmem>>) target(%dma_start3A_352 : memref<320xi32, #tpu.memory_space<vmem_shared>>) target_semaphore(%arg15 : memref<!tpu.dma_semaphore, #tpu.memory_space<semaphore_mem>>)
    %add3A_354 = arith.constant 320 : i32
    %add3A_355 = arith.addi %mul3A_345, %add3A_354 : i32
    %dma_start3A_356 = tpu.memref_slice %arg10[%add3A_339] : memref<10240xf32, #tpu.memory_space<vmem>> -> memref<320xf32, #tpu.memory_space<vmem>>
    %dma_start3A_357 = tpu.memref_slice %arg17[%add3A_355] : memref<163840xf32, #tpu.memory_space<vmem_shared>> -> memref<320xf32, #tpu.memory_space<vmem_shared>>
    %dma_start3A_358 = tpu.memref_slice %arg17[%add3A_355] : memref<163840xf32, #tpu.memory_space<vmem_shared>> -> memref<320xf32, #tpu.memory_space<vmem_shared>>
    %dma_start3A_359 = tpu.memref_slice %arg10[%add3A_339] : memref<10240xf32, #tpu.memory_space<vmem>> -> memref<320xf32, #tpu.memory_space<vmem>>
    tpu.enqueue_dma source(%dma_start3A_359 : memref<320xf32, #tpu.memory_space<vmem>>) target(%dma_start3A_358 : memref<320xf32, #tpu.memory_space<vmem_shared>>) target_semaphore(%arg16 : memref<!tpu.dma_semaphore, #tpu.memory_space<semaphore_mem>>)
    %add3A_360 = arith.constant 320 : i32
    %add3A_361 = arith.addi %mul3A_345, %add3A_360 : i32
    %dma_start3A_362 = tpu.memref_slice %arg11[%add3A_339] : memref<10240xi32, #tpu.memory_space<vmem>> -> memref<320xi32, #tpu.memory_space<vmem>>
    %dma_start3A_363 = tpu.memref_slice %arg18[%add3A_361] : memref<163840xi32, #tpu.memory_space<vmem_shared>> -> memref<320xi32, #tpu.memory_space<vmem_shared>>
    %dma_start3A_364 = tpu.memref_slice %arg18[%add3A_361] : memref<163840xi32, #tpu.memory_space<vmem_shared>> -> memref<320xi32, #tpu.memory_space<vmem_shared>>
    %dma_start3A_365 = tpu.memref_slice %arg11[%add3A_339] : memref<10240xi32, #tpu.memory_space<vmem>> -> memref<320xi32, #tpu.memory_space<vmem>>
    tpu.enqueue_dma source(%dma_start3A_365 : memref<320xi32, #tpu.memory_space<vmem>>) target(%dma_start3A_364 : memref<320xi32, #tpu.memory_space<vmem_shared>>) target_semaphore(%arg16 : memref<!tpu.dma_semaphore, #tpu.memory_space<semaphore_mem>>)
    %add3A_366 = arith.constant 3520 : i32
    %add3A_367 = arith.addi %mul3A_0, %add3A_366 : i32
    %mul3A_368 = arith.constant 2 : i32
    %mul3A_369 = arith.muli %mul3A_368, %arg1 : i32
    %add3A_370 = arith.constant 352 : i32
    %add3A_371 = arith.addi %add3A_370, %mul3A_369 : i32
    %mul3A_372 = arith.constant 320 : i32
    %mul3A_373 = arith.muli %add3A_371, %mul3A_372 : i32
    %dma_start3A_374 = tpu.memref_slice %arg8[%add3A_367] : memref<10240xf32, #tpu.memory_space<vmem>> -> memref<320xf32, #tpu.memory_space<vmem>>
    %dma_start3A_375 = tpu.memref_slice %arg17[%mul3A_373] : memref<163840xf32, #tpu.memory_space<vmem_shared>> -> memref<320xf32, #tpu.memory_space<vmem_shared>>
    %dma_start3A_376 = tpu.memref_slice %arg17[%mul3A_373] : memref<163840xf32, #tpu.memory_space<vmem_shared>> -> memref<320xf32, #tpu.memory_space<vmem_shared>>
    %dma_start3A_377 = tpu.memref_slice %arg8[%add3A_367] : memref<10240xf32, #tpu.memory_space<vmem>> -> memref<320xf32, #tpu.memory_space<vmem>>
    tpu.enqueue_dma source(%dma_start3A_377 : memref<320xf32, #tpu.memory_space<vmem>>) target(%dma_start3A_376 : memref<320xf32, #tpu.memory_space<vmem_shared>>) target_semaphore(%arg15 : memref<!tpu.dma_semaphore, #tpu.memory_space<semaphore_mem>>)
    %dma_start3A_378 = tpu.memref_slice %arg9[%add3A_367] : memref<10240xi32, #tpu.memory_space<vmem>> -> memref<320xi32, #tpu.memory_space<vmem>>
    %dma_start3A_379 = tpu.memref_slice %arg18[%mul3A_373] : memref<163840xi32, #tpu.memory_space<vmem_shared>> -> memref<320xi32, #tpu.memory_space<vmem_shared>>
    %dma_start3A_380 = tpu.memref_slice %arg18[%mul3A_373] : memref<163840xi32, #tpu.memory_space<vmem_shared>> -> memref<320xi32, #tpu.memory_space<vmem_shared>>
    %dma_start3A_381 = tpu.memref_slice %arg9[%add3A_367] : memref<10240xi32, #tpu.memory_space<vmem>> -> memref<320xi32, #tpu.memory_space<vmem>>
    tpu.enqueue_dma source(%dma_start3A_381 : memref<320xi32, #tpu.memory_space<vmem>>) target(%dma_start3A_380 : memref<320xi32, #tpu.memory_space<vmem_shared>>) target_semaphore(%arg15 : memref<!tpu.dma_semaphore, #tpu.memory_space<semaphore_mem>>)
    %add3A_382 = arith.constant 320 : i32
    %add3A_383 = arith.addi %mul3A_373, %add3A_382 : i32
    %dma_start3A_384 = tpu.memref_slice %arg10[%add3A_367] : memref<10240xf32, #tpu.memory_space<vmem>> -> memref<320xf32, #tpu.memory_space<vmem>>
    %dma_start3A_385 = tpu.memref_slice %arg17[%add3A_383] : memref<163840xf32, #tpu.memory_space<vmem_shared>> -> memref<320xf32, #tpu.memory_space<vmem_shared>>
    %dma_start3A_386 = tpu.memref_slice %arg17[%add3A_383] : memref<163840xf32, #tpu.memory_space<vmem_shared>> -> memref<320xf32, #tpu.memory_space<vmem_shared>>
    %dma_start3A_387 = tpu.memref_slice %arg10[%add3A_367] : memref<10240xf32, #tpu.memory_space<vmem>> -> memref<320xf32, #tpu.memory_space<vmem>>
    tpu.enqueue_dma source(%dma_start3A_387 : memref<320xf32, #tpu.memory_space<vmem>>) target(%dma_start3A_386 : memref<320xf32, #tpu.memory_space<vmem_shared>>) target_semaphore(%arg16 : memref<!tpu.dma_semaphore, #tpu.memory_space<semaphore_mem>>)
    %add3A_388 = arith.constant 320 : i32
    %add3A_389 = arith.addi %mul3A_373, %add3A_388 : i32
    %dma_start3A_390 = tpu.memref_slice %arg11[%add3A_367] : memref<10240xi32, #tpu.memory_space<vmem>> -> memref<320xi32, #tpu.memory_space<vmem>>
    %dma_start3A_391 = tpu.memref_slice %arg18[%add3A_389] : memref<163840xi32, #tpu.memory_space<vmem_shared>> -> memref<320xi32, #tpu.memory_space<vmem_shared>>
    %dma_start3A_392 = tpu.memref_slice %arg18[%add3A_389] : memref<163840xi32, #tpu.memory_space<vmem_shared>> -> memref<320xi32, #tpu.memory_space<vmem_shared>>
    %dma_start3A_393 = tpu.memref_slice %arg11[%add3A_367] : memref<10240xi32, #tpu.memory_space<vmem>> -> memref<320xi32, #tpu.memory_space<vmem>>
    tpu.enqueue_dma source(%dma_start3A_393 : memref<320xi32, #tpu.memory_space<vmem>>) target(%dma_start3A_392 : memref<320xi32, #tpu.memory_space<vmem_shared>>) target_semaphore(%arg16 : memref<!tpu.dma_semaphore, #tpu.memory_space<semaphore_mem>>)
    %add3A_394 = arith.constant 3840 : i32
    %add3A_395 = arith.addi %mul3A_0, %add3A_394 : i32
    %mul3A_396 = arith.constant 2 : i32
    %mul3A_397 = arith.muli %mul3A_396, %arg1 : i32
    %add3A_398 = arith.constant 384 : i32
    %add3A_399 = arith.addi %add3A_398, %mul3A_397 : i32
    %mul3A_400 = arith.constant 320 : i32
    %mul3A_401 = arith.muli %add3A_399, %mul3A_400 : i32
    %dma_start3A_402 = tpu.memref_slice %arg8[%add3A_395] : memref<10240xf32, #tpu.memory_space<vmem>> -> memref<320xf32, #tpu.memory_space<vmem>>
    %dma_start3A_403 = tpu.memref_slice %arg17[%mul3A_401] : memref<163840xf32, #tpu.memory_space<vmem_shared>> -> memref<320xf32, #tpu.memory_space<vmem_shared>>
    %dma_start3A_404 = tpu.memref_slice %arg17[%mul3A_401] : memref<163840xf32, #tpu.memory_space<vmem_shared>> -> memref<320xf32, #tpu.memory_space<vmem_shared>>
    %dma_start3A_405 = tpu.memref_slice %arg8[%add3A_395] : memref<10240xf32, #tpu.memory_space<vmem>> -> memref<320xf32, #tpu.memory_space<vmem>>
    tpu.enqueue_dma source(%dma_start3A_405 : memref<320xf32, #tpu.memory_space<vmem>>) target(%dma_start3A_404 : memref<320xf32, #tpu.memory_space<vmem_shared>>) target_semaphore(%arg15 : memref<!tpu.dma_semaphore, #tpu.memory_space<semaphore_mem>>)
    %dma_start3A_406 = tpu.memref_slice %arg9[%add3A_395] : memref<10240xi32, #tpu.memory_space<vmem>> -> memref<320xi32, #tpu.memory_space<vmem>>
    %dma_start3A_407 = tpu.memref_slice %arg18[%mul3A_401] : memref<163840xi32, #tpu.memory_space<vmem_shared>> -> memref<320xi32, #tpu.memory_space<vmem_shared>>
    %dma_start3A_408 = tpu.memref_slice %arg18[%mul3A_401] : memref<163840xi32, #tpu.memory_space<vmem_shared>> -> memref<320xi32, #tpu.memory_space<vmem_shared>>
    %dma_start3A_409 = tpu.memref_slice %arg9[%add3A_395] : memref<10240xi32, #tpu.memory_space<vmem>> -> memref<320xi32, #tpu.memory_space<vmem>>
    tpu.enqueue_dma source(%dma_start3A_409 : memref<320xi32, #tpu.memory_space<vmem>>) target(%dma_start3A_408 : memref<320xi32, #tpu.memory_space<vmem_shared>>) target_semaphore(%arg15 : memref<!tpu.dma_semaphore, #tpu.memory_space<semaphore_mem>>)
    %add3A_410 = arith.constant 320 : i32
    %add3A_411 = arith.addi %mul3A_401, %add3A_410 : i32
    %dma_start3A_412 = tpu.memref_slice %arg10[%add3A_395] : memref<10240xf32, #tpu.memory_space<vmem>> -> memref<320xf32, #tpu.memory_space<vmem>>
    %dma_start3A_413 = tpu.memref_slice %arg17[%add3A_411] : memref<163840xf32, #tpu.memory_space<vmem_shared>> -> memref<320xf32, #tpu.memory_space<vmem_shared>>
    %dma_start3A_414 = tpu.memref_slice %arg17[%add3A_411] : memref<163840xf32, #tpu.memory_space<vmem_shared>> -> memref<320xf32, #tpu.memory_space<vmem_shared>>
    %dma_start3A_415 = tpu.memref_slice %arg10[%add3A_395] : memref<10240xf32, #tpu.memory_space<vmem>> -> memref<320xf32, #tpu.memory_space<vmem>>
    tpu.enqueue_dma source(%dma_start3A_415 : memref<320xf32, #tpu.memory_space<vmem>>) target(%dma_start3A_414 : memref<320xf32, #tpu.memory_space<vmem_shared>>) target_semaphore(%arg16 : memref<!tpu.dma_semaphore, #tpu.memory_space<semaphore_mem>>)
    %add3A_416 = arith.constant 320 : i32
    %add3A_417 = arith.addi %mul3A_401, %add3A_416 : i32
    %dma_start3A_418 = tpu.memref_slice %arg11[%add3A_395] : memref<10240xi32, #tpu.memory_space<vmem>> -> memref<320xi32, #tpu.memory_space<vmem>>
    %dma_start3A_419 = tpu.memref_slice %arg18[%add3A_417] : memref<163840xi32, #tpu.memory_space<vmem_shared>> -> memref<320xi32, #tpu.memory_space<vmem_shared>>
    %dma_start3A_420 = tpu.memref_slice %arg18[%add3A_417] : memref<163840xi32, #tpu.memory_space<vmem_shared>> -> memref<320xi32, #tpu.memory_space<vmem_shared>>
    %dma_start3A_421 = tpu.memref_slice %arg11[%add3A_395] : memref<10240xi32, #tpu.memory_space<vmem>> -> memref<320xi32, #tpu.memory_space<vmem>>
    tpu.enqueue_dma source(%dma_start3A_421 : memref<320xi32, #tpu.memory_space<vmem>>) target(%dma_start3A_420 : memref<320xi32, #tpu.memory_space<vmem_shared>>) target_semaphore(%arg16 : memref<!tpu.dma_semaphore, #tpu.memory_space<semaphore_mem>>)
    %add3A_422 = arith.constant 4160 : i32
    %add3A_423 = arith.addi %mul3A_0, %add3A_422 : i32
    %mul3A_424 = arith.constant 2 : i32
    %mul3A_425 = arith.muli %mul3A_424, %arg1 : i32
    %add3A_426 = arith.constant 416 : i32
    %add3A_427 = arith.addi %add3A_426, %mul3A_425 : i32
    %mul3A_428 = arith.constant 320 : i32
    %mul3A_429 = arith.muli %add3A_427, %mul3A_428 : i32
    %dma_start3A_430 = tpu.memref_slice %arg8[%add3A_423] : memref<10240xf32, #tpu.memory_space<vmem>> -> memref<320xf32, #tpu.memory_space<vmem>>
    %dma_start3A_431 = tpu.memref_slice %arg17[%mul3A_429] : memref<163840xf32, #tpu.memory_space<vmem_shared>> -> memref<320xf32, #tpu.memory_space<vmem_shared>>
    %dma_start3A_432 = tpu.memref_slice %arg17[%mul3A_429] : memref<163840xf32, #tpu.memory_space<vmem_shared>> -> memref<320xf32, #tpu.memory_space<vmem_shared>>
    %dma_start3A_433 = tpu.memref_slice %arg8[%add3A_423] : memref<10240xf32, #tpu.memory_space<vmem>> -> memref<320xf32, #tpu.memory_space<vmem>>
    tpu.enqueue_dma source(%dma_start3A_433 : memref<320xf32, #tpu.memory_space<vmem>>) target(%dma_start3A_432 : memref<320xf32, #tpu.memory_space<vmem_shared>>) target_semaphore(%arg15 : memref<!tpu.dma_semaphore, #tpu.memory_space<semaphore_mem>>)
    %dma_start3A_434 = tpu.memref_slice %arg9[%add3A_423] : memref<10240xi32, #tpu.memory_space<vmem>> -> memref<320xi32, #tpu.memory_space<vmem>>
    %dma_start3A_435 = tpu.memref_slice %arg18[%mul3A_429] : memref<163840xi32, #tpu.memory_space<vmem_shared>> -> memref<320xi32, #tpu.memory_space<vmem_shared>>
    %dma_start3A_436 = tpu.memref_slice %arg18[%mul3A_429] : memref<163840xi32, #tpu.memory_space<vmem_shared>> -> memref<320xi32, #tpu.memory_space<vmem_shared>>
    %dma_start3A_437 = tpu.memref_slice %arg9[%add3A_423] : memref<10240xi32, #tpu.memory_space<vmem>> -> memref<320xi32, #tpu.memory_space<vmem>>
    tpu.enqueue_dma source(%dma_start3A_437 : memref<320xi32, #tpu.memory_space<vmem>>) target(%dma_start3A_436 : memref<320xi32, #tpu.memory_space<vmem_shared>>) target_semaphore(%arg15 : memref<!tpu.dma_semaphore, #tpu.memory_space<semaphore_mem>>)
    %add3A_438 = arith.constant 320 : i32
    %add3A_439 = arith.addi %mul3A_429, %add3A_438 : i32
    %dma_start3A_440 = tpu.memref_slice %arg10[%add3A_423] : memref<10240xf32, #tpu.memory_space<vmem>> -> memref<320xf32, #tpu.memory_space<vmem>>
    %dma_start3A_441 = tpu.memref_slice %arg17[%add3A_439] : memref<163840xf32, #tpu.memory_space<vmem_shared>> -> memref<320xf32, #tpu.memory_space<vmem_shared>>
    %dma_start3A_442 = tpu.memref_slice %arg17[%add3A_439] : memref<163840xf32, #tpu.memory_space<vmem_shared>> -> memref<320xf32, #tpu.memory_space<vmem_shared>>
    %dma_start3A_443 = tpu.memref_slice %arg10[%add3A_423] : memref<10240xf32, #tpu.memory_space<vmem>> -> memref<320xf32, #tpu.memory_space<vmem>>
    tpu.enqueue_dma source(%dma_start3A_443 : memref<320xf32, #tpu.memory_space<vmem>>) target(%dma_start3A_442 : memref<320xf32, #tpu.memory_space<vmem_shared>>) target_semaphore(%arg16 : memref<!tpu.dma_semaphore, #tpu.memory_space<semaphore_mem>>)
    %add3A_444 = arith.constant 320 : i32
    %add3A_445 = arith.addi %mul3A_429, %add3A_444 : i32
    %dma_start3A_446 = tpu.memref_slice %arg11[%add3A_423] : memref<10240xi32, #tpu.memory_space<vmem>> -> memref<320xi32, #tpu.memory_space<vmem>>
    %dma_start3A_447 = tpu.memref_slice %arg18[%add3A_445] : memref<163840xi32, #tpu.memory_space<vmem_shared>> -> memref<320xi32, #tpu.memory_space<vmem_shared>>
    %dma_start3A_448 = tpu.memref_slice %arg18[%add3A_445] : memref<163840xi32, #tpu.memory_space<vmem_shared>> -> memref<320xi32, #tpu.memory_space<vmem_shared>>
    %dma_start3A_449 = tpu.memref_slice %arg11[%add3A_423] : memref<10240xi32, #tpu.memory_space<vmem>> -> memref<320xi32, #tpu.memory_space<vmem>>
    tpu.enqueue_dma source(%dma_start3A_449 : memref<320xi32, #tpu.memory_space<vmem>>) target(%dma_start3A_448 : memref<320xi32, #tpu.memory_space<vmem_shared>>) target_semaphore(%arg16 : memref<!tpu.dma_semaphore, #tpu.memory_space<semaphore_mem>>)
    %add3A_450 = arith.constant 4480 : i32
    %add3A_451 = arith.addi %mul3A_0, %add3A_450 : i32
    %mul3A_452 = arith.constant 2 : i32
    %mul3A_453 = arith.muli %mul3A_452, %arg1 : i32
    %add3A_454 = arith.constant 448 : i32
    %add3A_455 = arith.addi %add3A_454, %mul3A_453 : i32
    %mul3A_456 = arith.constant 320 : i32
    %mul3A_457 = arith.muli %add3A_455, %mul3A_456 : i32
    %dma_start3A_458 = tpu.memref_slice %arg8[%add3A_451] : memref<10240xf32, #tpu.memory_space<vmem>> -> memref<320xf32, #tpu.memory_space<vmem>>
    %dma_start3A_459 = tpu.memref_slice %arg17[%mul3A_457] : memref<163840xf32, #tpu.memory_space<vmem_shared>> -> memref<320xf32, #tpu.memory_space<vmem_shared>>
    %dma_start3A_460 = tpu.memref_slice %arg17[%mul3A_457] : memref<163840xf32, #tpu.memory_space<vmem_shared>> -> memref<320xf32, #tpu.memory_space<vmem_shared>>
    %dma_start3A_461 = tpu.memref_slice %arg8[%add3A_451] : memref<10240xf32, #tpu.memory_space<vmem>> -> memref<320xf32, #tpu.memory_space<vmem>>
    tpu.enqueue_dma source(%dma_start3A_461 : memref<320xf32, #tpu.memory_space<vmem>>) target(%dma_start3A_460 : memref<320xf32, #tpu.memory_space<vmem_shared>>) target_semaphore(%arg15 : memref<!tpu.dma_semaphore, #tpu.memory_space<semaphore_mem>>)
    %dma_start3A_462 = tpu.memref_slice %arg9[%add3A_451] : memref<10240xi32, #tpu.memory_space<vmem>> -> memref<320xi32, #tpu.memory_space<vmem>>
    %dma_start3A_463 = tpu.memref_slice %arg18[%mul3A_457] : memref<163840xi32, #tpu.memory_space<vmem_shared>> -> memref<320xi32, #tpu.memory_space<vmem_shared>>
    %dma_start3A_464 = tpu.memref_slice %arg18[%mul3A_457] : memref<163840xi32, #tpu.memory_space<vmem_shared>> -> memref<320xi32, #tpu.memory_space<vmem_shared>>
    %dma_start3A_465 = tpu.memref_slice %arg9[%add3A_451] : memref<10240xi32, #tpu.memory_space<vmem>> -> memref<320xi32, #tpu.memory_space<vmem>>
    tpu.enqueue_dma source(%dma_start3A_465 : memref<320xi32, #tpu.memory_space<vmem>>) target(%dma_start3A_464 : memref<320xi32, #tpu.memory_space<vmem_shared>>) target_semaphore(%arg15 : memref<!tpu.dma_semaphore, #tpu.memory_space<semaphore_mem>>)
    %add3A_466 = arith.constant 320 : i32
    %add3A_467 = arith.addi %mul3A_457, %add3A_466 : i32
    %dma_start3A_468 = tpu.memref_slice %arg10[%add3A_451] : memref<10240xf32, #tpu.memory_space<vmem>> -> memref<320xf32, #tpu.memory_space<vmem>>
    %dma_start3A_469 = tpu.memref_slice %arg17[%add3A_467] : memref<163840xf32, #tpu.memory_space<vmem_shared>> -> memref<320xf32, #tpu.memory_space<vmem_shared>>
    %dma_start3A_470 = tpu.memref_slice %arg17[%add3A_467] : memref<163840xf32, #tpu.memory_space<vmem_shared>> -> memref<320xf32, #tpu.memory_space<vmem_shared>>
    %dma_start3A_471 = tpu.memref_slice %arg10[%add3A_451] : memref<10240xf32, #tpu.memory_space<vmem>> -> memref<320xf32, #tpu.memory_space<vmem>>
    tpu.enqueue_dma source(%dma_start3A_471 : memref<320xf32, #tpu.memory_space<vmem>>) target(%dma_start3A_470 : memref<320xf32, #tpu.memory_space<vmem_shared>>) target_semaphore(%arg16 : memref<!tpu.dma_semaphore, #tpu.memory_space<semaphore_mem>>)
    %add3A_472 = arith.constant 320 : i32
    %add3A_473 = arith.addi %mul3A_457, %add3A_472 : i32
    %dma_start3A_474 = tpu.memref_slice %arg11[%add3A_451] : memref<10240xi32, #tpu.memory_space<vmem>> -> memref<320xi32, #tpu.memory_space<vmem>>
    %dma_start3A_475 = tpu.memref_slice %arg18[%add3A_473] : memref<163840xi32, #tpu.memory_space<vmem_shared>> -> memref<320xi32, #tpu.memory_space<vmem_shared>>
    %dma_start3A_476 = tpu.memref_slice %arg18[%add3A_473] : memref<163840xi32, #tpu.memory_space<vmem_shared>> -> memref<320xi32, #tpu.memory_space<vmem_shared>>
    %dma_start3A_477 = tpu.memref_slice %arg11[%add3A_451] : memref<10240xi32, #tpu.memory_space<vmem>> -> memref<320xi32, #tpu.memory_space<vmem>>
    tpu.enqueue_dma source(%dma_start3A_477 : memref<320xi32, #tpu.memory_space<vmem>>) target(%dma_start3A_476 : memref<320xi32, #tpu.memory_space<vmem_shared>>) target_semaphore(%arg16 : memref<!tpu.dma_semaphore, #tpu.memory_space<semaphore_mem>>)
    %add3A_478 = arith.constant 4800 : i32
    %add3A_479 = arith.addi %mul3A_0, %add3A_478 : i32
    %mul3A_480 = arith.constant 2 : i32
    %mul3A_481 = arith.muli %mul3A_480, %arg1 : i32
    %add3A_482 = arith.constant 480 : i32
    %add3A_483 = arith.addi %add3A_482, %mul3A_481 : i32
    %mul3A_484 = arith.constant 320 : i32
    %mul3A_485 = arith.muli %add3A_483, %mul3A_484 : i32
    %dma_start3A_486 = tpu.memref_slice %arg8[%add3A_479] : memref<10240xf32, #tpu.memory_space<vmem>> -> memref<320xf32, #tpu.memory_space<vmem>>
    %dma_start3A_487 = tpu.memref_slice %arg17[%mul3A_485] : memref<163840xf32, #tpu.memory_space<vmem_shared>> -> memref<320xf32, #tpu.memory_space<vmem_shared>>
    %dma_start3A_488 = tpu.memref_slice %arg17[%mul3A_485] : memref<163840xf32, #tpu.memory_space<vmem_shared>> -> memref<320xf32, #tpu.memory_space<vmem_shared>>
    %dma_start3A_489 = tpu.memref_slice %arg8[%add3A_479] : memref<10240xf32, #tpu.memory_space<vmem>> -> memref<320xf32, #tpu.memory_space<vmem>>
    tpu.enqueue_dma source(%dma_start3A_489 : memref<320xf32, #tpu.memory_space<vmem>>) target(%dma_start3A_488 : memref<320xf32, #tpu.memory_space<vmem_shared>>) target_semaphore(%arg15 : memref<!tpu.dma_semaphore, #tpu.memory_space<semaphore_mem>>)
    %dma_start3A_490 = tpu.memref_slice %arg9[%add3A_479] : memref<10240xi32, #tpu.memory_space<vmem>> -> memref<320xi32, #tpu.memory_space<vmem>>
    %dma_start3A_491 = tpu.memref_slice %arg18[%mul3A_485] : memref<163840xi32, #tpu.memory_space<vmem_shared>> -> memref<320xi32, #tpu.memory_space<vmem_shared>>
    %dma_start3A_492 = tpu.memref_slice %arg18[%mul3A_485] : memref<163840xi32, #tpu.memory_space<vmem_shared>> -> memref<320xi32, #tpu.memory_space<vmem_shared>>
    %dma_start3A_493 = tpu.memref_slice %arg9[%add3A_479] : memref<10240xi32, #tpu.memory_space<vmem>> -> memref<320xi32, #tpu.memory_space<vmem>>
    tpu.enqueue_dma source(%dma_start3A_493 : memref<320xi32, #tpu.memory_space<vmem>>) target(%dma_start3A_492 : memref<320xi32, #tpu.memory_space<vmem_shared>>) target_semaphore(%arg15 : memref<!tpu.dma_semaphore, #tpu.memory_space<semaphore_mem>>)
    %add3A_494 = arith.constant 320 : i32
    %add3A_495 = arith.addi %mul3A_485, %add3A_494 : i32
    %dma_start3A_496 = tpu.memref_slice %arg10[%add3A_479] : memref<10240xf32, #tpu.memory_space<vmem>> -> memref<320xf32, #tpu.memory_space<vmem>>
    %dma_start3A_497 = tpu.memref_slice %arg17[%add3A_495] : memref<163840xf32, #tpu.memory_space<vmem_shared>> -> memref<320xf32, #tpu.memory_space<vmem_shared>>
    %dma_start3A_498 = tpu.memref_slice %arg17[%add3A_495] : memref<163840xf32, #tpu.memory_space<vmem_shared>> -> memref<320xf32, #tpu.memory_space<vmem_shared>>
    %dma_start3A_499 = tpu.memref_slice %arg10[%add3A_479] : memref<10240xf32, #tpu.memory_space<vmem>> -> memref<320xf32, #tpu.memory_space<vmem>>
    tpu.enqueue_dma source(%dma_start3A_499 : memref<320xf32, #tpu.memory_space<vmem>>) target(%dma_start3A_498 : memref<320xf32, #tpu.memory_space<vmem_shared>>) target_semaphore(%arg16 : memref<!tpu.dma_semaphore, #tpu.memory_space<semaphore_mem>>)
    %add3A_500 = arith.constant 320 : i32
    %add3A_501 = arith.addi %mul3A_485, %add3A_500 : i32
    %dma_start3A_502 = tpu.memref_slice %arg11[%add3A_479] : memref<10240xi32, #tpu.memory_space<vmem>> -> memref<320xi32, #tpu.memory_space<vmem>>
    %dma_start3A_503 = tpu.memref_slice %arg18[%add3A_501] : memref<163840xi32, #tpu.memory_space<vmem_shared>> -> memref<320xi32, #tpu.memory_space<vmem_shared>>
    %dma_start3A_504 = tpu.memref_slice %arg18[%add3A_501] : memref<163840xi32, #tpu.memory_space<vmem_shared>> -> memref<320xi32, #tpu.memory_space<vmem_shared>>
    %dma_start3A_505 = tpu.memref_slice %arg11[%add3A_479] : memref<10240xi32, #tpu.memory_space<vmem>> -> memref<320xi32, #tpu.memory_space<vmem>>
    tpu.enqueue_dma source(%dma_start3A_505 : memref<320xi32, #tpu.memory_space<vmem>>) target(%dma_start3A_504 : memref<320xi32, #tpu.memory_space<vmem_shared>>) target_semaphore(%arg16 : memref<!tpu.dma_semaphore, #tpu.memory_space<semaphore_mem>>)
    %dma_wait3A_506 = tpu.memref_slice %arg8[%add3A_59] : memref<10240xf32, #tpu.memory_space<vmem>> -> memref<320xf32, #tpu.memory_space<vmem>>
    %dma_wait3A_507 = tpu.memref_slice %arg17[%mul3A_65] : memref<163840xf32, #tpu.memory_space<vmem_shared>> -> memref<320xf32, #tpu.memory_space<vmem_shared>>
    %dma_wait3A_508 = tpu.memref_slice %arg17[%mul3A_65] : memref<163840xf32, #tpu.memory_space<vmem_shared>> -> memref<320xf32, #tpu.memory_space<vmem_shared>>
    %dma_wait3A_509 = tpu.memref_slice %arg8[%add3A_59] : memref<10240xf32, #tpu.memory_space<vmem>> -> memref<320xf32, #tpu.memory_space<vmem>>
    tpu.wait_dma2 semaphore(%arg15 : memref<!tpu.dma_semaphore, #tpu.memory_space<semaphore_mem>>) src(%dma_wait3A_509 : memref<320xf32, #tpu.memory_space<vmem>>) dst(%dma_wait3A_508 : memref<320xf32, #tpu.memory_space<vmem_shared>>)
    %dma_wait3A_510 = tpu.memref_slice %arg9[%add3A_59] : memref<10240xi32, #tpu.memory_space<vmem>> -> memref<320xi32, #tpu.memory_space<vmem>>
    %dma_wait3A_511 = tpu.memref_slice %arg18[%mul3A_65] : memref<163840xi32, #tpu.memory_space<vmem_shared>> -> memref<320xi32, #tpu.memory_space<vmem_shared>>
    %dma_wait3A_512 = tpu.memref_slice %arg18[%mul3A_65] : memref<163840xi32, #tpu.memory_space<vmem_shared>> -> memref<320xi32, #tpu.memory_space<vmem_shared>>
    %dma_wait3A_513 = tpu.memref_slice %arg9[%add3A_59] : memref<10240xi32, #tpu.memory_space<vmem>> -> memref<320xi32, #tpu.memory_space<vmem>>
    tpu.wait_dma2 semaphore(%arg15 : memref<!tpu.dma_semaphore, #tpu.memory_space<semaphore_mem>>) src(%dma_wait3A_513 : memref<320xi32, #tpu.memory_space<vmem>>) dst(%dma_wait3A_512 : memref<320xi32, #tpu.memory_space<vmem_shared>>)
    %dma_wait3A_514 = tpu.memref_slice %arg10[%add3A_59] : memref<10240xf32, #tpu.memory_space<vmem>> -> memref<320xf32, #tpu.memory_space<vmem>>
    %dma_wait3A_515 = tpu.memref_slice %arg17[%add3A_75] : memref<163840xf32, #tpu.memory_space<vmem_shared>> -> memref<320xf32, #tpu.memory_space<vmem_shared>>
    %dma_wait3A_516 = tpu.memref_slice %arg17[%add3A_75] : memref<163840xf32, #tpu.memory_space<vmem_shared>> -> memref<320xf32, #tpu.memory_space<vmem_shared>>
    %dma_wait3A_517 = tpu.memref_slice %arg10[%add3A_59] : memref<10240xf32, #tpu.memory_space<vmem>> -> memref<320xf32, #tpu.memory_space<vmem>>
    tpu.wait_dma2 semaphore(%arg16 : memref<!tpu.dma_semaphore, #tpu.memory_space<semaphore_mem>>) src(%dma_wait3A_517 : memref<320xf32, #tpu.memory_space<vmem>>) dst(%dma_wait3A_516 : memref<320xf32, #tpu.memory_space<vmem_shared>>)
    %dma_wait3A_518 = tpu.memref_slice %arg11[%add3A_59] : memref<10240xi32, #tpu.memory_space<vmem>> -> memref<320xi32, #tpu.memory_space<vmem>>
    %dma_wait3A_519 = tpu.memref_slice %arg18[%add3A_81] : memref<163840xi32, #tpu.memory_space<vmem_shared>> -> memref<320xi32, #tpu.memory_space<vmem_shared>>
    %dma_wait3A_520 = tpu.memref_slice %arg18[%add3A_81] : memref<163840xi32, #tpu.memory_space<vmem_shared>> -> memref<320xi32, #tpu.memory_space<vmem_shared>>
    %dma_wait3A_521 = tpu.memref_slice %arg11[%add3A_59] : memref<10240xi32, #tpu.memory_space<vmem>> -> memref<320xi32, #tpu.memory_space<vmem>>
    tpu.wait_dma2 semaphore(%arg16 : memref<!tpu.dma_semaphore, #tpu.memory_space<semaphore_mem>>) src(%dma_wait3A_521 : memref<320xi32, #tpu.memory_space<vmem>>) dst(%dma_wait3A_520 : memref<320xi32, #tpu.memory_space<vmem_shared>>)
    %dma_wait3A_522 = tpu.memref_slice %arg8[%add3A_87] : memref<10240xf32, #tpu.memory_space<vmem>> -> memref<320xf32, #tpu.memory_space<vmem>>
    %dma_wait3A_523 = tpu.memref_slice %arg17[%mul3A_93] : memref<163840xf32, #tpu.memory_space<vmem_shared>> -> memref<320xf32, #tpu.memory_space<vmem_shared>>
    %dma_wait3A_524 = tpu.memref_slice %arg17[%mul3A_93] : memref<163840xf32, #tpu.memory_space<vmem_shared>> -> memref<320xf32, #tpu.memory_space<vmem_shared>>
    %dma_wait3A_525 = tpu.memref_slice %arg8[%add3A_87] : memref<10240xf32, #tpu.memory_space<vmem>> -> memref<320xf32, #tpu.memory_space<vmem>>
    tpu.wait_dma2 semaphore(%arg15 : memref<!tpu.dma_semaphore, #tpu.memory_space<semaphore_mem>>) src(%dma_wait3A_525 : memref<320xf32, #tpu.memory_space<vmem>>) dst(%dma_wait3A_524 : memref<320xf32, #tpu.memory_space<vmem_shared>>)
    %dma_wait3A_526 = tpu.memref_slice %arg9[%add3A_87] : memref<10240xi32, #tpu.memory_space<vmem>> -> memref<320xi32, #tpu.memory_space<vmem>>
    %dma_wait3A_527 = tpu.memref_slice %arg18[%mul3A_93] : memref<163840xi32, #tpu.memory_space<vmem_shared>> -> memref<320xi32, #tpu.memory_space<vmem_shared>>
    %dma_wait3A_528 = tpu.memref_slice %arg18[%mul3A_93] : memref<163840xi32, #tpu.memory_space<vmem_shared>> -> memref<320xi32, #tpu.memory_space<vmem_shared>>
    %dma_wait3A_529 = tpu.memref_slice %arg9[%add3A_87] : memref<10240xi32, #tpu.memory_space<vmem>> -> memref<320xi32, #tpu.memory_space<vmem>>
    tpu.wait_dma2 semaphore(%arg15 : memref<!tpu.dma_semaphore, #tpu.memory_space<semaphore_mem>>) src(%dma_wait3A_529 : memref<320xi32, #tpu.memory_space<vmem>>) dst(%dma_wait3A_528 : memref<320xi32, #tpu.memory_space<vmem_shared>>)
    %dma_wait3A_530 = tpu.memref_slice %arg10[%add3A_87] : memref<10240xf32, #tpu.memory_space<vmem>> -> memref<320xf32, #tpu.memory_space<vmem>>
    %dma_wait3A_531 = tpu.memref_slice %arg17[%add3A_103] : memref<163840xf32, #tpu.memory_space<vmem_shared>> -> memref<320xf32, #tpu.memory_space<vmem_shared>>
    %dma_wait3A_532 = tpu.memref_slice %arg17[%add3A_103] : memref<163840xf32, #tpu.memory_space<vmem_shared>> -> memref<320xf32, #tpu.memory_space<vmem_shared>>
    %dma_wait3A_533 = tpu.memref_slice %arg10[%add3A_87] : memref<10240xf32, #tpu.memory_space<vmem>> -> memref<320xf32, #tpu.memory_space<vmem>>
    tpu.wait_dma2 semaphore(%arg16 : memref<!tpu.dma_semaphore, #tpu.memory_space<semaphore_mem>>) src(%dma_wait3A_533 : memref<320xf32, #tpu.memory_space<vmem>>) dst(%dma_wait3A_532 : memref<320xf32, #tpu.memory_space<vmem_shared>>)
    %dma_wait3A_534 = tpu.memref_slice %arg11[%add3A_87] : memref<10240xi32, #tpu.memory_space<vmem>> -> memref<320xi32, #tpu.memory_space<vmem>>
    %dma_wait3A_535 = tpu.memref_slice %arg18[%add3A_109] : memref<163840xi32, #tpu.memory_space<vmem_shared>> -> memref<320xi32, #tpu.memory_space<vmem_shared>>
    %dma_wait3A_536 = tpu.memref_slice %arg18[%add3A_109] : memref<163840xi32, #tpu.memory_space<vmem_shared>> -> memref<320xi32, #tpu.memory_space<vmem_shared>>
    %dma_wait3A_537 = tpu.memref_slice %arg11[%add3A_87] : memref<10240xi32, #tpu.memory_space<vmem>> -> memref<320xi32, #tpu.memory_space<vmem>>
    tpu.wait_dma2 semaphore(%arg16 : memref<!tpu.dma_semaphore, #tpu.memory_space<semaphore_mem>>) src(%dma_wait3A_537 : memref<320xi32, #tpu.memory_space<vmem>>) dst(%dma_wait3A_536 : memref<320xi32, #tpu.memory_space<vmem_shared>>)
    %dma_wait3A_538 = tpu.memref_slice %arg8[%add3A_115] : memref<10240xf32, #tpu.memory_space<vmem>> -> memref<320xf32, #tpu.memory_space<vmem>>
    %dma_wait3A_539 = tpu.memref_slice %arg17[%mul3A_121] : memref<163840xf32, #tpu.memory_space<vmem_shared>> -> memref<320xf32, #tpu.memory_space<vmem_shared>>
    %dma_wait3A_540 = tpu.memref_slice %arg17[%mul3A_121] : memref<163840xf32, #tpu.memory_space<vmem_shared>> -> memref<320xf32, #tpu.memory_space<vmem_shared>>
    %dma_wait3A_541 = tpu.memref_slice %arg8[%add3A_115] : memref<10240xf32, #tpu.memory_space<vmem>> -> memref<320xf32, #tpu.memory_space<vmem>>
    tpu.wait_dma2 semaphore(%arg15 : memref<!tpu.dma_semaphore, #tpu.memory_space<semaphore_mem>>) src(%dma_wait3A_541 : memref<320xf32, #tpu.memory_space<vmem>>) dst(%dma_wait3A_540 : memref<320xf32, #tpu.memory_space<vmem_shared>>)
    %dma_wait3A_542 = tpu.memref_slice %arg9[%add3A_115] : memref<10240xi32, #tpu.memory_space<vmem>> -> memref<320xi32, #tpu.memory_space<vmem>>
    %dma_wait3A_543 = tpu.memref_slice %arg18[%mul3A_121] : memref<163840xi32, #tpu.memory_space<vmem_shared>> -> memref<320xi32, #tpu.memory_space<vmem_shared>>
    %dma_wait3A_544 = tpu.memref_slice %arg18[%mul3A_121] : memref<163840xi32, #tpu.memory_space<vmem_shared>> -> memref<320xi32, #tpu.memory_space<vmem_shared>>
    %dma_wait3A_545 = tpu.memref_slice %arg9[%add3A_115] : memref<10240xi32, #tpu.memory_space<vmem>> -> memref<320xi32, #tpu.memory_space<vmem>>
    tpu.wait_dma2 semaphore(%arg15 : memref<!tpu.dma_semaphore, #tpu.memory_space<semaphore_mem>>) src(%dma_wait3A_545 : memref<320xi32, #tpu.memory_space<vmem>>) dst(%dma_wait3A_544 : memref<320xi32, #tpu.memory_space<vmem_shared>>)
    %dma_wait3A_546 = tpu.memref_slice %arg10[%add3A_115] : memref<10240xf32, #tpu.memory_space<vmem>> -> memref<320xf32, #tpu.memory_space<vmem>>
    %dma_wait3A_547 = tpu.memref_slice %arg17[%add3A_131] : memref<163840xf32, #tpu.memory_space<vmem_shared>> -> memref<320xf32, #tpu.memory_space<vmem_shared>>
    %dma_wait3A_548 = tpu.memref_slice %arg17[%add3A_131] : memref<163840xf32, #tpu.memory_space<vmem_shared>> -> memref<320xf32, #tpu.memory_space<vmem_shared>>
    %dma_wait3A_549 = tpu.memref_slice %arg10[%add3A_115] : memref<10240xf32, #tpu.memory_space<vmem>> -> memref<320xf32, #tpu.memory_space<vmem>>
    tpu.wait_dma2 semaphore(%arg16 : memref<!tpu.dma_semaphore, #tpu.memory_space<semaphore_mem>>) src(%dma_wait3A_549 : memref<320xf32, #tpu.memory_space<vmem>>) dst(%dma_wait3A_548 : memref<320xf32, #tpu.memory_space<vmem_shared>>)
    %dma_wait3A_550 = tpu.memref_slice %arg11[%add3A_115] : memref<10240xi32, #tpu.memory_space<vmem>> -> memref<320xi32, #tpu.memory_space<vmem>>
    %dma_wait3A_551 = tpu.memref_slice %arg18[%add3A_137] : memref<163840xi32, #tpu.memory_space<vmem_shared>> -> memref<320xi32, #tpu.memory_space<vmem_shared>>
    %dma_wait3A_552 = tpu.memref_slice %arg18[%add3A_137] : memref<163840xi32, #tpu.memory_space<vmem_shared>> -> memref<320xi32, #tpu.memory_space<vmem_shared>>
    %dma_wait3A_553 = tpu.memref_slice %arg11[%add3A_115] : memref<10240xi32, #tpu.memory_space<vmem>> -> memref<320xi32, #tpu.memory_space<vmem>>
    tpu.wait_dma2 semaphore(%arg16 : memref<!tpu.dma_semaphore, #tpu.memory_space<semaphore_mem>>) src(%dma_wait3A_553 : memref<320xi32, #tpu.memory_space<vmem>>) dst(%dma_wait3A_552 : memref<320xi32, #tpu.memory_space<vmem_shared>>)
    %dma_wait3A_554 = tpu.memref_slice %arg8[%add3A_143] : memref<10240xf32, #tpu.memory_space<vmem>> -> memref<320xf32, #tpu.memory_space<vmem>>
    %dma_wait3A_555 = tpu.memref_slice %arg17[%mul3A_149] : memref<163840xf32, #tpu.memory_space<vmem_shared>> -> memref<320xf32, #tpu.memory_space<vmem_shared>>
    %dma_wait3A_556 = tpu.memref_slice %arg17[%mul3A_149] : memref<163840xf32, #tpu.memory_space<vmem_shared>> -> memref<320xf32, #tpu.memory_space<vmem_shared>>
    %dma_wait3A_557 = tpu.memref_slice %arg8[%add3A_143] : memref<10240xf32, #tpu.memory_space<vmem>> -> memref<320xf32, #tpu.memory_space<vmem>>
    tpu.wait_dma2 semaphore(%arg15 : memref<!tpu.dma_semaphore, #tpu.memory_space<semaphore_mem>>) src(%dma_wait3A_557 : memref<320xf32, #tpu.memory_space<vmem>>) dst(%dma_wait3A_556 : memref<320xf32, #tpu.memory_space<vmem_shared>>)
    %dma_wait3A_558 = tpu.memref_slice %arg9[%add3A_143] : memref<10240xi32, #tpu.memory_space<vmem>> -> memref<320xi32, #tpu.memory_space<vmem>>
    %dma_wait3A_559 = tpu.memref_slice %arg18[%mul3A_149] : memref<163840xi32, #tpu.memory_space<vmem_shared>> -> memref<320xi32, #tpu.memory_space<vmem_shared>>
    %dma_wait3A_560 = tpu.memref_slice %arg18[%mul3A_149] : memref<163840xi32, #tpu.memory_space<vmem_shared>> -> memref<320xi32, #tpu.memory_space<vmem_shared>>
    %dma_wait3A_561 = tpu.memref_slice %arg9[%add3A_143] : memref<10240xi32, #tpu.memory_space<vmem>> -> memref<320xi32, #tpu.memory_space<vmem>>
    tpu.wait_dma2 semaphore(%arg15 : memref<!tpu.dma_semaphore, #tpu.memory_space<semaphore_mem>>) src(%dma_wait3A_561 : memref<320xi32, #tpu.memory_space<vmem>>) dst(%dma_wait3A_560 : memref<320xi32, #tpu.memory_space<vmem_shared>>)
    %dma_wait3A_562 = tpu.memref_slice %arg10[%add3A_143] : memref<10240xf32, #tpu.memory_space<vmem>> -> memref<320xf32, #tpu.memory_space<vmem>>
    %dma_wait3A_563 = tpu.memref_slice %arg17[%add3A_159] : memref<163840xf32, #tpu.memory_space<vmem_shared>> -> memref<320xf32, #tpu.memory_space<vmem_shared>>
    %dma_wait3A_564 = tpu.memref_slice %arg17[%add3A_159] : memref<163840xf32, #tpu.memory_space<vmem_shared>> -> memref<320xf32, #tpu.memory_space<vmem_shared>>
    %dma_wait3A_565 = tpu.memref_slice %arg10[%add3A_143] : memref<10240xf32, #tpu.memory_space<vmem>> -> memref<320xf32, #tpu.memory_space<vmem>>
    tpu.wait_dma2 semaphore(%arg16 : memref<!tpu.dma_semaphore, #tpu.memory_space<semaphore_mem>>) src(%dma_wait3A_565 : memref<320xf32, #tpu.memory_space<vmem>>) dst(%dma_wait3A_564 : memref<320xf32, #tpu.memory_space<vmem_shared>>)
    %dma_wait3A_566 = tpu.memref_slice %arg11[%add3A_143] : memref<10240xi32, #tpu.memory_space<vmem>> -> memref<320xi32, #tpu.memory_space<vmem>>
    %dma_wait3A_567 = tpu.memref_slice %arg18[%add3A_165] : memref<163840xi32, #tpu.memory_space<vmem_shared>> -> memref<320xi32, #tpu.memory_space<vmem_shared>>
    %dma_wait3A_568 = tpu.memref_slice %arg18[%add3A_165] : memref<163840xi32, #tpu.memory_space<vmem_shared>> -> memref<320xi32, #tpu.memory_space<vmem_shared>>
    %dma_wait3A_569 = tpu.memref_slice %arg11[%add3A_143] : memref<10240xi32, #tpu.memory_space<vmem>> -> memref<320xi32, #tpu.memory_space<vmem>>
    tpu.wait_dma2 semaphore(%arg16 : memref<!tpu.dma_semaphore, #tpu.memory_space<semaphore_mem>>) src(%dma_wait3A_569 : memref<320xi32, #tpu.memory_space<vmem>>) dst(%dma_wait3A_568 : memref<320xi32, #tpu.memory_space<vmem_shared>>)
    %dma_wait3A_570 = tpu.memref_slice %arg8[%add3A_171] : memref<10240xf32, #tpu.memory_space<vmem>> -> memref<320xf32, #tpu.memory_space<vmem>>
    %dma_wait3A_571 = tpu.memref_slice %arg17[%mul3A_177] : memref<163840xf32, #tpu.memory_space<vmem_shared>> -> memref<320xf32, #tpu.memory_space<vmem_shared>>
    %dma_wait3A_572 = tpu.memref_slice %arg17[%mul3A_177] : memref<163840xf32, #tpu.memory_space<vmem_shared>> -> memref<320xf32, #tpu.memory_space<vmem_shared>>
    %dma_wait3A_573 = tpu.memref_slice %arg8[%add3A_171] : memref<10240xf32, #tpu.memory_space<vmem>> -> memref<320xf32, #tpu.memory_space<vmem>>
    tpu.wait_dma2 semaphore(%arg15 : memref<!tpu.dma_semaphore, #tpu.memory_space<semaphore_mem>>) src(%dma_wait3A_573 : memref<320xf32, #tpu.memory_space<vmem>>) dst(%dma_wait3A_572 : memref<320xf32, #tpu.memory_space<vmem_shared>>)
    %dma_wait3A_574 = tpu.memref_slice %arg9[%add3A_171] : memref<10240xi32, #tpu.memory_space<vmem>> -> memref<320xi32, #tpu.memory_space<vmem>>
    %dma_wait3A_575 = tpu.memref_slice %arg18[%mul3A_177] : memref<163840xi32, #tpu.memory_space<vmem_shared>> -> memref<320xi32, #tpu.memory_space<vmem_shared>>
    %dma_wait3A_576 = tpu.memref_slice %arg18[%mul3A_177] : memref<163840xi32, #tpu.memory_space<vmem_shared>> -> memref<320xi32, #tpu.memory_space<vmem_shared>>
    %dma_wait3A_577 = tpu.memref_slice %arg9[%add3A_171] : memref<10240xi32, #tpu.memory_space<vmem>> -> memref<320xi32, #tpu.memory_space<vmem>>
    tpu.wait_dma2 semaphore(%arg15 : memref<!tpu.dma_semaphore, #tpu.memory_space<semaphore_mem>>) src(%dma_wait3A_577 : memref<320xi32, #tpu.memory_space<vmem>>) dst(%dma_wait3A_576 : memref<320xi32, #tpu.memory_space<vmem_shared>>)
    %dma_wait3A_578 = tpu.memref_slice %arg10[%add3A_171] : memref<10240xf32, #tpu.memory_space<vmem>> -> memref<320xf32, #tpu.memory_space<vmem>>
    %dma_wait3A_579 = tpu.memref_slice %arg17[%add3A_187] : memref<163840xf32, #tpu.memory_space<vmem_shared>> -> memref<320xf32, #tpu.memory_space<vmem_shared>>
    %dma_wait3A_580 = tpu.memref_slice %arg17[%add3A_187] : memref<163840xf32, #tpu.memory_space<vmem_shared>> -> memref<320xf32, #tpu.memory_space<vmem_shared>>
    %dma_wait3A_581 = tpu.memref_slice %arg10[%add3A_171] : memref<10240xf32, #tpu.memory_space<vmem>> -> memref<320xf32, #tpu.memory_space<vmem>>
    tpu.wait_dma2 semaphore(%arg16 : memref<!tpu.dma_semaphore, #tpu.memory_space<semaphore_mem>>) src(%dma_wait3A_581 : memref<320xf32, #tpu.memory_space<vmem>>) dst(%dma_wait3A_580 : memref<320xf32, #tpu.memory_space<vmem_shared>>)
    %dma_wait3A_582 = tpu.memref_slice %arg11[%add3A_171] : memref<10240xi32, #tpu.memory_space<vmem>> -> memref<320xi32, #tpu.memory_space<vmem>>
    %dma_wait3A_583 = tpu.memref_slice %arg18[%add3A_193] : memref<163840xi32, #tpu.memory_space<vmem_shared>> -> memref<320xi32, #tpu.memory_space<vmem_shared>>
    %dma_wait3A_584 = tpu.memref_slice %arg18[%add3A_193] : memref<163840xi32, #tpu.memory_space<vmem_shared>> -> memref<320xi32, #tpu.memory_space<vmem_shared>>
    %dma_wait3A_585 = tpu.memref_slice %arg11[%add3A_171] : memref<10240xi32, #tpu.memory_space<vmem>> -> memref<320xi32, #tpu.memory_space<vmem>>
    tpu.wait_dma2 semaphore(%arg16 : memref<!tpu.dma_semaphore, #tpu.memory_space<semaphore_mem>>) src(%dma_wait3A_585 : memref<320xi32, #tpu.memory_space<vmem>>) dst(%dma_wait3A_584 : memref<320xi32, #tpu.memory_space<vmem_shared>>)
    %dma_wait3A_586 = tpu.memref_slice %arg8[%add3A_199] : memref<10240xf32, #tpu.memory_space<vmem>> -> memref<320xf32, #tpu.memory_space<vmem>>
    %dma_wait3A_587 = tpu.memref_slice %arg17[%mul3A_205] : memref<163840xf32, #tpu.memory_space<vmem_shared>> -> memref<320xf32, #tpu.memory_space<vmem_shared>>
    %dma_wait3A_588 = tpu.memref_slice %arg17[%mul3A_205] : memref<163840xf32, #tpu.memory_space<vmem_shared>> -> memref<320xf32, #tpu.memory_space<vmem_shared>>
    %dma_wait3A_589 = tpu.memref_slice %arg8[%add3A_199] : memref<10240xf32, #tpu.memory_space<vmem>> -> memref<320xf32, #tpu.memory_space<vmem>>
    tpu.wait_dma2 semaphore(%arg15 : memref<!tpu.dma_semaphore, #tpu.memory_space<semaphore_mem>>) src(%dma_wait3A_589 : memref<320xf32, #tpu.memory_space<vmem>>) dst(%dma_wait3A_588 : memref<320xf32, #tpu.memory_space<vmem_shared>>)
    %dma_wait3A_590 = tpu.memref_slice %arg9[%add3A_199] : memref<10240xi32, #tpu.memory_space<vmem>> -> memref<320xi32, #tpu.memory_space<vmem>>
    %dma_wait3A_591 = tpu.memref_slice %arg18[%mul3A_205] : memref<163840xi32, #tpu.memory_space<vmem_shared>> -> memref<320xi32, #tpu.memory_space<vmem_shared>>
    %dma_wait3A_592 = tpu.memref_slice %arg18[%mul3A_205] : memref<163840xi32, #tpu.memory_space<vmem_shared>> -> memref<320xi32, #tpu.memory_space<vmem_shared>>
    %dma_wait3A_593 = tpu.memref_slice %arg9[%add3A_199] : memref<10240xi32, #tpu.memory_space<vmem>> -> memref<320xi32, #tpu.memory_space<vmem>>
    tpu.wait_dma2 semaphore(%arg15 : memref<!tpu.dma_semaphore, #tpu.memory_space<semaphore_mem>>) src(%dma_wait3A_593 : memref<320xi32, #tpu.memory_space<vmem>>) dst(%dma_wait3A_592 : memref<320xi32, #tpu.memory_space<vmem_shared>>)
    %dma_wait3A_594 = tpu.memref_slice %arg10[%add3A_199] : memref<10240xf32, #tpu.memory_space<vmem>> -> memref<320xf32, #tpu.memory_space<vmem>>
    %dma_wait3A_595 = tpu.memref_slice %arg17[%add3A_215] : memref<163840xf32, #tpu.memory_space<vmem_shared>> -> memref<320xf32, #tpu.memory_space<vmem_shared>>
    %dma_wait3A_596 = tpu.memref_slice %arg17[%add3A_215] : memref<163840xf32, #tpu.memory_space<vmem_shared>> -> memref<320xf32, #tpu.memory_space<vmem_shared>>
    %dma_wait3A_597 = tpu.memref_slice %arg10[%add3A_199] : memref<10240xf32, #tpu.memory_space<vmem>> -> memref<320xf32, #tpu.memory_space<vmem>>
    tpu.wait_dma2 semaphore(%arg16 : memref<!tpu.dma_semaphore, #tpu.memory_space<semaphore_mem>>) src(%dma_wait3A_597 : memref<320xf32, #tpu.memory_space<vmem>>) dst(%dma_wait3A_596 : memref<320xf32, #tpu.memory_space<vmem_shared>>)
    %dma_wait3A_598 = tpu.memref_slice %arg11[%add3A_199] : memref<10240xi32, #tpu.memory_space<vmem>> -> memref<320xi32, #tpu.memory_space<vmem>>
    %dma_wait3A_599 = tpu.memref_slice %arg18[%add3A_221] : memref<163840xi32, #tpu.memory_space<vmem_shared>> -> memref<320xi32, #tpu.memory_space<vmem_shared>>
    %dma_wait3A_600 = tpu.memref_slice %arg18[%add3A_221] : memref<163840xi32, #tpu.memory_space<vmem_shared>> -> memref<320xi32, #tpu.memory_space<vmem_shared>>
    %dma_wait3A_601 = tpu.memref_slice %arg11[%add3A_199] : memref<10240xi32, #tpu.memory_space<vmem>> -> memref<320xi32, #tpu.memory_space<vmem>>
    tpu.wait_dma2 semaphore(%arg16 : memref<!tpu.dma_semaphore, #tpu.memory_space<semaphore_mem>>) src(%dma_wait3A_601 : memref<320xi32, #tpu.memory_space<vmem>>) dst(%dma_wait3A_600 : memref<320xi32, #tpu.memory_space<vmem_shared>>)
    %dma_wait3A_602 = tpu.memref_slice %arg8[%add3A_227] : memref<10240xf32, #tpu.memory_space<vmem>> -> memref<320xf32, #tpu.memory_space<vmem>>
    %dma_wait3A_603 = tpu.memref_slice %arg17[%mul3A_233] : memref<163840xf32, #tpu.memory_space<vmem_shared>> -> memref<320xf32, #tpu.memory_space<vmem_shared>>
    %dma_wait3A_604 = tpu.memref_slice %arg17[%mul3A_233] : memref<163840xf32, #tpu.memory_space<vmem_shared>> -> memref<320xf32, #tpu.memory_space<vmem_shared>>
    %dma_wait3A_605 = tpu.memref_slice %arg8[%add3A_227] : memref<10240xf32, #tpu.memory_space<vmem>> -> memref<320xf32, #tpu.memory_space<vmem>>
    tpu.wait_dma2 semaphore(%arg15 : memref<!tpu.dma_semaphore, #tpu.memory_space<semaphore_mem>>) src(%dma_wait3A_605 : memref<320xf32, #tpu.memory_space<vmem>>) dst(%dma_wait3A_604 : memref<320xf32, #tpu.memory_space<vmem_shared>>)
    %dma_wait3A_606 = tpu.memref_slice %arg9[%add3A_227] : memref<10240xi32, #tpu.memory_space<vmem>> -> memref<320xi32, #tpu.memory_space<vmem>>
    %dma_wait3A_607 = tpu.memref_slice %arg18[%mul3A_233] : memref<163840xi32, #tpu.memory_space<vmem_shared>> -> memref<320xi32, #tpu.memory_space<vmem_shared>>
    %dma_wait3A_608 = tpu.memref_slice %arg18[%mul3A_233] : memref<163840xi32, #tpu.memory_space<vmem_shared>> -> memref<320xi32, #tpu.memory_space<vmem_shared>>
    %dma_wait3A_609 = tpu.memref_slice %arg9[%add3A_227] : memref<10240xi32, #tpu.memory_space<vmem>> -> memref<320xi32, #tpu.memory_space<vmem>>
    tpu.wait_dma2 semaphore(%arg15 : memref<!tpu.dma_semaphore, #tpu.memory_space<semaphore_mem>>) src(%dma_wait3A_609 : memref<320xi32, #tpu.memory_space<vmem>>) dst(%dma_wait3A_608 : memref<320xi32, #tpu.memory_space<vmem_shared>>)
    %dma_wait3A_610 = tpu.memref_slice %arg10[%add3A_227] : memref<10240xf32, #tpu.memory_space<vmem>> -> memref<320xf32, #tpu.memory_space<vmem>>
    %dma_wait3A_611 = tpu.memref_slice %arg17[%add3A_243] : memref<163840xf32, #tpu.memory_space<vmem_shared>> -> memref<320xf32, #tpu.memory_space<vmem_shared>>
    %dma_wait3A_612 = tpu.memref_slice %arg17[%add3A_243] : memref<163840xf32, #tpu.memory_space<vmem_shared>> -> memref<320xf32, #tpu.memory_space<vmem_shared>>
    %dma_wait3A_613 = tpu.memref_slice %arg10[%add3A_227] : memref<10240xf32, #tpu.memory_space<vmem>> -> memref<320xf32, #tpu.memory_space<vmem>>
    tpu.wait_dma2 semaphore(%arg16 : memref<!tpu.dma_semaphore, #tpu.memory_space<semaphore_mem>>) src(%dma_wait3A_613 : memref<320xf32, #tpu.memory_space<vmem>>) dst(%dma_wait3A_612 : memref<320xf32, #tpu.memory_space<vmem_shared>>)
    %dma_wait3A_614 = tpu.memref_slice %arg11[%add3A_227] : memref<10240xi32, #tpu.memory_space<vmem>> -> memref<320xi32, #tpu.memory_space<vmem>>
    %dma_wait3A_615 = tpu.memref_slice %arg18[%add3A_249] : memref<163840xi32, #tpu.memory_space<vmem_shared>> -> memref<320xi32, #tpu.memory_space<vmem_shared>>
    %dma_wait3A_616 = tpu.memref_slice %arg18[%add3A_249] : memref<163840xi32, #tpu.memory_space<vmem_shared>> -> memref<320xi32, #tpu.memory_space<vmem_shared>>
    %dma_wait3A_617 = tpu.memref_slice %arg11[%add3A_227] : memref<10240xi32, #tpu.memory_space<vmem>> -> memref<320xi32, #tpu.memory_space<vmem>>
    tpu.wait_dma2 semaphore(%arg16 : memref<!tpu.dma_semaphore, #tpu.memory_space<semaphore_mem>>) src(%dma_wait3A_617 : memref<320xi32, #tpu.memory_space<vmem>>) dst(%dma_wait3A_616 : memref<320xi32, #tpu.memory_space<vmem_shared>>)
    %dma_wait3A_618 = tpu.memref_slice %arg8[%add3A_255] : memref<10240xf32, #tpu.memory_space<vmem>> -> memref<320xf32, #tpu.memory_space<vmem>>
    %dma_wait3A_619 = tpu.memref_slice %arg17[%mul3A_261] : memref<163840xf32, #tpu.memory_space<vmem_shared>> -> memref<320xf32, #tpu.memory_space<vmem_shared>>
    %dma_wait3A_620 = tpu.memref_slice %arg17[%mul3A_261] : memref<163840xf32, #tpu.memory_space<vmem_shared>> -> memref<320xf32, #tpu.memory_space<vmem_shared>>
    %dma_wait3A_621 = tpu.memref_slice %arg8[%add3A_255] : memref<10240xf32, #tpu.memory_space<vmem>> -> memref<320xf32, #tpu.memory_space<vmem>>
    tpu.wait_dma2 semaphore(%arg15 : memref<!tpu.dma_semaphore, #tpu.memory_space<semaphore_mem>>) src(%dma_wait3A_621 : memref<320xf32, #tpu.memory_space<vmem>>) dst(%dma_wait3A_620 : memref<320xf32, #tpu.memory_space<vmem_shared>>)
    %dma_wait3A_622 = tpu.memref_slice %arg9[%add3A_255] : memref<10240xi32, #tpu.memory_space<vmem>> -> memref<320xi32, #tpu.memory_space<vmem>>
    %dma_wait3A_623 = tpu.memref_slice %arg18[%mul3A_261] : memref<163840xi32, #tpu.memory_space<vmem_shared>> -> memref<320xi32, #tpu.memory_space<vmem_shared>>
    %dma_wait3A_624 = tpu.memref_slice %arg18[%mul3A_261] : memref<163840xi32, #tpu.memory_space<vmem_shared>> -> memref<320xi32, #tpu.memory_space<vmem_shared>>
    %dma_wait3A_625 = tpu.memref_slice %arg9[%add3A_255] : memref<10240xi32, #tpu.memory_space<vmem>> -> memref<320xi32, #tpu.memory_space<vmem>>
    tpu.wait_dma2 semaphore(%arg15 : memref<!tpu.dma_semaphore, #tpu.memory_space<semaphore_mem>>) src(%dma_wait3A_625 : memref<320xi32, #tpu.memory_space<vmem>>) dst(%dma_wait3A_624 : memref<320xi32, #tpu.memory_space<vmem_shared>>)
    %dma_wait3A_626 = tpu.memref_slice %arg10[%add3A_255] : memref<10240xf32, #tpu.memory_space<vmem>> -> memref<320xf32, #tpu.memory_space<vmem>>
    %dma_wait3A_627 = tpu.memref_slice %arg17[%add3A_271] : memref<163840xf32, #tpu.memory_space<vmem_shared>> -> memref<320xf32, #tpu.memory_space<vmem_shared>>
    %dma_wait3A_628 = tpu.memref_slice %arg17[%add3A_271] : memref<163840xf32, #tpu.memory_space<vmem_shared>> -> memref<320xf32, #tpu.memory_space<vmem_shared>>
    %dma_wait3A_629 = tpu.memref_slice %arg10[%add3A_255] : memref<10240xf32, #tpu.memory_space<vmem>> -> memref<320xf32, #tpu.memory_space<vmem>>
    tpu.wait_dma2 semaphore(%arg16 : memref<!tpu.dma_semaphore, #tpu.memory_space<semaphore_mem>>) src(%dma_wait3A_629 : memref<320xf32, #tpu.memory_space<vmem>>) dst(%dma_wait3A_628 : memref<320xf32, #tpu.memory_space<vmem_shared>>)
    %dma_wait3A_630 = tpu.memref_slice %arg11[%add3A_255] : memref<10240xi32, #tpu.memory_space<vmem>> -> memref<320xi32, #tpu.memory_space<vmem>>
    %dma_wait3A_631 = tpu.memref_slice %arg18[%add3A_277] : memref<163840xi32, #tpu.memory_space<vmem_shared>> -> memref<320xi32, #tpu.memory_space<vmem_shared>>
    %dma_wait3A_632 = tpu.memref_slice %arg18[%add3A_277] : memref<163840xi32, #tpu.memory_space<vmem_shared>> -> memref<320xi32, #tpu.memory_space<vmem_shared>>
    %dma_wait3A_633 = tpu.memref_slice %arg11[%add3A_255] : memref<10240xi32, #tpu.memory_space<vmem>> -> memref<320xi32, #tpu.memory_space<vmem>>
    tpu.wait_dma2 semaphore(%arg16 : memref<!tpu.dma_semaphore, #tpu.memory_space<semaphore_mem>>) src(%dma_wait3A_633 : memref<320xi32, #tpu.memory_space<vmem>>) dst(%dma_wait3A_632 : memref<320xi32, #tpu.memory_space<vmem_shared>>)
    %dma_wait3A_634 = tpu.memref_slice %arg8[%add3A_283] : memref<10240xf32, #tpu.memory_space<vmem>> -> memref<320xf32, #tpu.memory_space<vmem>>
    %dma_wait3A_635 = tpu.memref_slice %arg17[%mul3A_289] : memref<163840xf32, #tpu.memory_space<vmem_shared>> -> memref<320xf32, #tpu.memory_space<vmem_shared>>
    %dma_wait3A_636 = tpu.memref_slice %arg17[%mul3A_289] : memref<163840xf32, #tpu.memory_space<vmem_shared>> -> memref<320xf32, #tpu.memory_space<vmem_shared>>
    %dma_wait3A_637 = tpu.memref_slice %arg8[%add3A_283] : memref<10240xf32, #tpu.memory_space<vmem>> -> memref<320xf32, #tpu.memory_space<vmem>>
    tpu.wait_dma2 semaphore(%arg15 : memref<!tpu.dma_semaphore, #tpu.memory_space<semaphore_mem>>) src(%dma_wait3A_637 : memref<320xf32, #tpu.memory_space<vmem>>) dst(%dma_wait3A_636 : memref<320xf32, #tpu.memory_space<vmem_shared>>)
    %dma_wait3A_638 = tpu.memref_slice %arg9[%add3A_283] : memref<10240xi32, #tpu.memory_space<vmem>> -> memref<320xi32, #tpu.memory_space<vmem>>
    %dma_wait3A_639 = tpu.memref_slice %arg18[%mul3A_289] : memref<163840xi32, #tpu.memory_space<vmem_shared>> -> memref<320xi32, #tpu.memory_space<vmem_shared>>
    %dma_wait3A_640 = tpu.memref_slice %arg18[%mul3A_289] : memref<163840xi32, #tpu.memory_space<vmem_shared>> -> memref<320xi32, #tpu.memory_space<vmem_shared>>
    %dma_wait3A_641 = tpu.memref_slice %arg9[%add3A_283] : memref<10240xi32, #tpu.memory_space<vmem>> -> memref<320xi32, #tpu.memory_space<vmem>>
    tpu.wait_dma2 semaphore(%arg15 : memref<!tpu.dma_semaphore, #tpu.memory_space<semaphore_mem>>) src(%dma_wait3A_641 : memref<320xi32, #tpu.memory_space<vmem>>) dst(%dma_wait3A_640 : memref<320xi32, #tpu.memory_space<vmem_shared>>)
    %dma_wait3A_642 = tpu.memref_slice %arg10[%add3A_283] : memref<10240xf32, #tpu.memory_space<vmem>> -> memref<320xf32, #tpu.memory_space<vmem>>
    %dma_wait3A_643 = tpu.memref_slice %arg17[%add3A_299] : memref<163840xf32, #tpu.memory_space<vmem_shared>> -> memref<320xf32, #tpu.memory_space<vmem_shared>>
    %dma_wait3A_644 = tpu.memref_slice %arg17[%add3A_299] : memref<163840xf32, #tpu.memory_space<vmem_shared>> -> memref<320xf32, #tpu.memory_space<vmem_shared>>
    %dma_wait3A_645 = tpu.memref_slice %arg10[%add3A_283] : memref<10240xf32, #tpu.memory_space<vmem>> -> memref<320xf32, #tpu.memory_space<vmem>>
    tpu.wait_dma2 semaphore(%arg16 : memref<!tpu.dma_semaphore, #tpu.memory_space<semaphore_mem>>) src(%dma_wait3A_645 : memref<320xf32, #tpu.memory_space<vmem>>) dst(%dma_wait3A_644 : memref<320xf32, #tpu.memory_space<vmem_shared>>)
    %dma_wait3A_646 = tpu.memref_slice %arg11[%add3A_283] : memref<10240xi32, #tpu.memory_space<vmem>> -> memref<320xi32, #tpu.memory_space<vmem>>
    %dma_wait3A_647 = tpu.memref_slice %arg18[%add3A_305] : memref<163840xi32, #tpu.memory_space<vmem_shared>> -> memref<320xi32, #tpu.memory_space<vmem_shared>>
    %dma_wait3A_648 = tpu.memref_slice %arg18[%add3A_305] : memref<163840xi32, #tpu.memory_space<vmem_shared>> -> memref<320xi32, #tpu.memory_space<vmem_shared>>
    %dma_wait3A_649 = tpu.memref_slice %arg11[%add3A_283] : memref<10240xi32, #tpu.memory_space<vmem>> -> memref<320xi32, #tpu.memory_space<vmem>>
    tpu.wait_dma2 semaphore(%arg16 : memref<!tpu.dma_semaphore, #tpu.memory_space<semaphore_mem>>) src(%dma_wait3A_649 : memref<320xi32, #tpu.memory_space<vmem>>) dst(%dma_wait3A_648 : memref<320xi32, #tpu.memory_space<vmem_shared>>)
    %dma_wait3A_650 = tpu.memref_slice %arg8[%add3A_311] : memref<10240xf32, #tpu.memory_space<vmem>> -> memref<320xf32, #tpu.memory_space<vmem>>
    %dma_wait3A_651 = tpu.memref_slice %arg17[%mul3A_317] : memref<163840xf32, #tpu.memory_space<vmem_shared>> -> memref<320xf32, #tpu.memory_space<vmem_shared>>
    %dma_wait3A_652 = tpu.memref_slice %arg17[%mul3A_317] : memref<163840xf32, #tpu.memory_space<vmem_shared>> -> memref<320xf32, #tpu.memory_space<vmem_shared>>
    %dma_wait3A_653 = tpu.memref_slice %arg8[%add3A_311] : memref<10240xf32, #tpu.memory_space<vmem>> -> memref<320xf32, #tpu.memory_space<vmem>>
    tpu.wait_dma2 semaphore(%arg15 : memref<!tpu.dma_semaphore, #tpu.memory_space<semaphore_mem>>) src(%dma_wait3A_653 : memref<320xf32, #tpu.memory_space<vmem>>) dst(%dma_wait3A_652 : memref<320xf32, #tpu.memory_space<vmem_shared>>)
    %dma_wait3A_654 = tpu.memref_slice %arg9[%add3A_311] : memref<10240xi32, #tpu.memory_space<vmem>> -> memref<320xi32, #tpu.memory_space<vmem>>
    %dma_wait3A_655 = tpu.memref_slice %arg18[%mul3A_317] : memref<163840xi32, #tpu.memory_space<vmem_shared>> -> memref<320xi32, #tpu.memory_space<vmem_shared>>
    %dma_wait3A_656 = tpu.memref_slice %arg18[%mul3A_317] : memref<163840xi32, #tpu.memory_space<vmem_shared>> -> memref<320xi32, #tpu.memory_space<vmem_shared>>
    %dma_wait3A_657 = tpu.memref_slice %arg9[%add3A_311] : memref<10240xi32, #tpu.memory_space<vmem>> -> memref<320xi32, #tpu.memory_space<vmem>>
    tpu.wait_dma2 semaphore(%arg15 : memref<!tpu.dma_semaphore, #tpu.memory_space<semaphore_mem>>) src(%dma_wait3A_657 : memref<320xi32, #tpu.memory_space<vmem>>) dst(%dma_wait3A_656 : memref<320xi32, #tpu.memory_space<vmem_shared>>)
    %dma_wait3A_658 = tpu.memref_slice %arg10[%add3A_311] : memref<10240xf32, #tpu.memory_space<vmem>> -> memref<320xf32, #tpu.memory_space<vmem>>
    %dma_wait3A_659 = tpu.memref_slice %arg17[%add3A_327] : memref<163840xf32, #tpu.memory_space<vmem_shared>> -> memref<320xf32, #tpu.memory_space<vmem_shared>>
    %dma_wait3A_660 = tpu.memref_slice %arg17[%add3A_327] : memref<163840xf32, #tpu.memory_space<vmem_shared>> -> memref<320xf32, #tpu.memory_space<vmem_shared>>
    %dma_wait3A_661 = tpu.memref_slice %arg10[%add3A_311] : memref<10240xf32, #tpu.memory_space<vmem>> -> memref<320xf32, #tpu.memory_space<vmem>>
    tpu.wait_dma2 semaphore(%arg16 : memref<!tpu.dma_semaphore, #tpu.memory_space<semaphore_mem>>) src(%dma_wait3A_661 : memref<320xf32, #tpu.memory_space<vmem>>) dst(%dma_wait3A_660 : memref<320xf32, #tpu.memory_space<vmem_shared>>)
    %dma_wait3A_662 = tpu.memref_slice %arg11[%add3A_311] : memref<10240xi32, #tpu.memory_space<vmem>> -> memref<320xi32, #tpu.memory_space<vmem>>
    %dma_wait3A_663 = tpu.memref_slice %arg18[%add3A_333] : memref<163840xi32, #tpu.memory_space<vmem_shared>> -> memref<320xi32, #tpu.memory_space<vmem_shared>>
    %dma_wait3A_664 = tpu.memref_slice %arg18[%add3A_333] : memref<163840xi32, #tpu.memory_space<vmem_shared>> -> memref<320xi32, #tpu.memory_space<vmem_shared>>
    %dma_wait3A_665 = tpu.memref_slice %arg11[%add3A_311] : memref<10240xi32, #tpu.memory_space<vmem>> -> memref<320xi32, #tpu.memory_space<vmem>>
    tpu.wait_dma2 semaphore(%arg16 : memref<!tpu.dma_semaphore, #tpu.memory_space<semaphore_mem>>) src(%dma_wait3A_665 : memref<320xi32, #tpu.memory_space<vmem>>) dst(%dma_wait3A_664 : memref<320xi32, #tpu.memory_space<vmem_shared>>)
    %dma_wait3A_666 = tpu.memref_slice %arg8[%add3A_339] : memref<10240xf32, #tpu.memory_space<vmem>> -> memref<320xf32, #tpu.memory_space<vmem>>
    %dma_wait3A_667 = tpu.memref_slice %arg17[%mul3A_345] : memref<163840xf32, #tpu.memory_space<vmem_shared>> -> memref<320xf32, #tpu.memory_space<vmem_shared>>
    %dma_wait3A_668 = tpu.memref_slice %arg17[%mul3A_345] : memref<163840xf32, #tpu.memory_space<vmem_shared>> -> memref<320xf32, #tpu.memory_space<vmem_shared>>
    %dma_wait3A_669 = tpu.memref_slice %arg8[%add3A_339] : memref<10240xf32, #tpu.memory_space<vmem>> -> memref<320xf32, #tpu.memory_space<vmem>>
    tpu.wait_dma2 semaphore(%arg15 : memref<!tpu.dma_semaphore, #tpu.memory_space<semaphore_mem>>) src(%dma_wait3A_669 : memref<320xf32, #tpu.memory_space<vmem>>) dst(%dma_wait3A_668 : memref<320xf32, #tpu.memory_space<vmem_shared>>)
    %dma_wait3A_670 = tpu.memref_slice %arg9[%add3A_339] : memref<10240xi32, #tpu.memory_space<vmem>> -> memref<320xi32, #tpu.memory_space<vmem>>
    %dma_wait3A_671 = tpu.memref_slice %arg18[%mul3A_345] : memref<163840xi32, #tpu.memory_space<vmem_shared>> -> memref<320xi32, #tpu.memory_space<vmem_shared>>
    %dma_wait3A_672 = tpu.memref_slice %arg18[%mul3A_345] : memref<163840xi32, #tpu.memory_space<vmem_shared>> -> memref<320xi32, #tpu.memory_space<vmem_shared>>
    %dma_wait3A_673 = tpu.memref_slice %arg9[%add3A_339] : memref<10240xi32, #tpu.memory_space<vmem>> -> memref<320xi32, #tpu.memory_space<vmem>>
    tpu.wait_dma2 semaphore(%arg15 : memref<!tpu.dma_semaphore, #tpu.memory_space<semaphore_mem>>) src(%dma_wait3A_673 : memref<320xi32, #tpu.memory_space<vmem>>) dst(%dma_wait3A_672 : memref<320xi32, #tpu.memory_space<vmem_shared>>)
    %dma_wait3A_674 = tpu.memref_slice %arg10[%add3A_339] : memref<10240xf32, #tpu.memory_space<vmem>> -> memref<320xf32, #tpu.memory_space<vmem>>
    %dma_wait3A_675 = tpu.memref_slice %arg17[%add3A_355] : memref<163840xf32, #tpu.memory_space<vmem_shared>> -> memref<320xf32, #tpu.memory_space<vmem_shared>>
    %dma_wait3A_676 = tpu.memref_slice %arg17[%add3A_355] : memref<163840xf32, #tpu.memory_space<vmem_shared>> -> memref<320xf32, #tpu.memory_space<vmem_shared>>
    %dma_wait3A_677 = tpu.memref_slice %arg10[%add3A_339] : memref<10240xf32, #tpu.memory_space<vmem>> -> memref<320xf32, #tpu.memory_space<vmem>>
    tpu.wait_dma2 semaphore(%arg16 : memref<!tpu.dma_semaphore, #tpu.memory_space<semaphore_mem>>) src(%dma_wait3A_677 : memref<320xf32, #tpu.memory_space<vmem>>) dst(%dma_wait3A_676 : memref<320xf32, #tpu.memory_space<vmem_shared>>)
    %dma_wait3A_678 = tpu.memref_slice %arg11[%add3A_339] : memref<10240xi32, #tpu.memory_space<vmem>> -> memref<320xi32, #tpu.memory_space<vmem>>
    %dma_wait3A_679 = tpu.memref_slice %arg18[%add3A_361] : memref<163840xi32, #tpu.memory_space<vmem_shared>> -> memref<320xi32, #tpu.memory_space<vmem_shared>>
    %dma_wait3A_680 = tpu.memref_slice %arg18[%add3A_361] : memref<163840xi32, #tpu.memory_space<vmem_shared>> -> memref<320xi32, #tpu.memory_space<vmem_shared>>
    %dma_wait3A_681 = tpu.memref_slice %arg11[%add3A_339] : memref<10240xi32, #tpu.memory_space<vmem>> -> memref<320xi32, #tpu.memory_space<vmem>>
    tpu.wait_dma2 semaphore(%arg16 : memref<!tpu.dma_semaphore, #tpu.memory_space<semaphore_mem>>) src(%dma_wait3A_681 : memref<320xi32, #tpu.memory_space<vmem>>) dst(%dma_wait3A_680 : memref<320xi32, #tpu.memory_space<vmem_shared>>)
    %dma_wait3A_682 = tpu.memref_slice %arg8[%add3A_367] : memref<10240xf32, #tpu.memory_space<vmem>> -> memref<320xf32, #tpu.memory_space<vmem>>
    %dma_wait3A_683 = tpu.memref_slice %arg17[%mul3A_373] : memref<163840xf32, #tpu.memory_space<vmem_shared>> -> memref<320xf32, #tpu.memory_space<vmem_shared>>
    %dma_wait3A_684 = tpu.memref_slice %arg17[%mul3A_373] : memref<163840xf32, #tpu.memory_space<vmem_shared>> -> memref<320xf32, #tpu.memory_space<vmem_shared>>
    %dma_wait3A_685 = tpu.memref_slice %arg8[%add3A_367] : memref<10240xf32, #tpu.memory_space<vmem>> -> memref<320xf32, #tpu.memory_space<vmem>>
    tpu.wait_dma2 semaphore(%arg15 : memref<!tpu.dma_semaphore, #tpu.memory_space<semaphore_mem>>) src(%dma_wait3A_685 : memref<320xf32, #tpu.memory_space<vmem>>) dst(%dma_wait3A_684 : memref<320xf32, #tpu.memory_space<vmem_shared>>)
    %dma_wait3A_686 = tpu.memref_slice %arg9[%add3A_367] : memref<10240xi32, #tpu.memory_space<vmem>> -> memref<320xi32, #tpu.memory_space<vmem>>
    %dma_wait3A_687 = tpu.memref_slice %arg18[%mul3A_373] : memref<163840xi32, #tpu.memory_space<vmem_shared>> -> memref<320xi32, #tpu.memory_space<vmem_shared>>
    %dma_wait3A_688 = tpu.memref_slice %arg18[%mul3A_373] : memref<163840xi32, #tpu.memory_space<vmem_shared>> -> memref<320xi32, #tpu.memory_space<vmem_shared>>
    %dma_wait3A_689 = tpu.memref_slice %arg9[%add3A_367] : memref<10240xi32, #tpu.memory_space<vmem>> -> memref<320xi32, #tpu.memory_space<vmem>>
    tpu.wait_dma2 semaphore(%arg15 : memref<!tpu.dma_semaphore, #tpu.memory_space<semaphore_mem>>) src(%dma_wait3A_689 : memref<320xi32, #tpu.memory_space<vmem>>) dst(%dma_wait3A_688 : memref<320xi32, #tpu.memory_space<vmem_shared>>)
    %dma_wait3A_690 = tpu.memref_slice %arg10[%add3A_367] : memref<10240xf32, #tpu.memory_space<vmem>> -> memref<320xf32, #tpu.memory_space<vmem>>
    %dma_wait3A_691 = tpu.memref_slice %arg17[%add3A_383] : memref<163840xf32, #tpu.memory_space<vmem_shared>> -> memref<320xf32, #tpu.memory_space<vmem_shared>>
    %dma_wait3A_692 = tpu.memref_slice %arg17[%add3A_383] : memref<163840xf32, #tpu.memory_space<vmem_shared>> -> memref<320xf32, #tpu.memory_space<vmem_shared>>
    %dma_wait3A_693 = tpu.memref_slice %arg10[%add3A_367] : memref<10240xf32, #tpu.memory_space<vmem>> -> memref<320xf32, #tpu.memory_space<vmem>>
    tpu.wait_dma2 semaphore(%arg16 : memref<!tpu.dma_semaphore, #tpu.memory_space<semaphore_mem>>) src(%dma_wait3A_693 : memref<320xf32, #tpu.memory_space<vmem>>) dst(%dma_wait3A_692 : memref<320xf32, #tpu.memory_space<vmem_shared>>)
    %dma_wait3A_694 = tpu.memref_slice %arg11[%add3A_367] : memref<10240xi32, #tpu.memory_space<vmem>> -> memref<320xi32, #tpu.memory_space<vmem>>
    %dma_wait3A_695 = tpu.memref_slice %arg18[%add3A_389] : memref<163840xi32, #tpu.memory_space<vmem_shared>> -> memref<320xi32, #tpu.memory_space<vmem_shared>>
    %dma_wait3A_696 = tpu.memref_slice %arg18[%add3A_389] : memref<163840xi32, #tpu.memory_space<vmem_shared>> -> memref<320xi32, #tpu.memory_space<vmem_shared>>
    %dma_wait3A_697 = tpu.memref_slice %arg11[%add3A_367] : memref<10240xi32, #tpu.memory_space<vmem>> -> memref<320xi32, #tpu.memory_space<vmem>>
    tpu.wait_dma2 semaphore(%arg16 : memref<!tpu.dma_semaphore, #tpu.memory_space<semaphore_mem>>) src(%dma_wait3A_697 : memref<320xi32, #tpu.memory_space<vmem>>) dst(%dma_wait3A_696 : memref<320xi32, #tpu.memory_space<vmem_shared>>)
    %dma_wait3A_698 = tpu.memref_slice %arg8[%add3A_395] : memref<10240xf32, #tpu.memory_space<vmem>> -> memref<320xf32, #tpu.memory_space<vmem>>
    %dma_wait3A_699 = tpu.memref_slice %arg17[%mul3A_401] : memref<163840xf32, #tpu.memory_space<vmem_shared>> -> memref<320xf32, #tpu.memory_space<vmem_shared>>
    %dma_wait3A_700 = tpu.memref_slice %arg17[%mul3A_401] : memref<163840xf32, #tpu.memory_space<vmem_shared>> -> memref<320xf32, #tpu.memory_space<vmem_shared>>
    %dma_wait3A_701 = tpu.memref_slice %arg8[%add3A_395] : memref<10240xf32, #tpu.memory_space<vmem>> -> memref<320xf32, #tpu.memory_space<vmem>>
    tpu.wait_dma2 semaphore(%arg15 : memref<!tpu.dma_semaphore, #tpu.memory_space<semaphore_mem>>) src(%dma_wait3A_701 : memref<320xf32, #tpu.memory_space<vmem>>) dst(%dma_wait3A_700 : memref<320xf32, #tpu.memory_space<vmem_shared>>)
    %dma_wait3A_702 = tpu.memref_slice %arg9[%add3A_395] : memref<10240xi32, #tpu.memory_space<vmem>> -> memref<320xi32, #tpu.memory_space<vmem>>
    %dma_wait3A_703 = tpu.memref_slice %arg18[%mul3A_401] : memref<163840xi32, #tpu.memory_space<vmem_shared>> -> memref<320xi32, #tpu.memory_space<vmem_shared>>
    %dma_wait3A_704 = tpu.memref_slice %arg18[%mul3A_401] : memref<163840xi32, #tpu.memory_space<vmem_shared>> -> memref<320xi32, #tpu.memory_space<vmem_shared>>
    %dma_wait3A_705 = tpu.memref_slice %arg9[%add3A_395] : memref<10240xi32, #tpu.memory_space<vmem>> -> memref<320xi32, #tpu.memory_space<vmem>>
    tpu.wait_dma2 semaphore(%arg15 : memref<!tpu.dma_semaphore, #tpu.memory_space<semaphore_mem>>) src(%dma_wait3A_705 : memref<320xi32, #tpu.memory_space<vmem>>) dst(%dma_wait3A_704 : memref<320xi32, #tpu.memory_space<vmem_shared>>)
    %dma_wait3A_706 = tpu.memref_slice %arg10[%add3A_395] : memref<10240xf32, #tpu.memory_space<vmem>> -> memref<320xf32, #tpu.memory_space<vmem>>
    %dma_wait3A_707 = tpu.memref_slice %arg17[%add3A_411] : memref<163840xf32, #tpu.memory_space<vmem_shared>> -> memref<320xf32, #tpu.memory_space<vmem_shared>>
    %dma_wait3A_708 = tpu.memref_slice %arg17[%add3A_411] : memref<163840xf32, #tpu.memory_space<vmem_shared>> -> memref<320xf32, #tpu.memory_space<vmem_shared>>
    %dma_wait3A_709 = tpu.memref_slice %arg10[%add3A_395] : memref<10240xf32, #tpu.memory_space<vmem>> -> memref<320xf32, #tpu.memory_space<vmem>>
    tpu.wait_dma2 semaphore(%arg16 : memref<!tpu.dma_semaphore, #tpu.memory_space<semaphore_mem>>) src(%dma_wait3A_709 : memref<320xf32, #tpu.memory_space<vmem>>) dst(%dma_wait3A_708 : memref<320xf32, #tpu.memory_space<vmem_shared>>)
    %dma_wait3A_710 = tpu.memref_slice %arg11[%add3A_395] : memref<10240xi32, #tpu.memory_space<vmem>> -> memref<320xi32, #tpu.memory_space<vmem>>
    %dma_wait3A_711 = tpu.memref_slice %arg18[%add3A_417] : memref<163840xi32, #tpu.memory_space<vmem_shared>> -> memref<320xi32, #tpu.memory_space<vmem_shared>>
    %dma_wait3A_712 = tpu.memref_slice %arg18[%add3A_417] : memref<163840xi32, #tpu.memory_space<vmem_shared>> -> memref<320xi32, #tpu.memory_space<vmem_shared>>
    %dma_wait3A_713 = tpu.memref_slice %arg11[%add3A_395] : memref<10240xi32, #tpu.memory_space<vmem>> -> memref<320xi32, #tpu.memory_space<vmem>>
    tpu.wait_dma2 semaphore(%arg16 : memref<!tpu.dma_semaphore, #tpu.memory_space<semaphore_mem>>) src(%dma_wait3A_713 : memref<320xi32, #tpu.memory_space<vmem>>) dst(%dma_wait3A_712 : memref<320xi32, #tpu.memory_space<vmem_shared>>)
    %dma_wait3A_714 = tpu.memref_slice %arg8[%add3A_423] : memref<10240xf32, #tpu.memory_space<vmem>> -> memref<320xf32, #tpu.memory_space<vmem>>
    %dma_wait3A_715 = tpu.memref_slice %arg17[%mul3A_429] : memref<163840xf32, #tpu.memory_space<vmem_shared>> -> memref<320xf32, #tpu.memory_space<vmem_shared>>
    %dma_wait3A_716 = tpu.memref_slice %arg17[%mul3A_429] : memref<163840xf32, #tpu.memory_space<vmem_shared>> -> memref<320xf32, #tpu.memory_space<vmem_shared>>
    %dma_wait3A_717 = tpu.memref_slice %arg8[%add3A_423] : memref<10240xf32, #tpu.memory_space<vmem>> -> memref<320xf32, #tpu.memory_space<vmem>>
    tpu.wait_dma2 semaphore(%arg15 : memref<!tpu.dma_semaphore, #tpu.memory_space<semaphore_mem>>) src(%dma_wait3A_717 : memref<320xf32, #tpu.memory_space<vmem>>) dst(%dma_wait3A_716 : memref<320xf32, #tpu.memory_space<vmem_shared>>)
    %dma_wait3A_718 = tpu.memref_slice %arg9[%add3A_423] : memref<10240xi32, #tpu.memory_space<vmem>> -> memref<320xi32, #tpu.memory_space<vmem>>
    %dma_wait3A_719 = tpu.memref_slice %arg18[%mul3A_429] : memref<163840xi32, #tpu.memory_space<vmem_shared>> -> memref<320xi32, #tpu.memory_space<vmem_shared>>
    %dma_wait3A_720 = tpu.memref_slice %arg18[%mul3A_429] : memref<163840xi32, #tpu.memory_space<vmem_shared>> -> memref<320xi32, #tpu.memory_space<vmem_shared>>
    %dma_wait3A_721 = tpu.memref_slice %arg9[%add3A_423] : memref<10240xi32, #tpu.memory_space<vmem>> -> memref<320xi32, #tpu.memory_space<vmem>>
    tpu.wait_dma2 semaphore(%arg15 : memref<!tpu.dma_semaphore, #tpu.memory_space<semaphore_mem>>) src(%dma_wait3A_721 : memref<320xi32, #tpu.memory_space<vmem>>) dst(%dma_wait3A_720 : memref<320xi32, #tpu.memory_space<vmem_shared>>)
    %dma_wait3A_722 = tpu.memref_slice %arg10[%add3A_423] : memref<10240xf32, #tpu.memory_space<vmem>> -> memref<320xf32, #tpu.memory_space<vmem>>
    %dma_wait3A_723 = tpu.memref_slice %arg17[%add3A_439] : memref<163840xf32, #tpu.memory_space<vmem_shared>> -> memref<320xf32, #tpu.memory_space<vmem_shared>>
    %dma_wait3A_724 = tpu.memref_slice %arg17[%add3A_439] : memref<163840xf32, #tpu.memory_space<vmem_shared>> -> memref<320xf32, #tpu.memory_space<vmem_shared>>
    %dma_wait3A_725 = tpu.memref_slice %arg10[%add3A_423] : memref<10240xf32, #tpu.memory_space<vmem>> -> memref<320xf32, #tpu.memory_space<vmem>>
    tpu.wait_dma2 semaphore(%arg16 : memref<!tpu.dma_semaphore, #tpu.memory_space<semaphore_mem>>) src(%dma_wait3A_725 : memref<320xf32, #tpu.memory_space<vmem>>) dst(%dma_wait3A_724 : memref<320xf32, #tpu.memory_space<vmem_shared>>)
    %dma_wait3A_726 = tpu.memref_slice %arg11[%add3A_423] : memref<10240xi32, #tpu.memory_space<vmem>> -> memref<320xi32, #tpu.memory_space<vmem>>
    %dma_wait3A_727 = tpu.memref_slice %arg18[%add3A_445] : memref<163840xi32, #tpu.memory_space<vmem_shared>> -> memref<320xi32, #tpu.memory_space<vmem_shared>>
    %dma_wait3A_728 = tpu.memref_slice %arg18[%add3A_445] : memref<163840xi32, #tpu.memory_space<vmem_shared>> -> memref<320xi32, #tpu.memory_space<vmem_shared>>
    %dma_wait3A_729 = tpu.memref_slice %arg11[%add3A_423] : memref<10240xi32, #tpu.memory_space<vmem>> -> memref<320xi32, #tpu.memory_space<vmem>>
    tpu.wait_dma2 semaphore(%arg16 : memref<!tpu.dma_semaphore, #tpu.memory_space<semaphore_mem>>) src(%dma_wait3A_729 : memref<320xi32, #tpu.memory_space<vmem>>) dst(%dma_wait3A_728 : memref<320xi32, #tpu.memory_space<vmem_shared>>)
    %dma_wait3A_730 = tpu.memref_slice %arg8[%add3A_451] : memref<10240xf32, #tpu.memory_space<vmem>> -> memref<320xf32, #tpu.memory_space<vmem>>
    %dma_wait3A_731 = tpu.memref_slice %arg17[%mul3A_457] : memref<163840xf32, #tpu.memory_space<vmem_shared>> -> memref<320xf32, #tpu.memory_space<vmem_shared>>
    %dma_wait3A_732 = tpu.memref_slice %arg17[%mul3A_457] : memref<163840xf32, #tpu.memory_space<vmem_shared>> -> memref<320xf32, #tpu.memory_space<vmem_shared>>
    %dma_wait3A_733 = tpu.memref_slice %arg8[%add3A_451] : memref<10240xf32, #tpu.memory_space<vmem>> -> memref<320xf32, #tpu.memory_space<vmem>>
    tpu.wait_dma2 semaphore(%arg15 : memref<!tpu.dma_semaphore, #tpu.memory_space<semaphore_mem>>) src(%dma_wait3A_733 : memref<320xf32, #tpu.memory_space<vmem>>) dst(%dma_wait3A_732 : memref<320xf32, #tpu.memory_space<vmem_shared>>)
    %dma_wait3A_734 = tpu.memref_slice %arg9[%add3A_451] : memref<10240xi32, #tpu.memory_space<vmem>> -> memref<320xi32, #tpu.memory_space<vmem>>
    %dma_wait3A_735 = tpu.memref_slice %arg18[%mul3A_457] : memref<163840xi32, #tpu.memory_space<vmem_shared>> -> memref<320xi32, #tpu.memory_space<vmem_shared>>
    %dma_wait3A_736 = tpu.memref_slice %arg18[%mul3A_457] : memref<163840xi32, #tpu.memory_space<vmem_shared>> -> memref<320xi32, #tpu.memory_space<vmem_shared>>
    %dma_wait3A_737 = tpu.memref_slice %arg9[%add3A_451] : memref<10240xi32, #tpu.memory_space<vmem>> -> memref<320xi32, #tpu.memory_space<vmem>>
    tpu.wait_dma2 semaphore(%arg15 : memref<!tpu.dma_semaphore, #tpu.memory_space<semaphore_mem>>) src(%dma_wait3A_737 : memref<320xi32, #tpu.memory_space<vmem>>) dst(%dma_wait3A_736 : memref<320xi32, #tpu.memory_space<vmem_shared>>)
    %dma_wait3A_738 = tpu.memref_slice %arg10[%add3A_451] : memref<10240xf32, #tpu.memory_space<vmem>> -> memref<320xf32, #tpu.memory_space<vmem>>
    %dma_wait3A_739 = tpu.memref_slice %arg17[%add3A_467] : memref<163840xf32, #tpu.memory_space<vmem_shared>> -> memref<320xf32, #tpu.memory_space<vmem_shared>>
    %dma_wait3A_740 = tpu.memref_slice %arg17[%add3A_467] : memref<163840xf32, #tpu.memory_space<vmem_shared>> -> memref<320xf32, #tpu.memory_space<vmem_shared>>
    %dma_wait3A_741 = tpu.memref_slice %arg10[%add3A_451] : memref<10240xf32, #tpu.memory_space<vmem>> -> memref<320xf32, #tpu.memory_space<vmem>>
    tpu.wait_dma2 semaphore(%arg16 : memref<!tpu.dma_semaphore, #tpu.memory_space<semaphore_mem>>) src(%dma_wait3A_741 : memref<320xf32, #tpu.memory_space<vmem>>) dst(%dma_wait3A_740 : memref<320xf32, #tpu.memory_space<vmem_shared>>)
    %dma_wait3A_742 = tpu.memref_slice %arg11[%add3A_451] : memref<10240xi32, #tpu.memory_space<vmem>> -> memref<320xi32, #tpu.memory_space<vmem>>
    %dma_wait3A_743 = tpu.memref_slice %arg18[%add3A_473] : memref<163840xi32, #tpu.memory_space<vmem_shared>> -> memref<320xi32, #tpu.memory_space<vmem_shared>>
    %dma_wait3A_744 = tpu.memref_slice %arg18[%add3A_473] : memref<163840xi32, #tpu.memory_space<vmem_shared>> -> memref<320xi32, #tpu.memory_space<vmem_shared>>
    %dma_wait3A_745 = tpu.memref_slice %arg11[%add3A_451] : memref<10240xi32, #tpu.memory_space<vmem>> -> memref<320xi32, #tpu.memory_space<vmem>>
    tpu.wait_dma2 semaphore(%arg16 : memref<!tpu.dma_semaphore, #tpu.memory_space<semaphore_mem>>) src(%dma_wait3A_745 : memref<320xi32, #tpu.memory_space<vmem>>) dst(%dma_wait3A_744 : memref<320xi32, #tpu.memory_space<vmem_shared>>)
    %dma_wait3A_746 = tpu.memref_slice %arg8[%add3A_479] : memref<10240xf32, #tpu.memory_space<vmem>> -> memref<320xf32, #tpu.memory_space<vmem>>
    %dma_wait3A_747 = tpu.memref_slice %arg17[%mul3A_485] : memref<163840xf32, #tpu.memory_space<vmem_shared>> -> memref<320xf32, #tpu.memory_space<vmem_shared>>
    %dma_wait3A_748 = tpu.memref_slice %arg17[%mul3A_485] : memref<163840xf32, #tpu.memory_space<vmem_shared>> -> memref<320xf32, #tpu.memory_space<vmem_shared>>
    %dma_wait3A_749 = tpu.memref_slice %arg8[%add3A_479] : memref<10240xf32, #tpu.memory_space<vmem>> -> memref<320xf32, #tpu.memory_space<vmem>>
    tpu.wait_dma2 semaphore(%arg15 : memref<!tpu.dma_semaphore, #tpu.memory_space<semaphore_mem>>) src(%dma_wait3A_749 : memref<320xf32, #tpu.memory_space<vmem>>) dst(%dma_wait3A_748 : memref<320xf32, #tpu.memory_space<vmem_shared>>)
    %dma_wait3A_750 = tpu.memref_slice %arg9[%add3A_479] : memref<10240xi32, #tpu.memory_space<vmem>> -> memref<320xi32, #tpu.memory_space<vmem>>
    %dma_wait3A_751 = tpu.memref_slice %arg18[%mul3A_485] : memref<163840xi32, #tpu.memory_space<vmem_shared>> -> memref<320xi32, #tpu.memory_space<vmem_shared>>
    %dma_wait3A_752 = tpu.memref_slice %arg18[%mul3A_485] : memref<163840xi32, #tpu.memory_space<vmem_shared>> -> memref<320xi32, #tpu.memory_space<vmem_shared>>
    %dma_wait3A_753 = tpu.memref_slice %arg9[%add3A_479] : memref<10240xi32, #tpu.memory_space<vmem>> -> memref<320xi32, #tpu.memory_space<vmem>>
    tpu.wait_dma2 semaphore(%arg15 : memref<!tpu.dma_semaphore, #tpu.memory_space<semaphore_mem>>) src(%dma_wait3A_753 : memref<320xi32, #tpu.memory_space<vmem>>) dst(%dma_wait3A_752 : memref<320xi32, #tpu.memory_space<vmem_shared>>)
    %dma_wait3A_754 = tpu.memref_slice %arg10[%add3A_479] : memref<10240xf32, #tpu.memory_space<vmem>> -> memref<320xf32, #tpu.memory_space<vmem>>
    %dma_wait3A_755 = tpu.memref_slice %arg17[%add3A_495] : memref<163840xf32, #tpu.memory_space<vmem_shared>> -> memref<320xf32, #tpu.memory_space<vmem_shared>>
    %dma_wait3A_756 = tpu.memref_slice %arg17[%add3A_495] : memref<163840xf32, #tpu.memory_space<vmem_shared>> -> memref<320xf32, #tpu.memory_space<vmem_shared>>
    %dma_wait3A_757 = tpu.memref_slice %arg10[%add3A_479] : memref<10240xf32, #tpu.memory_space<vmem>> -> memref<320xf32, #tpu.memory_space<vmem>>
    tpu.wait_dma2 semaphore(%arg16 : memref<!tpu.dma_semaphore, #tpu.memory_space<semaphore_mem>>) src(%dma_wait3A_757 : memref<320xf32, #tpu.memory_space<vmem>>) dst(%dma_wait3A_756 : memref<320xf32, #tpu.memory_space<vmem_shared>>)
    %dma_wait3A_758 = tpu.memref_slice %arg11[%add3A_479] : memref<10240xi32, #tpu.memory_space<vmem>> -> memref<320xi32, #tpu.memory_space<vmem>>
    %dma_wait3A_759 = tpu.memref_slice %arg18[%add3A_501] : memref<163840xi32, #tpu.memory_space<vmem_shared>> -> memref<320xi32, #tpu.memory_space<vmem_shared>>
    %dma_wait3A_760 = tpu.memref_slice %arg18[%add3A_501] : memref<163840xi32, #tpu.memory_space<vmem_shared>> -> memref<320xi32, #tpu.memory_space<vmem_shared>>
    %dma_wait3A_761 = tpu.memref_slice %arg11[%add3A_479] : memref<10240xi32, #tpu.memory_space<vmem>> -> memref<320xi32, #tpu.memory_space<vmem>>
    tpu.wait_dma2 semaphore(%arg16 : memref<!tpu.dma_semaphore, #tpu.memory_space<semaphore_mem>>) src(%dma_wait3A_761 : memref<320xi32, #tpu.memory_space<vmem>>) dst(%dma_wait3A_760 : memref<320xi32, #tpu.memory_space<vmem_shared>>)
    %barrier3A_762 = arith.constant 0 : index
    tpu.barrier barrier_id(%barrier3A_762)
    %mul3A_763 = arith.constant 32 : i32
    %mul3A_764 = arith.muli %arg1, %mul3A_763 : i32
    %mul3A_765 = arith.constant 320 : i32
    %mul3A_766 = arith.muli %mul3A_764, %mul3A_765 : i32
    "tpu.region"() ({
      %run_scoped3A = tpu.sem_alloc : memref<!tpu.dma_semaphore, #tpu.memory_space<semaphore_mem>>
      %dma_start3A_897 = tpu.memref_slice %arg17[%mul3A_766] : memref<163840xf32, #tpu.memory_space<vmem_shared>> -> memref<10240xf32, #tpu.memory_space<vmem_shared>>
      %dma_start3A_898 = tpu.memref_slice %arg17[%mul3A_766] : memref<163840xf32, #tpu.memory_space<vmem_shared>> -> memref<10240xf32, #tpu.memory_space<vmem_shared>>
      tpu.enqueue_dma source(%dma_start3A_898 : memref<10240xf32, #tpu.memory_space<vmem_shared>>) target(%arg7 : memref<10240xf32, #tpu.memory_space<vmem>>) target_semaphore(%run_scoped3A : memref<!tpu.dma_semaphore, #tpu.memory_space<semaphore_mem>>)
      %dma_wait3A_899 = tpu.memref_slice %arg17[%mul3A_766] : memref<163840xf32, #tpu.memory_space<vmem_shared>> -> memref<10240xf32, #tpu.memory_space<vmem_shared>>
      %dma_wait3A_900 = tpu.memref_slice %arg17[%mul3A_766] : memref<163840xf32, #tpu.memory_space<vmem_shared>> -> memref<10240xf32, #tpu.memory_space<vmem_shared>>
      tpu.wait_dma2 semaphore(%run_scoped3A : memref<!tpu.dma_semaphore, #tpu.memory_space<semaphore_mem>>) src(%dma_wait3A_900 : memref<10240xf32, #tpu.memory_space<vmem_shared>>) dst(%arg7 : memref<10240xf32, #tpu.memory_space<vmem>>)
      tpu.yield
    }) : () -> ()
    %mul3A_767 = arith.constant 32 : i32
    %mul3A_768 = arith.muli %arg1, %mul3A_767 : i32
    %mul3A_769 = arith.constant 320 : i32
    %mul3A_770 = arith.muli %mul3A_768, %mul3A_769 : i32
    "tpu.region"() ({
      %run_scoped3A = tpu.sem_alloc : memref<!tpu.dma_semaphore, #tpu.memory_space<semaphore_mem>>
      %dma_start3A_897 = tpu.memref_slice %arg18[%mul3A_770] : memref<163840xi32, #tpu.memory_space<vmem_shared>> -> memref<10240xi32, #tpu.memory_space<vmem_shared>>
      %dma_start3A_898 = tpu.memref_slice %arg18[%mul3A_770] : memref<163840xi32, #tpu.memory_space<vmem_shared>> -> memref<10240xi32, #tpu.memory_space<vmem_shared>>
      tpu.enqueue_dma source(%dma_start3A_898 : memref<10240xi32, #tpu.memory_space<vmem_shared>>) target(%arg6 : memref<10240xi32, #tpu.memory_space<vmem>>) target_semaphore(%run_scoped3A : memref<!tpu.dma_semaphore, #tpu.memory_space<semaphore_mem>>)
      %dma_wait3A_899 = tpu.memref_slice %arg18[%mul3A_770] : memref<163840xi32, #tpu.memory_space<vmem_shared>> -> memref<10240xi32, #tpu.memory_space<vmem_shared>>
      %dma_wait3A_900 = tpu.memref_slice %arg18[%mul3A_770] : memref<163840xi32, #tpu.memory_space<vmem_shared>> -> memref<10240xi32, #tpu.memory_space<vmem_shared>>
      tpu.wait_dma2 semaphore(%run_scoped3A : memref<!tpu.dma_semaphore, #tpu.memory_space<semaphore_mem>>) src(%dma_wait3A_900 : memref<10240xi32, #tpu.memory_space<vmem_shared>>) dst(%arg6 : memref<10240xi32, #tpu.memory_space<vmem>>)
      tpu.yield
    }) : () -> ()
    %mul3A_771 = arith.constant 320 : i32
    %mul3A_772 = arith.muli %arg1, %mul3A_771 : i32
    %add3A_773 = arith.addi %mul3A_0, %mul3A_772 : i32
    %scan3A_774 = arith.constant 0 : i32
    %scan3A_775 = arith.constant 0 : i32
    %scan3A_776 = arith.constant 20 : i32
    %scan3A_777 = arith.addi %scan3A_775, %scan3A_776 : i32
    %scan3A_778 = arith.constant 1 : i32
    scf.for %scan3A_897 = %scan3A_775 to %scan3A_777 step %scan3A_778  : i32 {
      %mul3A_898 = arith.constant 16 : i32
      %mul3A_899 = arith.muli %scan3A_897, %mul3A_898 : i32
      %get3A_900 = arith.index_cast %mul3A_899 : i32 to index
      %get3A_901 = tpu.vector_load %arg7[%get3A_900] {strides = array<i32>} : memref<10240xf32, #tpu.memory_space<vmem>>, vector<16xf32>,
      %mul3A_902 = arith.constant 16 : i32
      %mul3A_903 = arith.muli %scan3A_897, %mul3A_902 : i32
      %get3A_904 = arith.index_cast %mul3A_903 : i32 to index
      %get3A_905 = tpu.vector_load %arg6[%get3A_904] {strides = array<i32>} : memref<10240xi32, #tpu.memory_space<vmem>>, vector<16xi32>,
      %mul3A_906 = arith.constant 16 : i32
      %mul3A_907 = arith.muli %scan3A_897, %mul3A_906 : i32
      %add3A_908 = arith.constant 320 : i32
      %add3A_909 = arith.addi %add3A_908, %mul3A_907 : i32
      %get3A_910 = arith.index_cast %add3A_909 : i32 to index
      %get3A_911 = tpu.vector_load %arg7[%get3A_910] {strides = array<i32>} : memref<10240xf32, #tpu.memory_space<vmem>>, vector<16xf32>,
      %mul3A_912 = arith.constant 16 : i32
      %mul3A_913 = arith.muli %scan3A_897, %mul3A_912 : i32
      %add3A_914 = arith.constant 320 : i32
      %add3A_915 = arith.addi %add3A_914, %mul3A_913 : i32
      %get3A_916 = arith.index_cast %add3A_915 : i32 to index
      %get3A_917 = tpu.vector_load %arg6[%get3A_916] {strides = array<i32>} : memref<10240xi32, #tpu.memory_space<vmem>>, vector<16xi32>,
      %gt3A = arith.cmpf ogt, %get3A_911, %get3A_901 : vector<16xf32>
      %select_n3A = arith.select %gt3A, %get3A_911, %get3A_901 : vector<16xi1>, vector<16xf32>
      %select_n3A_918 = arith.select %gt3A, %get3A_917, %get3A_905 : vector<16xi1>, vector<16xi32>
      %mul3A_919 = arith.constant 16 : i32
      %mul3A_920 = arith.muli %scan3A_897, %mul3A_919 : i32
      %add3A_921 = arith.constant 640 : i32
      %add3A_922 = arith.addi %add3A_921, %mul3A_920 : i32
      %get3A_923 = arith.index_cast %add3A_922 : i32 to index
      %get3A_924 = tpu.vector_load %arg7[%get3A_923] {strides = array<i32>} : memref<10240xf32, #tpu.memory_space<vmem>>, vector<16xf32>,
      %mul3A_925 = arith.constant 16 : i32
      %mul3A_926 = arith.muli %scan3A_897, %mul3A_925 : i32
      %add3A_927 = arith.constant 640 : i32
      %add3A_928 = arith.addi %add3A_927, %mul3A_926 : i32
      %get3A_929 = arith.index_cast %add3A_928 : i32 to index
      %get3A_930 = tpu.vector_load %arg6[%get3A_929] {strides = array<i32>} : memref<10240xi32, #tpu.memory_space<vmem>>, vector<16xi32>,
      %gt3A_931 = arith.cmpf ogt, %get3A_924, %select_n3A : vector<16xf32>
      %select_n3A_932 = arith.select %gt3A_931, %get3A_924, %select_n3A : vector<16xi1>, vector<16xf32>
      %select_n3A_933 = arith.select %gt3A_931, %get3A_930, %select_n3A_918 : vector<16xi1>, vector<16xi32>
      %mul3A_934 = arith.constant 16 : i32
      %mul3A_935 = arith.muli %scan3A_897, %mul3A_934 : i32
      %add3A_936 = arith.constant 960 : i32
      %add3A_937 = arith.addi %add3A_936, %mul3A_935 : i32
      %get3A_938 = arith.index_cast %add3A_937 : i32 to index
      %get3A_939 = tpu.vector_load %arg7[%get3A_938] {strides = array<i32>} : memref<10240xf32, #tpu.memory_space<vmem>>, vector<16xf32>,
      %mul3A_940 = arith.constant 16 : i32
      %mul3A_941 = arith.muli %scan3A_897, %mul3A_940 : i32
      %add3A_942 = arith.constant 960 : i32
      %add3A_943 = arith.addi %add3A_942, %mul3A_941 : i32
      %get3A_944 = arith.index_cast %add3A_943 : i32 to index
      %get3A_945 = tpu.vector_load %arg6[%get3A_944] {strides = array<i32>} : memref<10240xi32, #tpu.memory_space<vmem>>, vector<16xi32>,
      %gt3A_946 = arith.cmpf ogt, %get3A_939, %select_n3A_932 : vector<16xf32>
      %select_n3A_947 = arith.select %gt3A_946, %get3A_939, %select_n3A_932 : vector<16xi1>, vector<16xf32>
      %select_n3A_948 = arith.select %gt3A_946, %get3A_945, %select_n3A_933 : vector<16xi1>, vector<16xi32>
      %mul3A_949 = arith.constant 16 : i32
      %mul3A_950 = arith.muli %scan3A_897, %mul3A_949 : i32
      %add3A_951 = arith.constant 1280 : i32
      %add3A_952 = arith.addi %add3A_951, %mul3A_950 : i32
      %get3A_953 = arith.index_cast %add3A_952 : i32 to index
      %get3A_954 = tpu.vector_load %arg7[%get3A_953] {strides = array<i32>} : memref<10240xf32, #tpu.memory_space<vmem>>, vector<16xf32>,
      %mul3A_955 = arith.constant 16 : i32
      %mul3A_956 = arith.muli %scan3A_897, %mul3A_955 : i32
      %add3A_957 = arith.constant 1280 : i32
      %add3A_958 = arith.addi %add3A_957, %mul3A_956 : i32
      %get3A_959 = arith.index_cast %add3A_958 : i32 to index
      %get3A_960 = tpu.vector_load %arg6[%get3A_959] {strides = array<i32>} : memref<10240xi32, #tpu.memory_space<vmem>>, vector<16xi32>,
      %gt3A_961 = arith.cmpf ogt, %get3A_954, %select_n3A_947 : vector<16xf32>
      %select_n3A_962 = arith.select %gt3A_961, %get3A_954, %select_n3A_947 : vector<16xi1>, vector<16xf32>
      %select_n3A_963 = arith.select %gt3A_961, %get3A_960, %select_n3A_948 : vector<16xi1>, vector<16xi32>
      %mul3A_964 = arith.constant 16 : i32
      %mul3A_965 = arith.muli %scan3A_897, %mul3A_964 : i32
      %add3A_966 = arith.constant 1600 : i32
      %add3A_967 = arith.addi %add3A_966, %mul3A_965 : i32
      %get3A_968 = arith.index_cast %add3A_967 : i32 to index
      %get3A_969 = tpu.vector_load %arg7[%get3A_968] {strides = array<i32>} : memref<10240xf32, #tpu.memory_space<vmem>>, vector<16xf32>,
      %mul3A_970 = arith.constant 16 : i32
      %mul3A_971 = arith.muli %scan3A_897, %mul3A_970 : i32
      %add3A_972 = arith.constant 1600 : i32
      %add3A_973 = arith.addi %add3A_972, %mul3A_971 : i32
      %get3A_974 = arith.index_cast %add3A_973 : i32 to index
      %get3A_975 = tpu.vector_load %arg6[%get3A_974] {strides = array<i32>} : memref<10240xi32, #tpu.memory_space<vmem>>, vector<16xi32>,
      %gt3A_976 = arith.cmpf ogt, %get3A_969, %select_n3A_962 : vector<16xf32>
      %select_n3A_977 = arith.select %gt3A_976, %get3A_969, %select_n3A_962 : vector<16xi1>, vector<16xf32>
      %select_n3A_978 = arith.select %gt3A_976, %get3A_975, %select_n3A_963 : vector<16xi1>, vector<16xi32>
      %mul3A_979 = arith.constant 16 : i32
      %mul3A_980 = arith.muli %scan3A_897, %mul3A_979 : i32
      %add3A_981 = arith.constant 1920 : i32
      %add3A_982 = arith.addi %add3A_981, %mul3A_980 : i32
      %get3A_983 = arith.index_cast %add3A_982 : i32 to index
      %get3A_984 = tpu.vector_load %arg7[%get3A_983] {strides = array<i32>} : memref<10240xf32, #tpu.memory_space<vmem>>, vector<16xf32>,
      %mul3A_985 = arith.constant 16 : i32
      %mul3A_986 = arith.muli %scan3A_897, %mul3A_985 : i32
      %add3A_987 = arith.constant 1920 : i32
      %add3A_988 = arith.addi %add3A_987, %mul3A_986 : i32
      %get3A_989 = arith.index_cast %add3A_988 : i32 to index
      %get3A_990 = tpu.vector_load %arg6[%get3A_989] {strides = array<i32>} : memref<10240xi32, #tpu.memory_space<vmem>>, vector<16xi32>,
      %gt3A_991 = arith.cmpf ogt, %get3A_984, %select_n3A_977 : vector<16xf32>
      %select_n3A_992 = arith.select %gt3A_991, %get3A_984, %select_n3A_977 : vector<16xi1>, vector<16xf32>
      %select_n3A_993 = arith.select %gt3A_991, %get3A_990, %select_n3A_978 : vector<16xi1>, vector<16xi32>
      %mul3A_994 = arith.constant 16 : i32
      %mul3A_995 = arith.muli %scan3A_897, %mul3A_994 : i32
      %add3A_996 = arith.constant 2240 : i32
      %add3A_997 = arith.addi %add3A_996, %mul3A_995 : i32
      %get3A_998 = arith.index_cast %add3A_997 : i32 to index
      %get3A_999 = tpu.vector_load %arg7[%get3A_998] {strides = array<i32>} : memref<10240xf32, #tpu.memory_space<vmem>>, vector<16xf32>,
      %mul3A_1000 = arith.constant 16 : i32
      %mul3A_1001 = arith.muli %scan3A_897, %mul3A_1000 : i32
      %add3A_1002 = arith.constant 2240 : i32
      %add3A_1003 = arith.addi %add3A_1002, %mul3A_1001 : i32
      %get3A_1004 = arith.index_cast %add3A_1003 : i32 to index
      %get3A_1005 = tpu.vector_load %arg6[%get3A_1004] {strides = array<i32>} : memref<10240xi32, #tpu.memory_space<vmem>>, vector<16xi32>,
      %gt3A_1006 = arith.cmpf ogt, %get3A_999, %select_n3A_992 : vector<16xf32>
      %select_n3A_1007 = arith.select %gt3A_1006, %get3A_999, %select_n3A_992 : vector<16xi1>, vector<16xf32>
      %select_n3A_1008 = arith.select %gt3A_1006, %get3A_1005, %select_n3A_993 : vector<16xi1>, vector<16xi32>
      %mul3A_1009 = arith.constant 16 : i32
      %mul3A_1010 = arith.muli %scan3A_897, %mul3A_1009 : i32
      %add3A_1011 = arith.constant 2560 : i32
      %add3A_1012 = arith.addi %add3A_1011, %mul3A_1010 : i32
      %get3A_1013 = arith.index_cast %add3A_1012 : i32 to index
      %get3A_1014 = tpu.vector_load %arg7[%get3A_1013] {strides = array<i32>} : memref<10240xf32, #tpu.memory_space<vmem>>, vector<16xf32>,
      %mul3A_1015 = arith.constant 16 : i32
      %mul3A_1016 = arith.muli %scan3A_897, %mul3A_1015 : i32
      %add3A_1017 = arith.constant 2560 : i32
      %add3A_1018 = arith.addi %add3A_1017, %mul3A_1016 : i32
      %get3A_1019 = arith.index_cast %add3A_1018 : i32 to index
      %get3A_1020 = tpu.vector_load %arg6[%get3A_1019] {strides = array<i32>} : memref<10240xi32, #tpu.memory_space<vmem>>, vector<16xi32>,
      %gt3A_1021 = arith.cmpf ogt, %get3A_1014, %select_n3A_1007 : vector<16xf32>
      %select_n3A_1022 = arith.select %gt3A_1021, %get3A_1014, %select_n3A_1007 : vector<16xi1>, vector<16xf32>
      %select_n3A_1023 = arith.select %gt3A_1021, %get3A_1020, %select_n3A_1008 : vector<16xi1>, vector<16xi32>
      %mul3A_1024 = arith.constant 16 : i32
      %mul3A_1025 = arith.muli %scan3A_897, %mul3A_1024 : i32
      %add3A_1026 = arith.constant 2880 : i32
      %add3A_1027 = arith.addi %add3A_1026, %mul3A_1025 : i32
      %get3A_1028 = arith.index_cast %add3A_1027 : i32 to index
      %get3A_1029 = tpu.vector_load %arg7[%get3A_1028] {strides = array<i32>} : memref<10240xf32, #tpu.memory_space<vmem>>, vector<16xf32>,
      %mul3A_1030 = arith.constant 16 : i32
      %mul3A_1031 = arith.muli %scan3A_897, %mul3A_1030 : i32
      %add3A_1032 = arith.constant 2880 : i32
      %add3A_1033 = arith.addi %add3A_1032, %mul3A_1031 : i32
      %get3A_1034 = arith.index_cast %add3A_1033 : i32 to index
      %get3A_1035 = tpu.vector_load %arg6[%get3A_1034] {strides = array<i32>} : memref<10240xi32, #tpu.memory_space<vmem>>, vector<16xi32>,
      %gt3A_1036 = arith.cmpf ogt, %get3A_1029, %select_n3A_1022 : vector<16xf32>
      %select_n3A_1037 = arith.select %gt3A_1036, %get3A_1029, %select_n3A_1022 : vector<16xi1>, vector<16xf32>
      %select_n3A_1038 = arith.select %gt3A_1036, %get3A_1035, %select_n3A_1023 : vector<16xi1>, vector<16xi32>
      %mul3A_1039 = arith.constant 16 : i32
      %mul3A_1040 = arith.muli %scan3A_897, %mul3A_1039 : i32
      %add3A_1041 = arith.constant 3200 : i32
      %add3A_1042 = arith.addi %add3A_1041, %mul3A_1040 : i32
      %get3A_1043 = arith.index_cast %add3A_1042 : i32 to index
      %get3A_1044 = tpu.vector_load %arg7[%get3A_1043] {strides = array<i32>} : memref<10240xf32, #tpu.memory_space<vmem>>, vector<16xf32>,
      %mul3A_1045 = arith.constant 16 : i32
      %mul3A_1046 = arith.muli %scan3A_897, %mul3A_1045 : i32
      %add3A_1047 = arith.constant 3200 : i32
      %add3A_1048 = arith.addi %add3A_1047, %mul3A_1046 : i32
      %get3A_1049 = arith.index_cast %add3A_1048 : i32 to index
      %get3A_1050 = tpu.vector_load %arg6[%get3A_1049] {strides = array<i32>} : memref<10240xi32, #tpu.memory_space<vmem>>, vector<16xi32>,
      %gt3A_1051 = arith.cmpf ogt, %get3A_1044, %select_n3A_1037 : vector<16xf32>
      %select_n3A_1052 = arith.select %gt3A_1051, %get3A_1044, %select_n3A_1037 : vector<16xi1>, vector<16xf32>
      %select_n3A_1053 = arith.select %gt3A_1051, %get3A_1050, %select_n3A_1038 : vector<16xi1>, vector<16xi32>
      %mul3A_1054 = arith.constant 16 : i32
      %mul3A_1055 = arith.muli %scan3A_897, %mul3A_1054 : i32
      %add3A_1056 = arith.constant 3520 : i32
      %add3A_1057 = arith.addi %add3A_1056, %mul3A_1055 : i32
      %get3A_1058 = arith.index_cast %add3A_1057 : i32 to index
      %get3A_1059 = tpu.vector_load %arg7[%get3A_1058] {strides = array<i32>} : memref<10240xf32, #tpu.memory_space<vmem>>, vector<16xf32>,
      %mul3A_1060 = arith.constant 16 : i32
      %mul3A_1061 = arith.muli %scan3A_897, %mul3A_1060 : i32
      %add3A_1062 = arith.constant 3520 : i32
      %add3A_1063 = arith.addi %add3A_1062, %mul3A_1061 : i32
      %get3A_1064 = arith.index_cast %add3A_1063 : i32 to index
      %get3A_1065 = tpu.vector_load %arg6[%get3A_1064] {strides = array<i32>} : memref<10240xi32, #tpu.memory_space<vmem>>, vector<16xi32>,
      %gt3A_1066 = arith.cmpf ogt, %get3A_1059, %select_n3A_1052 : vector<16xf32>
      %select_n3A_1067 = arith.select %gt3A_1066, %get3A_1059, %select_n3A_1052 : vector<16xi1>, vector<16xf32>
      %select_n3A_1068 = arith.select %gt3A_1066, %get3A_1065, %select_n3A_1053 : vector<16xi1>, vector<16xi32>
      %mul3A_1069 = arith.constant 16 : i32
      %mul3A_1070 = arith.muli %scan3A_897, %mul3A_1069 : i32
      %add3A_1071 = arith.constant 3840 : i32
      %add3A_1072 = arith.addi %add3A_1071, %mul3A_1070 : i32
      %get3A_1073 = arith.index_cast %add3A_1072 : i32 to index
      %get3A_1074 = tpu.vector_load %arg7[%get3A_1073] {strides = array<i32>} : memref<10240xf32, #tpu.memory_space<vmem>>, vector<16xf32>,
      %mul3A_1075 = arith.constant 16 : i32
      %mul3A_1076 = arith.muli %scan3A_897, %mul3A_1075 : i32
      %add3A_1077 = arith.constant 3840 : i32
      %add3A_1078 = arith.addi %add3A_1077, %mul3A_1076 : i32
      %get3A_1079 = arith.index_cast %add3A_1078 : i32 to index
      %get3A_1080 = tpu.vector_load %arg6[%get3A_1079] {strides = array<i32>} : memref<10240xi32, #tpu.memory_space<vmem>>, vector<16xi32>,
      %gt3A_1081 = arith.cmpf ogt, %get3A_1074, %select_n3A_1067 : vector<16xf32>
      %select_n3A_1082 = arith.select %gt3A_1081, %get3A_1074, %select_n3A_1067 : vector<16xi1>, vector<16xf32>
      %select_n3A_1083 = arith.select %gt3A_1081, %get3A_1080, %select_n3A_1068 : vector<16xi1>, vector<16xi32>
      %mul3A_1084 = arith.constant 16 : i32
      %mul3A_1085 = arith.muli %scan3A_897, %mul3A_1084 : i32
      %add3A_1086 = arith.constant 4160 : i32
      %add3A_1087 = arith.addi %add3A_1086, %mul3A_1085 : i32
      %get3A_1088 = arith.index_cast %add3A_1087 : i32 to index
      %get3A_1089 = tpu.vector_load %arg7[%get3A_1088] {strides = array<i32>} : memref<10240xf32, #tpu.memory_space<vmem>>, vector<16xf32>,
      %mul3A_1090 = arith.constant 16 : i32
      %mul3A_1091 = arith.muli %scan3A_897, %mul3A_1090 : i32
      %add3A_1092 = arith.constant 4160 : i32
      %add3A_1093 = arith.addi %add3A_1092, %mul3A_1091 : i32
      %get3A_1094 = arith.index_cast %add3A_1093 : i32 to index
      %get3A_1095 = tpu.vector_load %arg6[%get3A_1094] {strides = array<i32>} : memref<10240xi32, #tpu.memory_space<vmem>>, vector<16xi32>,
      %gt3A_1096 = arith.cmpf ogt, %get3A_1089, %select_n3A_1082 : vector<16xf32>
      %select_n3A_1097 = arith.select %gt3A_1096, %get3A_1089, %select_n3A_1082 : vector<16xi1>, vector<16xf32>
      %select_n3A_1098 = arith.select %gt3A_1096, %get3A_1095, %select_n3A_1083 : vector<16xi1>, vector<16xi32>
      %mul3A_1099 = arith.constant 16 : i32
      %mul3A_1100 = arith.muli %scan3A_897, %mul3A_1099 : i32
      %add3A_1101 = arith.constant 4480 : i32
      %add3A_1102 = arith.addi %add3A_1101, %mul3A_1100 : i32
      %get3A_1103 = arith.index_cast %add3A_1102 : i32 to index
      %get3A_1104 = tpu.vector_load %arg7[%get3A_1103] {strides = array<i32>} : memref<10240xf32, #tpu.memory_space<vmem>>, vector<16xf32>,
      %mul3A_1105 = arith.constant 16 : i32
      %mul3A_1106 = arith.muli %scan3A_897, %mul3A_1105 : i32
      %add3A_1107 = arith.constant 4480 : i32
      %add3A_1108 = arith.addi %add3A_1107, %mul3A_1106 : i32
      %get3A_1109 = arith.index_cast %add3A_1108 : i32 to index
      %get3A_1110 = tpu.vector_load %arg6[%get3A_1109] {strides = array<i32>} : memref<10240xi32, #tpu.memory_space<vmem>>, vector<16xi32>,
      %gt3A_1111 = arith.cmpf ogt, %get3A_1104, %select_n3A_1097 : vector<16xf32>
      %select_n3A_1112 = arith.select %gt3A_1111, %get3A_1104, %select_n3A_1097 : vector<16xi1>, vector<16xf32>
      %select_n3A_1113 = arith.select %gt3A_1111, %get3A_1110, %select_n3A_1098 : vector<16xi1>, vector<16xi32>
      %mul3A_1114 = arith.constant 16 : i32
      %mul3A_1115 = arith.muli %scan3A_897, %mul3A_1114 : i32
      %add3A_1116 = arith.constant 4800 : i32
      %add3A_1117 = arith.addi %add3A_1116, %mul3A_1115 : i32
      %get3A_1118 = arith.index_cast %add3A_1117 : i32 to index
      %get3A_1119 = tpu.vector_load %arg7[%get3A_1118] {strides = array<i32>} : memref<10240xf32, #tpu.memory_space<vmem>>, vector<16xf32>,
      %mul3A_1120 = arith.constant 16 : i32
      %mul3A_1121 = arith.muli %scan3A_897, %mul3A_1120 : i32
      %add3A_1122 = arith.constant 4800 : i32
      %add3A_1123 = arith.addi %add3A_1122, %mul3A_1121 : i32
      %get3A_1124 = arith.index_cast %add3A_1123 : i32 to index
      %get3A_1125 = tpu.vector_load %arg6[%get3A_1124] {strides = array<i32>} : memref<10240xi32, #tpu.memory_space<vmem>>, vector<16xi32>,
      %gt3A_1126 = arith.cmpf ogt, %get3A_1119, %select_n3A_1112 : vector<16xf32>
      %select_n3A_1127 = arith.select %gt3A_1126, %get3A_1119, %select_n3A_1112 : vector<16xi1>, vector<16xf32>
      %select_n3A_1128 = arith.select %gt3A_1126, %get3A_1125, %select_n3A_1113 : vector<16xi1>, vector<16xi32>
      %mul3A_1129 = arith.constant 16 : i32
      %mul3A_1130 = arith.muli %scan3A_897, %mul3A_1129 : i32
      %add3A_1131 = arith.constant 5120 : i32
      %add3A_1132 = arith.addi %add3A_1131, %mul3A_1130 : i32
      %get3A_1133 = arith.index_cast %add3A_1132 : i32 to index
      %get3A_1134 = tpu.vector_load %arg7[%get3A_1133] {strides = array<i32>} : memref<10240xf32, #tpu.memory_space<vmem>>, vector<16xf32>,
      %mul3A_1135 = arith.constant 16 : i32
      %mul3A_1136 = arith.muli %scan3A_897, %mul3A_1135 : i32
      %add3A_1137 = arith.constant 5120 : i32
      %add3A_1138 = arith.addi %add3A_1137, %mul3A_1136 : i32
      %get3A_1139 = arith.index_cast %add3A_1138 : i32 to index
      %get3A_1140 = tpu.vector_load %arg6[%get3A_1139] {strides = array<i32>} : memref<10240xi32, #tpu.memory_space<vmem>>, vector<16xi32>,
      %gt3A_1141 = arith.cmpf ogt, %get3A_1134, %select_n3A_1127 : vector<16xf32>
      %select_n3A_1142 = arith.select %gt3A_1141, %get3A_1134, %select_n3A_1127 : vector<16xi1>, vector<16xf32>
      %select_n3A_1143 = arith.select %gt3A_1141, %get3A_1140, %select_n3A_1128 : vector<16xi1>, vector<16xi32>
      %mul3A_1144 = arith.constant 16 : i32
      %mul3A_1145 = arith.muli %scan3A_897, %mul3A_1144 : i32
      %add3A_1146 = arith.constant 5440 : i32
      %add3A_1147 = arith.addi %add3A_1146, %mul3A_1145 : i32
      %get3A_1148 = arith.index_cast %add3A_1147 : i32 to index
      %get3A_1149 = tpu.vector_load %arg7[%get3A_1148] {strides = array<i32>} : memref<10240xf32, #tpu.memory_space<vmem>>, vector<16xf32>,
      %mul3A_1150 = arith.constant 16 : i32
      %mul3A_1151 = arith.muli %scan3A_897, %mul3A_1150 : i32
      %add3A_1152 = arith.constant 5440 : i32
      %add3A_1153 = arith.addi %add3A_1152, %mul3A_1151 : i32
      %get3A_1154 = arith.index_cast %add3A_1153 : i32 to index
      %get3A_1155 = tpu.vector_load %arg6[%get3A_1154] {strides = array<i32>} : memref<10240xi32, #tpu.memory_space<vmem>>, vector<16xi32>,
      %gt3A_1156 = arith.cmpf ogt, %get3A_1149, %select_n3A_1142 : vector<16xf32>
      %select_n3A_1157 = arith.select %gt3A_1156, %get3A_1149, %select_n3A_1142 : vector<16xi1>, vector<16xf32>
      %select_n3A_1158 = arith.select %gt3A_1156, %get3A_1155, %select_n3A_1143 : vector<16xi1>, vector<16xi32>
      %mul3A_1159 = arith.constant 16 : i32
      %mul3A_1160 = arith.muli %scan3A_897, %mul3A_1159 : i32
      %add3A_1161 = arith.constant 5760 : i32
      %add3A_1162 = arith.addi %add3A_1161, %mul3A_1160 : i32
      %get3A_1163 = arith.index_cast %add3A_1162 : i32 to index
      %get3A_1164 = tpu.vector_load %arg7[%get3A_1163] {strides = array<i32>} : memref<10240xf32, #tpu.memory_space<vmem>>, vector<16xf32>,
      %mul3A_1165 = arith.constant 16 : i32
      %mul3A_1166 = arith.muli %scan3A_897, %mul3A_1165 : i32
      %add3A_1167 = arith.constant 5760 : i32
      %add3A_1168 = arith.addi %add3A_1167, %mul3A_1166 : i32
      %get3A_1169 = arith.index_cast %add3A_1168 : i32 to index
      %get3A_1170 = tpu.vector_load %arg6[%get3A_1169] {strides = array<i32>} : memref<10240xi32, #tpu.memory_space<vmem>>, vector<16xi32>,
      %gt3A_1171 = arith.cmpf ogt, %get3A_1164, %select_n3A_1157 : vector<16xf32>
      %select_n3A_1172 = arith.select %gt3A_1171, %get3A_1164, %select_n3A_1157 : vector<16xi1>, vector<16xf32>
      %select_n3A_1173 = arith.select %gt3A_1171, %get3A_1170, %select_n3A_1158 : vector<16xi1>, vector<16xi32>
      %mul3A_1174 = arith.constant 16 : i32
      %mul3A_1175 = arith.muli %scan3A_897, %mul3A_1174 : i32
      %add3A_1176 = arith.constant 6080 : i32
      %add3A_1177 = arith.addi %add3A_1176, %mul3A_1175 : i32
      %get3A_1178 = arith.index_cast %add3A_1177 : i32 to index
      %get3A_1179 = tpu.vector_load %arg7[%get3A_1178] {strides = array<i32>} : memref<10240xf32, #tpu.memory_space<vmem>>, vector<16xf32>,
      %mul3A_1180 = arith.constant 16 : i32
      %mul3A_1181 = arith.muli %scan3A_897, %mul3A_1180 : i32
      %add3A_1182 = arith.constant 6080 : i32
      %add3A_1183 = arith.addi %add3A_1182, %mul3A_1181 : i32
      %get3A_1184 = arith.index_cast %add3A_1183 : i32 to index
      %get3A_1185 = tpu.vector_load %arg6[%get3A_1184] {strides = array<i32>} : memref<10240xi32, #tpu.memory_space<vmem>>, vector<16xi32>,
      %gt3A_1186 = arith.cmpf ogt, %get3A_1179, %select_n3A_1172 : vector<16xf32>
      %select_n3A_1187 = arith.select %gt3A_1186, %get3A_1179, %select_n3A_1172 : vector<16xi1>, vector<16xf32>
      %select_n3A_1188 = arith.select %gt3A_1186, %get3A_1185, %select_n3A_1173 : vector<16xi1>, vector<16xi32>
      %mul3A_1189 = arith.constant 16 : i32
      %mul3A_1190 = arith.muli %scan3A_897, %mul3A_1189 : i32
      %add3A_1191 = arith.constant 6400 : i32
      %add3A_1192 = arith.addi %add3A_1191, %mul3A_1190 : i32
      %get3A_1193 = arith.index_cast %add3A_1192 : i32 to index
      %get3A_1194 = tpu.vector_load %arg7[%get3A_1193] {strides = array<i32>} : memref<10240xf32, #tpu.memory_space<vmem>>, vector<16xf32>,
      %mul3A_1195 = arith.constant 16 : i32
      %mul3A_1196 = arith.muli %scan3A_897, %mul3A_1195 : i32
      %add3A_1197 = arith.constant 6400 : i32
      %add3A_1198 = arith.addi %add3A_1197, %mul3A_1196 : i32
      %get3A_1199 = arith.index_cast %add3A_1198 : i32 to index
      %get3A_1200 = tpu.vector_load %arg6[%get3A_1199] {strides = array<i32>} : memref<10240xi32, #tpu.memory_space<vmem>>, vector<16xi32>,
      %gt3A_1201 = arith.cmpf ogt, %get3A_1194, %select_n3A_1187 : vector<16xf32>
      %select_n3A_1202 = arith.select %gt3A_1201, %get3A_1194, %select_n3A_1187 : vector<16xi1>, vector<16xf32>
      %select_n3A_1203 = arith.select %gt3A_1201, %get3A_1200, %select_n3A_1188 : vector<16xi1>, vector<16xi32>
      %mul3A_1204 = arith.constant 16 : i32
      %mul3A_1205 = arith.muli %scan3A_897, %mul3A_1204 : i32
      %add3A_1206 = arith.constant 6720 : i32
      %add3A_1207 = arith.addi %add3A_1206, %mul3A_1205 : i32
      %get3A_1208 = arith.index_cast %add3A_1207 : i32 to index
      %get3A_1209 = tpu.vector_load %arg7[%get3A_1208] {strides = array<i32>} : memref<10240xf32, #tpu.memory_space<vmem>>, vector<16xf32>,
      %mul3A_1210 = arith.constant 16 : i32
      %mul3A_1211 = arith.muli %scan3A_897, %mul3A_1210 : i32
      %add3A_1212 = arith.constant 6720 : i32
      %add3A_1213 = arith.addi %add3A_1212, %mul3A_1211 : i32
      %get3A_1214 = arith.index_cast %add3A_1213 : i32 to index
      %get3A_1215 = tpu.vector_load %arg6[%get3A_1214] {strides = array<i32>} : memref<10240xi32, #tpu.memory_space<vmem>>, vector<16xi32>,
      %gt3A_1216 = arith.cmpf ogt, %get3A_1209, %select_n3A_1202 : vector<16xf32>
      %select_n3A_1217 = arith.select %gt3A_1216, %get3A_1209, %select_n3A_1202 : vector<16xi1>, vector<16xf32>
      %select_n3A_1218 = arith.select %gt3A_1216, %get3A_1215, %select_n3A_1203 : vector<16xi1>, vector<16xi32>
      %mul3A_1219 = arith.constant 16 : i32
      %mul3A_1220 = arith.muli %scan3A_897, %mul3A_1219 : i32
      %add3A_1221 = arith.constant 7040 : i32
      %add3A_1222 = arith.addi %add3A_1221, %mul3A_1220 : i32
      %get3A_1223 = arith.index_cast %add3A_1222 : i32 to index
      %get3A_1224 = tpu.vector_load %arg7[%get3A_1223] {strides = array<i32>} : memref<10240xf32, #tpu.memory_space<vmem>>, vector<16xf32>,
      %mul3A_1225 = arith.constant 16 : i32
      %mul3A_1226 = arith.muli %scan3A_897, %mul3A_1225 : i32
      %add3A_1227 = arith.constant 7040 : i32
      %add3A_1228 = arith.addi %add3A_1227, %mul3A_1226 : i32
      %get3A_1229 = arith.index_cast %add3A_1228 : i32 to index
      %get3A_1230 = tpu.vector_load %arg6[%get3A_1229] {strides = array<i32>} : memref<10240xi32, #tpu.memory_space<vmem>>, vector<16xi32>,
      %gt3A_1231 = arith.cmpf ogt, %get3A_1224, %select_n3A_1217 : vector<16xf32>
      %select_n3A_1232 = arith.select %gt3A_1231, %get3A_1224, %select_n3A_1217 : vector<16xi1>, vector<16xf32>
      %select_n3A_1233 = arith.select %gt3A_1231, %get3A_1230, %select_n3A_1218 : vector<16xi1>, vector<16xi32>
      %mul3A_1234 = arith.constant 16 : i32
      %mul3A_1235 = arith.muli %scan3A_897, %mul3A_1234 : i32
      %add3A_1236 = arith.constant 7360 : i32
      %add3A_1237 = arith.addi %add3A_1236, %mul3A_1235 : i32
      %get3A_1238 = arith.index_cast %add3A_1237 : i32 to index
      %get3A_1239 = tpu.vector_load %arg7[%get3A_1238] {strides = array<i32>} : memref<10240xf32, #tpu.memory_space<vmem>>, vector<16xf32>,
      %mul3A_1240 = arith.constant 16 : i32
      %mul3A_1241 = arith.muli %scan3A_897, %mul3A_1240 : i32
      %add3A_1242 = arith.constant 7360 : i32
      %add3A_1243 = arith.addi %add3A_1242, %mul3A_1241 : i32
      %get3A_1244 = arith.index_cast %add3A_1243 : i32 to index
      %get3A_1245 = tpu.vector_load %arg6[%get3A_1244] {strides = array<i32>} : memref<10240xi32, #tpu.memory_space<vmem>>, vector<16xi32>,
      %gt3A_1246 = arith.cmpf ogt, %get3A_1239, %select_n3A_1232 : vector<16xf32>
      %select_n3A_1247 = arith.select %gt3A_1246, %get3A_1239, %select_n3A_1232 : vector<16xi1>, vector<16xf32>
      %select_n3A_1248 = arith.select %gt3A_1246, %get3A_1245, %select_n3A_1233 : vector<16xi1>, vector<16xi32>
      %mul3A_1249 = arith.constant 16 : i32
      %mul3A_1250 = arith.muli %scan3A_897, %mul3A_1249 : i32
      %add3A_1251 = arith.constant 7680 : i32
      %add3A_1252 = arith.addi %add3A_1251, %mul3A_1250 : i32
      %get3A_1253 = arith.index_cast %add3A_1252 : i32 to index
      %get3A_1254 = tpu.vector_load %arg7[%get3A_1253] {strides = array<i32>} : memref<10240xf32, #tpu.memory_space<vmem>>, vector<16xf32>,
      %mul3A_1255 = arith.constant 16 : i32
      %mul3A_1256 = arith.muli %scan3A_897, %mul3A_1255 : i32
      %add3A_1257 = arith.constant 7680 : i32
      %add3A_1258 = arith.addi %add3A_1257, %mul3A_1256 : i32
      %get3A_1259 = arith.index_cast %add3A_1258 : i32 to index
      %get3A_1260 = tpu.vector_load %arg6[%get3A_1259] {strides = array<i32>} : memref<10240xi32, #tpu.memory_space<vmem>>, vector<16xi32>,
      %gt3A_1261 = arith.cmpf ogt, %get3A_1254, %select_n3A_1247 : vector<16xf32>
      %select_n3A_1262 = arith.select %gt3A_1261, %get3A_1254, %select_n3A_1247 : vector<16xi1>, vector<16xf32>
      %select_n3A_1263 = arith.select %gt3A_1261, %get3A_1260, %select_n3A_1248 : vector<16xi1>, vector<16xi32>
      %mul3A_1264 = arith.constant 16 : i32
      %mul3A_1265 = arith.muli %scan3A_897, %mul3A_1264 : i32
      %add3A_1266 = arith.constant 8000 : i32
      %add3A_1267 = arith.addi %add3A_1266, %mul3A_1265 : i32
      %get3A_1268 = arith.index_cast %add3A_1267 : i32 to index
      %get3A_1269 = tpu.vector_load %arg7[%get3A_1268] {strides = array<i32>} : memref<10240xf32, #tpu.memory_space<vmem>>, vector<16xf32>,
      %mul3A_1270 = arith.constant 16 : i32
      %mul3A_1271 = arith.muli %scan3A_897, %mul3A_1270 : i32
      %add3A_1272 = arith.constant 8000 : i32
      %add3A_1273 = arith.addi %add3A_1272, %mul3A_1271 : i32
      %get3A_1274 = arith.index_cast %add3A_1273 : i32 to index
      %get3A_1275 = tpu.vector_load %arg6[%get3A_1274] {strides = array<i32>} : memref<10240xi32, #tpu.memory_space<vmem>>, vector<16xi32>,
      %gt3A_1276 = arith.cmpf ogt, %get3A_1269, %select_n3A_1262 : vector<16xf32>
      %select_n3A_1277 = arith.select %gt3A_1276, %get3A_1269, %select_n3A_1262 : vector<16xi1>, vector<16xf32>
      %select_n3A_1278 = arith.select %gt3A_1276, %get3A_1275, %select_n3A_1263 : vector<16xi1>, vector<16xi32>
      %mul3A_1279 = arith.constant 16 : i32
      %mul3A_1280 = arith.muli %scan3A_897, %mul3A_1279 : i32
      %add3A_1281 = arith.constant 8320 : i32
      %add3A_1282 = arith.addi %add3A_1281, %mul3A_1280 : i32
      %get3A_1283 = arith.index_cast %add3A_1282 : i32 to index
      %get3A_1284 = tpu.vector_load %arg7[%get3A_1283] {strides = array<i32>} : memref<10240xf32, #tpu.memory_space<vmem>>, vector<16xf32>,
      %mul3A_1285 = arith.constant 16 : i32
      %mul3A_1286 = arith.muli %scan3A_897, %mul3A_1285 : i32
      %add3A_1287 = arith.constant 8320 : i32
      %add3A_1288 = arith.addi %add3A_1287, %mul3A_1286 : i32
      %get3A_1289 = arith.index_cast %add3A_1288 : i32 to index
      %get3A_1290 = tpu.vector_load %arg6[%get3A_1289] {strides = array<i32>} : memref<10240xi32, #tpu.memory_space<vmem>>, vector<16xi32>,
      %gt3A_1291 = arith.cmpf ogt, %get3A_1284, %select_n3A_1277 : vector<16xf32>
      %select_n3A_1292 = arith.select %gt3A_1291, %get3A_1284, %select_n3A_1277 : vector<16xi1>, vector<16xf32>
      %select_n3A_1293 = arith.select %gt3A_1291, %get3A_1290, %select_n3A_1278 : vector<16xi1>, vector<16xi32>
      %mul3A_1294 = arith.constant 16 : i32
      %mul3A_1295 = arith.muli %scan3A_897, %mul3A_1294 : i32
      %add3A_1296 = arith.constant 8640 : i32
      %add3A_1297 = arith.addi %add3A_1296, %mul3A_1295 : i32
      %get3A_1298 = arith.index_cast %add3A_1297 : i32 to index
      %get3A_1299 = tpu.vector_load %arg7[%get3A_1298] {strides = array<i32>} : memref<10240xf32, #tpu.memory_space<vmem>>, vector<16xf32>,
      %mul3A_1300 = arith.constant 16 : i32
      %mul3A_1301 = arith.muli %scan3A_897, %mul3A_1300 : i32
      %add3A_1302 = arith.constant 8640 : i32
      %add3A_1303 = arith.addi %add3A_1302, %mul3A_1301 : i32
      %get3A_1304 = arith.index_cast %add3A_1303 : i32 to index
      %get3A_1305 = tpu.vector_load %arg6[%get3A_1304] {strides = array<i32>} : memref<10240xi32, #tpu.memory_space<vmem>>, vector<16xi32>,
      %gt3A_1306 = arith.cmpf ogt, %get3A_1299, %select_n3A_1292 : vector<16xf32>
      %select_n3A_1307 = arith.select %gt3A_1306, %get3A_1299, %select_n3A_1292 : vector<16xi1>, vector<16xf32>
      %select_n3A_1308 = arith.select %gt3A_1306, %get3A_1305, %select_n3A_1293 : vector<16xi1>, vector<16xi32>
      %mul3A_1309 = arith.constant 16 : i32
      %mul3A_1310 = arith.muli %scan3A_897, %mul3A_1309 : i32
      %add3A_1311 = arith.constant 8960 : i32
      %add3A_1312 = arith.addi %add3A_1311, %mul3A_1310 : i32
      %get3A_1313 = arith.index_cast %add3A_1312 : i32 to index
      %get3A_1314 = tpu.vector_load %arg7[%get3A_1313] {strides = array<i32>} : memref<10240xf32, #tpu.memory_space<vmem>>, vector<16xf32>,
      %mul3A_1315 = arith.constant 16 : i32
      %mul3A_1316 = arith.muli %scan3A_897, %mul3A_1315 : i32
      %add3A_1317 = arith.constant 8960 : i32
      %add3A_1318 = arith.addi %add3A_1317, %mul3A_1316 : i32
      %get3A_1319 = arith.index_cast %add3A_1318 : i32 to index
      %get3A_1320 = tpu.vector_load %arg6[%get3A_1319] {strides = array<i32>} : memref<10240xi32, #tpu.memory_space<vmem>>, vector<16xi32>,
      %gt3A_1321 = arith.cmpf ogt, %get3A_1314, %select_n3A_1307 : vector<16xf32>
      %select_n3A_1322 = arith.select %gt3A_1321, %get3A_1314, %select_n3A_1307 : vector<16xi1>, vector<16xf32>
      %select_n3A_1323 = arith.select %gt3A_1321, %get3A_1320, %select_n3A_1308 : vector<16xi1>, vector<16xi32>
      %mul3A_1324 = arith.constant 16 : i32
      %mul3A_1325 = arith.muli %scan3A_897, %mul3A_1324 : i32
      %add3A_1326 = arith.constant 9280 : i32
      %add3A_1327 = arith.addi %add3A_1326, %mul3A_1325 : i32
      %get3A_1328 = arith.index_cast %add3A_1327 : i32 to index
      %get3A_1329 = tpu.vector_load %arg7[%get3A_1328] {strides = array<i32>} : memref<10240xf32, #tpu.memory_space<vmem>>, vector<16xf32>,
      %mul3A_1330 = arith.constant 16 : i32
      %mul3A_1331 = arith.muli %scan3A_897, %mul3A_1330 : i32
      %add3A_1332 = arith.constant 9280 : i32
      %add3A_1333 = arith.addi %add3A_1332, %mul3A_1331 : i32
      %get3A_1334 = arith.index_cast %add3A_1333 : i32 to index
      %get3A_1335 = tpu.vector_load %arg6[%get3A_1334] {strides = array<i32>} : memref<10240xi32, #tpu.memory_space<vmem>>, vector<16xi32>,
      %gt3A_1336 = arith.cmpf ogt, %get3A_1329, %select_n3A_1322 : vector<16xf32>
      %select_n3A_1337 = arith.select %gt3A_1336, %get3A_1329, %select_n3A_1322 : vector<16xi1>, vector<16xf32>
      %select_n3A_1338 = arith.select %gt3A_1336, %get3A_1335, %select_n3A_1323 : vector<16xi1>, vector<16xi32>
      %mul3A_1339 = arith.constant 16 : i32
      %mul3A_1340 = arith.muli %scan3A_897, %mul3A_1339 : i32
      %add3A_1341 = arith.constant 9600 : i32
      %add3A_1342 = arith.addi %add3A_1341, %mul3A_1340 : i32
      %get3A_1343 = arith.index_cast %add3A_1342 : i32 to index
      %get3A_1344 = tpu.vector_load %arg7[%get3A_1343] {strides = array<i32>} : memref<10240xf32, #tpu.memory_space<vmem>>, vector<16xf32>,
      %mul3A_1345 = arith.constant 16 : i32
      %mul3A_1346 = arith.muli %scan3A_897, %mul3A_1345 : i32
      %add3A_1347 = arith.constant 9600 : i32
      %add3A_1348 = arith.addi %add3A_1347, %mul3A_1346 : i32
      %get3A_1349 = arith.index_cast %add3A_1348 : i32 to index
      %get3A_1350 = tpu.vector_load %arg6[%get3A_1349] {strides = array<i32>} : memref<10240xi32, #tpu.memory_space<vmem>>, vector<16xi32>,
      %gt3A_1351 = arith.cmpf ogt, %get3A_1344, %select_n3A_1337 : vector<16xf32>
      %select_n3A_1352 = arith.select %gt3A_1351, %get3A_1344, %select_n3A_1337 : vector<16xi1>, vector<16xf32>
      %select_n3A_1353 = arith.select %gt3A_1351, %get3A_1350, %select_n3A_1338 : vector<16xi1>, vector<16xi32>
      %mul3A_1354 = arith.constant 16 : i32
      %mul3A_1355 = arith.muli %scan3A_897, %mul3A_1354 : i32
      %add3A_1356 = arith.constant 9920 : i32
      %add3A_1357 = arith.addi %add3A_1356, %mul3A_1355 : i32
      %get3A_1358 = arith.index_cast %add3A_1357 : i32 to index
      %get3A_1359 = tpu.vector_load %arg7[%get3A_1358] {strides = array<i32>} : memref<10240xf32, #tpu.memory_space<vmem>>, vector<16xf32>,
      %mul3A_1360 = arith.constant 16 : i32
      %mul3A_1361 = arith.muli %scan3A_897, %mul3A_1360 : i32
      %add3A_1362 = arith.constant 9920 : i32
      %add3A_1363 = arith.addi %add3A_1362, %mul3A_1361 : i32
      %get3A_1364 = arith.index_cast %add3A_1363 : i32 to index
      %get3A_1365 = tpu.vector_load %arg6[%get3A_1364] {strides = array<i32>} : memref<10240xi32, #tpu.memory_space<vmem>>, vector<16xi32>,
      %gt3A_1366 = arith.cmpf ogt, %get3A_1359, %select_n3A_1352 : vector<16xf32>
      %select_n3A_1367 = arith.select %gt3A_1366, %get3A_1359, %select_n3A_1352 : vector<16xi1>, vector<16xf32>
      %select_n3A_1368 = arith.select %gt3A_1366, %get3A_1365, %select_n3A_1353 : vector<16xi1>, vector<16xi32>
      %mul3A_1369 = arith.constant 16 : i32
      %mul3A_1370 = arith.muli %scan3A_897, %mul3A_1369 : i32
      %add3A_1371 = arith.addi %add3A_773, %mul3A_1370 : i32
      %add3A_1372 = vector.broadcast %add3A_1371 : i32 to vector<16xi32>
      %add3A_1373 = arith.addi %add3A_1372, %iota3A : vector<16xi32>
      %ge3A_1374 = arith.constant 10000 : i32
      %ge3A_1375 = vector.broadcast %ge3A_1374 : i32 to vector<16xi32>
      %ge3A_1376 = arith.cmpi sge, %add3A_1373, %ge3A_1375 : vector<16xi32>
      %jit3A = arith.constant 9999 : i32
      %broadcast_in_dim3A_1377 = vector.broadcast %jit3A : i32 to vector<16xi32>
      %select_n3A_1378 = arith.select %ge3A_1376, %add3A_1373, %broadcast_in_dim3A_1377 : vector<16xi1>, vector<16xi32>
      %eq3A_1379 = arith.constant 0xFF800000 : f32
      %eq3A_1380 = vector.broadcast %eq3A_1379 : f32 to vector<16xf32>
      %eq3A_1381 = arith.cmpf oeq, %select_n3A_1367, %eq3A_1380 : vector<16xf32>
      %select_n3A_1382 = arith.select %eq3A_1381, %select_n3A_1378, %select_n3A_1368 : vector<16xi1>, vector<16xi32>
      %mul3A_1383 = arith.constant 16 : i32
      %mul3A_1384 = arith.muli %scan3A_897, %mul3A_1383 : i32
      %swap3A = arith.index_cast %mul3A_1384 : i32 to index
      %swap3A_1385 = tpu.vector_load %arg12[%swap3A] {strides = array<i32>} : memref<320xi32, #tpu.memory_space<vmem>>, vector<16xi32>,
      tpu.vector_store %arg12[%swap3A], %select_n3A_1382 {strides = array<i32>} : memref<320xi32, #tpu.memory_space<vmem>>, vector<16xi32>,
    }
    %scan3A_779 = arith.constant 20 : i32
    %barrier3A_780 = arith.constant 0 : index
    tpu.barrier barrier_id(%barrier3A_780)
    %dma_start3A_781 = arith.constant 0 : i32
    %dma_start3A_782 = tpu.memref_slice %arg12[%dma_start3A_781] : memref<320xi32, #tpu.memory_space<vmem>> -> memref<64xi32, #tpu.memory_space<vmem>>
    %dma_start3A_783 = arith.constant 0 : i32
    %dma_start3A_784 = arith.constant 0 : i32
    %dma_start3A_785 = tpu.memref_slice %arg4[%dma_start3A_783, %dma_start3A_784] : memref<160000x256xf32, #tpu.memory_space<hbm>> -> memref<160000x256xf32, #tpu.memory_space<hbm>>
    tpu.enqueue_indirect_dma source(%dma_start3A_785 : memref<160000x256xf32, #tpu.memory_space<hbm>>) target(%arg13 : memref<64x256xf32, #tpu.memory_space<vmem>>) offsets(%dma_start3A_782 : memref<64xi32, #tpu.memory_space<vmem>>) semaphore(%arg15 : memref<!tpu.dma_semaphore, #tpu.memory_space<semaphore_mem>>)
    %dma_wait3A_786 = arith.constant 0 : i32
    %dma_wait3A_787 = tpu.memref_slice %arg12[%dma_wait3A_786] : memref<320xi32, #tpu.memory_space<vmem>> -> memref<64xi32, #tpu.memory_space<vmem>>
    %dma_wait3A_788 = arith.constant 0 : i32
    %dma_wait3A_789 = arith.constant 0 : i32
    %dma_wait3A_790 = tpu.memref_slice %arg4[%dma_wait3A_788, %dma_wait3A_789] : memref<160000x256xf32, #tpu.memory_space<hbm>> -> memref<160000x256xf32, #tpu.memory_space<hbm>>
    tpu.wait_indirect_dma semaphore(%arg15 : memref<!tpu.dma_semaphore, #tpu.memory_space<semaphore_mem>>) src(%dma_wait3A_790 : memref<160000x256xf32, #tpu.memory_space<hbm>>) dst(%arg13 : memref<64x256xf32, #tpu.memory_space<vmem>>)
    %dma_start3A_791 = arith.constant 64 : i32
    %dma_start3A_792 = tpu.memref_slice %arg12[%dma_start3A_791] : memref<320xi32, #tpu.memory_space<vmem>> -> memref<64xi32, #tpu.memory_space<vmem>>
    %dma_start3A_793 = arith.constant 0 : i32
    %dma_start3A_794 = arith.constant 0 : i32
    %dma_start3A_795 = tpu.memref_slice %arg4[%dma_start3A_793, %dma_start3A_794] : memref<160000x256xf32, #tpu.memory_space<hbm>> -> memref<160000x256xf32, #tpu.memory_space<hbm>>
    tpu.enqueue_indirect_dma source(%dma_start3A_795 : memref<160000x256xf32, #tpu.memory_space<hbm>>) target(%arg14 : memref<64x256xf32, #tpu.memory_space<vmem>>) offsets(%dma_start3A_792 : memref<64xi32, #tpu.memory_space<vmem>>) semaphore(%arg16 : memref<!tpu.dma_semaphore, #tpu.memory_space<semaphore_mem>>)
    %add3A_796 = arith.constant 0 : i32
    %add3A_797 = arith.addi %add3A_773, %add3A_796 : i32
    %add3A_798 = arith.constant 64 : i32
    %add3A_799 = arith.addi %add3A_797, %add3A_798 : i32
    %le3A = arith.constant 10000 : i32
    %le3A_800 = arith.cmpi sle, %add3A_799, %le3A : i32
    %convert_element_type3A = arith.extui %le3A_800 : i1 to i32
    %cond3A = arith.constant 0 : i32
    %cond3A_801 = arith.cmpi ne, %convert_element_type3A, %cond3A : i32
    scf.if %cond3A_801 {
      "tpu.region"() ({
        %run_scoped3A = tpu.sem_alloc : memref<!tpu.dma_semaphore, #tpu.memory_space<semaphore_mem>>
        %dma_start3A_897 = arith.constant 0 : i32
        %dma_start3A_898 = tpu.memref_slice %arg5[%add3A_797, %dma_start3A_897] : memref<10000x256xf32, #tpu.memory_space<hbm>> -> memref<64x256xf32, #tpu.memory_space<hbm>>
        %dma_start3A_899 = arith.constant 0 : i32
        %dma_start3A_900 = tpu.memref_slice %arg5[%add3A_797, %dma_start3A_899] : memref<10000x256xf32, #tpu.memory_space<hbm>> -> memref<64x256xf32, #tpu.memory_space<hbm>>
        tpu.enqueue_dma source(%arg13 : memref<64x256xf32, #tpu.memory_space<vmem>>) target(%dma_start3A_900 : memref<64x256xf32, #tpu.memory_space<hbm>>) target_semaphore(%run_scoped3A : memref<!tpu.dma_semaphore, #tpu.memory_space<semaphore_mem>>)
        %dma_wait3A_901 = arith.constant 0 : i32
        %dma_wait3A_902 = tpu.memref_slice %arg5[%add3A_797, %dma_wait3A_901] : memref<10000x256xf32, #tpu.memory_space<hbm>> -> memref<64x256xf32, #tpu.memory_space<hbm>>
        %dma_wait3A_903 = arith.constant 0 : i32
        %dma_wait3A_904 = tpu.memref_slice %arg5[%add3A_797, %dma_wait3A_903] : memref<10000x256xf32, #tpu.memory_space<hbm>> -> memref<64x256xf32, #tpu.memory_space<hbm>>
        tpu.wait_dma2 semaphore(%run_scoped3A : memref<!tpu.dma_semaphore, #tpu.memory_space<semaphore_mem>>) src(%arg13 : memref<64x256xf32, #tpu.memory_space<vmem>>) dst(%dma_wait3A_904 : memref<64x256xf32, #tpu.memory_space<hbm>>)
        tpu.yield
      }) : () -> ()
    } else {
    }
    %eq3A = arith.constant 9984 : i32
    %eq3A_802 = arith.cmpi eq, %add3A_797, %eq3A : i32
    %convert_element_type3A_803 = arith.extui %eq3A_802 : i1 to i32
    %cond3A_804 = arith.constant 0 : i32
    %cond3A_805 = arith.cmpi ne, %convert_element_type3A_803, %cond3A_804 : i32
    scf.if %cond3A_805 {
      "tpu.region"() ({
        %run_scoped3A = tpu.sem_alloc : memref<!tpu.dma_semaphore, #tpu.memory_space<semaphore_mem>>
        %dma_start3A_897 = arith.constant 0 : i32
        %dma_start3A_898 = arith.constant 0 : i32
        %dma_start3A_899 = tpu.memref_slice %arg13[%dma_start3A_897, %dma_start3A_898] : memref<64x256xf32, #tpu.memory_space<vmem>> -> memref<16x256xf32, #tpu.memory_space<vmem>>
        %dma_start3A_900 = arith.constant 9984 : i32
        %dma_start3A_901 = arith.constant 0 : i32
        %dma_start3A_902 = tpu.memref_slice %arg5[%dma_start3A_900, %dma_start3A_901] : memref<10000x256xf32, #tpu.memory_space<hbm>> -> memref<16x256xf32, #tpu.memory_space<hbm>>
        %dma_start3A_903 = arith.constant 9984 : i32
        %dma_start3A_904 = arith.constant 0 : i32
        %dma_start3A_905 = tpu.memref_slice %arg5[%dma_start3A_903, %dma_start3A_904] : memref<10000x256xf32, #tpu.memory_space<hbm>> -> memref<16x256xf32, #tpu.memory_space<hbm>>
        %dma_start3A_906 = arith.constant 0 : i32
        %dma_start3A_907 = arith.constant 0 : i32
        %dma_start3A_908 = tpu.memref_slice %arg13[%dma_start3A_906, %dma_start3A_907] : memref<64x256xf32, #tpu.memory_space<vmem>> -> memref<16x256xf32, #tpu.memory_space<vmem>>
        tpu.enqueue_dma source(%dma_start3A_908 : memref<16x256xf32, #tpu.memory_space<vmem>>) target(%dma_start3A_905 : memref<16x256xf32, #tpu.memory_space<hbm>>) target_semaphore(%run_scoped3A : memref<!tpu.dma_semaphore, #tpu.memory_space<semaphore_mem>>)
        %dma_wait3A_909 = arith.constant 0 : i32
        %dma_wait3A_910 = arith.constant 0 : i32
        %dma_wait3A_911 = tpu.memref_slice %arg13[%dma_wait3A_909, %dma_wait3A_910] : memref<64x256xf32, #tpu.memory_space<vmem>> -> memref<16x256xf32, #tpu.memory_space<vmem>>
        %dma_wait3A_912 = arith.constant 9984 : i32
        %dma_wait3A_913 = arith.constant 0 : i32
        %dma_wait3A_914 = tpu.memref_slice %arg5[%dma_wait3A_912, %dma_wait3A_913] : memref<10000x256xf32, #tpu.memory_space<hbm>> -> memref<16x256xf32, #tpu.memory_space<hbm>>
        %dma_wait3A_915 = arith.constant 9984 : i32
        %dma_wait3A_916 = arith.constant 0 : i32
        %dma_wait3A_917 = tpu.memref_slice %arg5[%dma_wait3A_915, %dma_wait3A_916] : memref<10000x256xf32, #tpu.memory_space<hbm>> -> memref<16x256xf32, #tpu.memory_space<hbm>>
        %dma_wait3A_918 = arith.constant 0 : i32
        %dma_wait3A_919 = arith.constant 0 : i32
        %dma_wait3A_920 = tpu.memref_slice %arg13[%dma_wait3A_918, %dma_wait3A_919] : memref<64x256xf32, #tpu.memory_space<vmem>> -> memref<16x256xf32, #tpu.memory_space<vmem>>
        tpu.wait_dma2 semaphore(%run_scoped3A : memref<!tpu.dma_semaphore, #tpu.memory_space<semaphore_mem>>) src(%dma_wait3A_920 : memref<16x256xf32, #tpu.memory_space<vmem>>) dst(%dma_wait3A_917 : memref<16x256xf32, #tpu.memory_space<hbm>>)
        tpu.yield
      }) : () -> ()
    } else {
    }
    %dma_wait3A_806 = arith.constant 64 : i32
    %dma_wait3A_807 = tpu.memref_slice %arg12[%dma_wait3A_806] : memref<320xi32, #tpu.memory_space<vmem>> -> memref<64xi32, #tpu.memory_space<vmem>>
    %dma_wait3A_808 = arith.constant 0 : i32
    %dma_wait3A_809 = arith.constant 0 : i32
    %dma_wait3A_810 = tpu.memref_slice %arg4[%dma_wait3A_808, %dma_wait3A_809] : memref<160000x256xf32, #tpu.memory_space<hbm>> -> memref<160000x256xf32, #tpu.memory_space<hbm>>
    tpu.wait_indirect_dma semaphore(%arg16 : memref<!tpu.dma_semaphore, #tpu.memory_space<semaphore_mem>>) src(%dma_wait3A_810 : memref<160000x256xf32, #tpu.memory_space<hbm>>) dst(%arg14 : memref<64x256xf32, #tpu.memory_space<vmem>>)
    %dma_start3A_811 = arith.constant 128 : i32
    %dma_start3A_812 = tpu.memref_slice %arg12[%dma_start3A_811] : memref<320xi32, #tpu.memory_space<vmem>> -> memref<64xi32, #tpu.memory_space<vmem>>
    %dma_start3A_813 = arith.constant 0 : i32
    %dma_start3A_814 = arith.constant 0 : i32
    %dma_start3A_815 = tpu.memref_slice %arg4[%dma_start3A_813, %dma_start3A_814] : memref<160000x256xf32, #tpu.memory_space<hbm>> -> memref<160000x256xf32, #tpu.memory_space<hbm>>
    tpu.enqueue_indirect_dma source(%dma_start3A_815 : memref<160000x256xf32, #tpu.memory_space<hbm>>) target(%arg13 : memref<64x256xf32, #tpu.memory_space<vmem>>) offsets(%dma_start3A_812 : memref<64xi32, #tpu.memory_space<vmem>>) semaphore(%arg15 : memref<!tpu.dma_semaphore, #tpu.memory_space<semaphore_mem>>)
    %add3A_816 = arith.constant 64 : i32
    %add3A_817 = arith.addi %add3A_773, %add3A_816 : i32
    %add3A_818 = arith.constant 64 : i32
    %add3A_819 = arith.addi %add3A_817, %add3A_818 : i32
    %le3A_820 = arith.constant 10000 : i32
    %le3A_821 = arith.cmpi sle, %add3A_819, %le3A_820 : i32
    %convert_element_type3A_822 = arith.extui %le3A_821 : i1 to i32
    %cond3A_823 = arith.constant 0 : i32
    %cond3A_824 = arith.cmpi ne, %convert_element_type3A_822, %cond3A_823 : i32
    scf.if %cond3A_824 {
      "tpu.region"() ({
        %run_scoped3A = tpu.sem_alloc : memref<!tpu.dma_semaphore, #tpu.memory_space<semaphore_mem>>
        %dma_start3A_897 = arith.constant 0 : i32
        %dma_start3A_898 = tpu.memref_slice %arg5[%add3A_817, %dma_start3A_897] : memref<10000x256xf32, #tpu.memory_space<hbm>> -> memref<64x256xf32, #tpu.memory_space<hbm>>
        %dma_start3A_899 = arith.constant 0 : i32
        %dma_start3A_900 = tpu.memref_slice %arg5[%add3A_817, %dma_start3A_899] : memref<10000x256xf32, #tpu.memory_space<hbm>> -> memref<64x256xf32, #tpu.memory_space<hbm>>
        tpu.enqueue_dma source(%arg14 : memref<64x256xf32, #tpu.memory_space<vmem>>) target(%dma_start3A_900 : memref<64x256xf32, #tpu.memory_space<hbm>>) target_semaphore(%run_scoped3A : memref<!tpu.dma_semaphore, #tpu.memory_space<semaphore_mem>>)
        %dma_wait3A_901 = arith.constant 0 : i32
        %dma_wait3A_902 = tpu.memref_slice %arg5[%add3A_817, %dma_wait3A_901] : memref<10000x256xf32, #tpu.memory_space<hbm>> -> memref<64x256xf32, #tpu.memory_space<hbm>>
        %dma_wait3A_903 = arith.constant 0 : i32
        %dma_wait3A_904 = tpu.memref_slice %arg5[%add3A_817, %dma_wait3A_903] : memref<10000x256xf32, #tpu.memory_space<hbm>> -> memref<64x256xf32, #tpu.memory_space<hbm>>
        tpu.wait_dma2 semaphore(%run_scoped3A : memref<!tpu.dma_semaphore, #tpu.memory_space<semaphore_mem>>) src(%arg14 : memref<64x256xf32, #tpu.memory_space<vmem>>) dst(%dma_wait3A_904 : memref<64x256xf32, #tpu.memory_space<hbm>>)
        tpu.yield
      }) : () -> ()
    } else {
    }
    %eq3A_825 = arith.constant 9984 : i32
    %eq3A_826 = arith.cmpi eq, %add3A_817, %eq3A_825 : i32
    %convert_element_type3A_827 = arith.extui %eq3A_826 : i1 to i32
    %cond3A_828 = arith.constant 0 : i32
    %cond3A_829 = arith.cmpi ne, %convert_element_type3A_827, %cond3A_828 : i32
    scf.if %cond3A_829 {
      "tpu.region"() ({
        %run_scoped3A = tpu.sem_alloc : memref<!tpu.dma_semaphore, #tpu.memory_space<semaphore_mem>>
        %dma_start3A_897 = arith.constant 0 : i32
        %dma_start3A_898 = arith.constant 0 : i32
        %dma_start3A_899 = tpu.memref_slice %arg14[%dma_start3A_897, %dma_start3A_898] : memref<64x256xf32, #tpu.memory_space<vmem>> -> memref<16x256xf32, #tpu.memory_space<vmem>>
        %dma_start3A_900 = arith.constant 9984 : i32
        %dma_start3A_901 = arith.constant 0 : i32
        %dma_start3A_902 = tpu.memref_slice %arg5[%dma_start3A_900, %dma_start3A_901] : memref<10000x256xf32, #tpu.memory_space<hbm>> -> memref<16x256xf32, #tpu.memory_space<hbm>>
        %dma_start3A_903 = arith.constant 9984 : i32
        %dma_start3A_904 = arith.constant 0 : i32
        %dma_start3A_905 = tpu.memref_slice %arg5[%dma_start3A_903, %dma_start3A_904] : memref<10000x256xf32, #tpu.memory_space<hbm>> -> memref<16x256xf32, #tpu.memory_space<hbm>>
        %dma_start3A_906 = arith.constant 0 : i32
        %dma_start3A_907 = arith.constant 0 : i32
        %dma_start3A_908 = tpu.memref_slice %arg14[%dma_start3A_906, %dma_start3A_907] : memref<64x256xf32, #tpu.memory_space<vmem>> -> memref<16x256xf32, #tpu.memory_space<vmem>>
        tpu.enqueue_dma source(%dma_start3A_908 : memref<16x256xf32, #tpu.memory_space<vmem>>) target(%dma_start3A_905 : memref<16x256xf32, #tpu.memory_space<hbm>>) target_semaphore(%run_scoped3A : memref<!tpu.dma_semaphore, #tpu.memory_space<semaphore_mem>>)
        %dma_wait3A_909 = arith.constant 0 : i32
        %dma_wait3A_910 = arith.constant 0 : i32
        %dma_wait3A_911 = tpu.memref_slice %arg14[%dma_wait3A_909, %dma_wait3A_910] : memref<64x256xf32, #tpu.memory_space<vmem>> -> memref<16x256xf32, #tpu.memory_space<vmem>>
        %dma_wait3A_912 = arith.constant 9984 : i32
        %dma_wait3A_913 = arith.constant 0 : i32
        %dma_wait3A_914 = tpu.memref_slice %arg5[%dma_wait3A_912, %dma_wait3A_913] : memref<10000x256xf32, #tpu.memory_space<hbm>> -> memref<16x256xf32, #tpu.memory_space<hbm>>
        %dma_wait3A_915 = arith.constant 9984 : i32
        %dma_wait3A_916 = arith.constant 0 : i32
        %dma_wait3A_917 = tpu.memref_slice %arg5[%dma_wait3A_915, %dma_wait3A_916] : memref<10000x256xf32, #tpu.memory_space<hbm>> -> memref<16x256xf32, #tpu.memory_space<hbm>>
        %dma_wait3A_918 = arith.constant 0 : i32
        %dma_wait3A_919 = arith.constant 0 : i32
        %dma_wait3A_920 = tpu.memref_slice %arg14[%dma_wait3A_918, %dma_wait3A_919] : memref<64x256xf32, #tpu.memory_space<vmem>> -> memref<16x256xf32, #tpu.memory_space<vmem>>
        tpu.wait_dma2 semaphore(%run_scoped3A : memref<!tpu.dma_semaphore, #tpu.memory_space<semaphore_mem>>) src(%dma_wait3A_920 : memref<16x256xf32, #tpu.memory_space<vmem>>) dst(%dma_wait3A_917 : memref<16x256xf32, #tpu.memory_space<hbm>>)
        tpu.yield
      }) : () -> ()
    } else {
    }
    %dma_wait3A_830 = arith.constant 128 : i32
    %dma_wait3A_831 = tpu.memref_slice %arg12[%dma_wait3A_830] : memref<320xi32, #tpu.memory_space<vmem>> -> memref<64xi32, #tpu.memory_space<vmem>>
    %dma_wait3A_832 = arith.constant 0 : i32
    %dma_wait3A_833 = arith.constant 0 : i32
    %dma_wait3A_834 = tpu.memref_slice %arg4[%dma_wait3A_832, %dma_wait3A_833] : memref<160000x256xf32, #tpu.memory_space<hbm>> -> memref<160000x256xf32, #tpu.memory_space<hbm>>
    tpu.wait_indirect_dma semaphore(%arg15 : memref<!tpu.dma_semaphore, #tpu.memory_space<semaphore_mem>>) src(%dma_wait3A_834 : memref<160000x256xf32, #tpu.memory_space<hbm>>) dst(%arg13 : memref<64x256xf32, #tpu.memory_space<vmem>>)
    %dma_start3A_835 = arith.constant 192 : i32
    %dma_start3A_836 = tpu.memref_slice %arg12[%dma_start3A_835] : memref<320xi32, #tpu.memory_space<vmem>> -> memref<64xi32, #tpu.memory_space<vmem>>
    %dma_start3A_837 = arith.constant 0 : i32
    %dma_start3A_838 = arith.constant 0 : i32
    %dma_start3A_839 = tpu.memref_slice %arg4[%dma_start3A_837, %dma_start3A_838] : memref<160000x256xf32, #tpu.memory_space<hbm>> -> memref<160000x256xf32, #tpu.memory_space<hbm>>
    tpu.enqueue_indirect_dma source(%dma_start3A_839 : memref<160000x256xf32, #tpu.memory_space<hbm>>) target(%arg14 : memref<64x256xf32, #tpu.memory_space<vmem>>) offsets(%dma_start3A_836 : memref<64xi32, #tpu.memory_space<vmem>>) semaphore(%arg16 : memref<!tpu.dma_semaphore, #tpu.memory_space<semaphore_mem>>)
    %add3A_840 = arith.constant 128 : i32
    %add3A_841 = arith.addi %add3A_773, %add3A_840 : i32
    %add3A_842 = arith.constant 64 : i32
    %add3A_843 = arith.addi %add3A_841, %add3A_842 : i32
    %le3A_844 = arith.constant 10000 : i32
    %le3A_845 = arith.cmpi sle, %add3A_843, %le3A_844 : i32
    %convert_element_type3A_846 = arith.extui %le3A_845 : i1 to i32
    %cond3A_847 = arith.constant 0 : i32
    %cond3A_848 = arith.cmpi ne, %convert_element_type3A_846, %cond3A_847 : i32
    scf.if %cond3A_848 {
      "tpu.region"() ({
        %run_scoped3A = tpu.sem_alloc : memref<!tpu.dma_semaphore, #tpu.memory_space<semaphore_mem>>
        %dma_start3A_897 = arith.constant 0 : i32
        %dma_start3A_898 = tpu.memref_slice %arg5[%add3A_841, %dma_start3A_897] : memref<10000x256xf32, #tpu.memory_space<hbm>> -> memref<64x256xf32, #tpu.memory_space<hbm>>
        %dma_start3A_899 = arith.constant 0 : i32
        %dma_start3A_900 = tpu.memref_slice %arg5[%add3A_841, %dma_start3A_899] : memref<10000x256xf32, #tpu.memory_space<hbm>> -> memref<64x256xf32, #tpu.memory_space<hbm>>
        tpu.enqueue_dma source(%arg13 : memref<64x256xf32, #tpu.memory_space<vmem>>) target(%dma_start3A_900 : memref<64x256xf32, #tpu.memory_space<hbm>>) target_semaphore(%run_scoped3A : memref<!tpu.dma_semaphore, #tpu.memory_space<semaphore_mem>>)
        %dma_wait3A_901 = arith.constant 0 : i32
        %dma_wait3A_902 = tpu.memref_slice %arg5[%add3A_841, %dma_wait3A_901] : memref<10000x256xf32, #tpu.memory_space<hbm>> -> memref<64x256xf32, #tpu.memory_space<hbm>>
        %dma_wait3A_903 = arith.constant 0 : i32
        %dma_wait3A_904 = tpu.memref_slice %arg5[%add3A_841, %dma_wait3A_903] : memref<10000x256xf32, #tpu.memory_space<hbm>> -> memref<64x256xf32, #tpu.memory_space<hbm>>
        tpu.wait_dma2 semaphore(%run_scoped3A : memref<!tpu.dma_semaphore, #tpu.memory_space<semaphore_mem>>) src(%arg13 : memref<64x256xf32, #tpu.memory_space<vmem>>) dst(%dma_wait3A_904 : memref<64x256xf32, #tpu.memory_space<hbm>>)
        tpu.yield
      }) : () -> ()
    } else {
    }
    %eq3A_849 = arith.constant 9984 : i32
    %eq3A_850 = arith.cmpi eq, %add3A_841, %eq3A_849 : i32
    %convert_element_type3A_851 = arith.extui %eq3A_850 : i1 to i32
    %cond3A_852 = arith.constant 0 : i32
    %cond3A_853 = arith.cmpi ne, %convert_element_type3A_851, %cond3A_852 : i32
    scf.if %cond3A_853 {
      "tpu.region"() ({
        %run_scoped3A = tpu.sem_alloc : memref<!tpu.dma_semaphore, #tpu.memory_space<semaphore_mem>>
        %dma_start3A_897 = arith.constant 0 : i32
        %dma_start3A_898 = arith.constant 0 : i32
        %dma_start3A_899 = tpu.memref_slice %arg13[%dma_start3A_897, %dma_start3A_898] : memref<64x256xf32, #tpu.memory_space<vmem>> -> memref<16x256xf32, #tpu.memory_space<vmem>>
        %dma_start3A_900 = arith.constant 9984 : i32
        %dma_start3A_901 = arith.constant 0 : i32
        %dma_start3A_902 = tpu.memref_slice %arg5[%dma_start3A_900, %dma_start3A_901] : memref<10000x256xf32, #tpu.memory_space<hbm>> -> memref<16x256xf32, #tpu.memory_space<hbm>>
        %dma_start3A_903 = arith.constant 9984 : i32
        %dma_start3A_904 = arith.constant 0 : i32
        %dma_start3A_905 = tpu.memref_slice %arg5[%dma_start3A_903, %dma_start3A_904] : memref<10000x256xf32, #tpu.memory_space<hbm>> -> memref<16x256xf32, #tpu.memory_space<hbm>>
        %dma_start3A_906 = arith.constant 0 : i32
        %dma_start3A_907 = arith.constant 0 : i32
        %dma_start3A_908 = tpu.memref_slice %arg13[%dma_start3A_906, %dma_start3A_907] : memref<64x256xf32, #tpu.memory_space<vmem>> -> memref<16x256xf32, #tpu.memory_space<vmem>>
        tpu.enqueue_dma source(%dma_start3A_908 : memref<16x256xf32, #tpu.memory_space<vmem>>) target(%dma_start3A_905 : memref<16x256xf32, #tpu.memory_space<hbm>>) target_semaphore(%run_scoped3A : memref<!tpu.dma_semaphore, #tpu.memory_space<semaphore_mem>>)
        %dma_wait3A_909 = arith.constant 0 : i32
        %dma_wait3A_910 = arith.constant 0 : i32
        %dma_wait3A_911 = tpu.memref_slice %arg13[%dma_wait3A_909, %dma_wait3A_910] : memref<64x256xf32, #tpu.memory_space<vmem>> -> memref<16x256xf32, #tpu.memory_space<vmem>>
        %dma_wait3A_912 = arith.constant 9984 : i32
        %dma_wait3A_913 = arith.constant 0 : i32
        %dma_wait3A_914 = tpu.memref_slice %arg5[%dma_wait3A_912, %dma_wait3A_913] : memref<10000x256xf32, #tpu.memory_space<hbm>> -> memref<16x256xf32, #tpu.memory_space<hbm>>
        %dma_wait3A_915 = arith.constant 9984 : i32
        %dma_wait3A_916 = arith.constant 0 : i32
        %dma_wait3A_917 = tpu.memref_slice %arg5[%dma_wait3A_915, %dma_wait3A_916] : memref<10000x256xf32, #tpu.memory_space<hbm>> -> memref<16x256xf32, #tpu.memory_space<hbm>>
        %dma_wait3A_918 = arith.constant 0 : i32
        %dma_wait3A_919 = arith.constant 0 : i32
        %dma_wait3A_920 = tpu.memref_slice %arg13[%dma_wait3A_918, %dma_wait3A_919] : memref<64x256xf32, #tpu.memory_space<vmem>> -> memref<16x256xf32, #tpu.memory_space<vmem>>
        tpu.wait_dma2 semaphore(%run_scoped3A : memref<!tpu.dma_semaphore, #tpu.memory_space<semaphore_mem>>) src(%dma_wait3A_920 : memref<16x256xf32, #tpu.memory_space<vmem>>) dst(%dma_wait3A_917 : memref<16x256xf32, #tpu.memory_space<hbm>>)
        tpu.yield
      }) : () -> ()
    } else {
    }
    %dma_wait3A_854 = arith.constant 192 : i32
    %dma_wait3A_855 = tpu.memref_slice %arg12[%dma_wait3A_854] : memref<320xi32, #tpu.memory_space<vmem>> -> memref<64xi32, #tpu.memory_space<vmem>>
    %dma_wait3A_856 = arith.constant 0 : i32
    %dma_wait3A_857 = arith.constant 0 : i32
    %dma_wait3A_858 = tpu.memref_slice %arg4[%dma_wait3A_856, %dma_wait3A_857] : memref<160000x256xf32, #tpu.memory_space<hbm>> -> memref<160000x256xf32, #tpu.memory_space<hbm>>
    tpu.wait_indirect_dma semaphore(%arg16 : memref<!tpu.dma_semaphore, #tpu.memory_space<semaphore_mem>>) src(%dma_wait3A_858 : memref<160000x256xf32, #tpu.memory_space<hbm>>) dst(%arg14 : memref<64x256xf32, #tpu.memory_space<vmem>>)
    %dma_start3A_859 = arith.constant 256 : i32
    %dma_start3A_860 = tpu.memref_slice %arg12[%dma_start3A_859] : memref<320xi32, #tpu.memory_space<vmem>> -> memref<64xi32, #tpu.memory_space<vmem>>
    %dma_start3A_861 = arith.constant 0 : i32
    %dma_start3A_862 = arith.constant 0 : i32
    %dma_start3A_863 = tpu.memref_slice %arg4[%dma_start3A_861, %dma_start3A_862] : memref<160000x256xf32, #tpu.memory_space<hbm>> -> memref<160000x256xf32, #tpu.memory_space<hbm>>
    tpu.enqueue_indirect_dma source(%dma_start3A_863 : memref<160000x256xf32, #tpu.memory_space<hbm>>) target(%arg13 : memref<64x256xf32, #tpu.memory_space<vmem>>) offsets(%dma_start3A_860 : memref<64xi32, #tpu.memory_space<vmem>>) semaphore(%arg15 : memref<!tpu.dma_semaphore, #tpu.memory_space<semaphore_mem>>)
    %add3A_864 = arith.constant 192 : i32
    %add3A_865 = arith.addi %add3A_773, %add3A_864 : i32
    %add3A_866 = arith.constant 64 : i32
    %add3A_867 = arith.addi %add3A_865, %add3A_866 : i32
    %le3A_868 = arith.constant 10000 : i32
    %le3A_869 = arith.cmpi sle, %add3A_867, %le3A_868 : i32
    %convert_element_type3A_870 = arith.extui %le3A_869 : i1 to i32
    %cond3A_871 = arith.constant 0 : i32
    %cond3A_872 = arith.cmpi ne, %convert_element_type3A_870, %cond3A_871 : i32
    scf.if %cond3A_872 {
      "tpu.region"() ({
        %run_scoped3A = tpu.sem_alloc : memref<!tpu.dma_semaphore, #tpu.memory_space<semaphore_mem>>
        %dma_start3A_897 = arith.constant 0 : i32
        %dma_start3A_898 = tpu.memref_slice %arg5[%add3A_865, %dma_start3A_897] : memref<10000x256xf32, #tpu.memory_space<hbm>> -> memref<64x256xf32, #tpu.memory_space<hbm>>
        %dma_start3A_899 = arith.constant 0 : i32
        %dma_start3A_900 = tpu.memref_slice %arg5[%add3A_865, %dma_start3A_899] : memref<10000x256xf32, #tpu.memory_space<hbm>> -> memref<64x256xf32, #tpu.memory_space<hbm>>
        tpu.enqueue_dma source(%arg14 : memref<64x256xf32, #tpu.memory_space<vmem>>) target(%dma_start3A_900 : memref<64x256xf32, #tpu.memory_space<hbm>>) target_semaphore(%run_scoped3A : memref<!tpu.dma_semaphore, #tpu.memory_space<semaphore_mem>>)
        %dma_wait3A_901 = arith.constant 0 : i32
        %dma_wait3A_902 = tpu.memref_slice %arg5[%add3A_865, %dma_wait3A_901] : memref<10000x256xf32, #tpu.memory_space<hbm>> -> memref<64x256xf32, #tpu.memory_space<hbm>>
        %dma_wait3A_903 = arith.constant 0 : i32
        %dma_wait3A_904 = tpu.memref_slice %arg5[%add3A_865, %dma_wait3A_903] : memref<10000x256xf32, #tpu.memory_space<hbm>> -> memref<64x256xf32, #tpu.memory_space<hbm>>
        tpu.wait_dma2 semaphore(%run_scoped3A : memref<!tpu.dma_semaphore, #tpu.memory_space<semaphore_mem>>) src(%arg14 : memref<64x256xf32, #tpu.memory_space<vmem>>) dst(%dma_wait3A_904 : memref<64x256xf32, #tpu.memory_space<hbm>>)
        tpu.yield
      }) : () -> ()
    } else {
    }
    %eq3A_873 = arith.constant 9984 : i32
    %eq3A_874 = arith.cmpi eq, %add3A_865, %eq3A_873 : i32
    %convert_element_type3A_875 = arith.extui %eq3A_874 : i1 to i32
    %cond3A_876 = arith.constant 0 : i32
    %cond3A_877 = arith.cmpi ne, %convert_element_type3A_875, %cond3A_876 : i32
    scf.if %cond3A_877 {
      "tpu.region"() ({
        %run_scoped3A = tpu.sem_alloc : memref<!tpu.dma_semaphore, #tpu.memory_space<semaphore_mem>>
        %dma_start3A_897 = arith.constant 0 : i32
        %dma_start3A_898 = arith.constant 0 : i32
        %dma_start3A_899 = tpu.memref_slice %arg14[%dma_start3A_897, %dma_start3A_898] : memref<64x256xf32, #tpu.memory_space<vmem>> -> memref<16x256xf32, #tpu.memory_space<vmem>>
        %dma_start3A_900 = arith.constant 9984 : i32
        %dma_start3A_901 = arith.constant 0 : i32
        %dma_start3A_902 = tpu.memref_slice %arg5[%dma_start3A_900, %dma_start3A_901] : memref<10000x256xf32, #tpu.memory_space<hbm>> -> memref<16x256xf32, #tpu.memory_space<hbm>>
        %dma_start3A_903 = arith.constant 9984 : i32
        %dma_start3A_904 = arith.constant 0 : i32
        %dma_start3A_905 = tpu.memref_slice %arg5[%dma_start3A_903, %dma_start3A_904] : memref<10000x256xf32, #tpu.memory_space<hbm>> -> memref<16x256xf32, #tpu.memory_space<hbm>>
        %dma_start3A_906 = arith.constant 0 : i32
        %dma_start3A_907 = arith.constant 0 : i32
        %dma_start3A_908 = tpu.memref_slice %arg14[%dma_start3A_906, %dma_start3A_907] : memref<64x256xf32, #tpu.memory_space<vmem>> -> memref<16x256xf32, #tpu.memory_space<vmem>>
        tpu.enqueue_dma source(%dma_start3A_908 : memref<16x256xf32, #tpu.memory_space<vmem>>) target(%dma_start3A_905 : memref<16x256xf32, #tpu.memory_space<hbm>>) target_semaphore(%run_scoped3A : memref<!tpu.dma_semaphore, #tpu.memory_space<semaphore_mem>>)
        %dma_wait3A_909 = arith.constant 0 : i32
        %dma_wait3A_910 = arith.constant 0 : i32
        %dma_wait3A_911 = tpu.memref_slice %arg14[%dma_wait3A_909, %dma_wait3A_910] : memref<64x256xf32, #tpu.memory_space<vmem>> -> memref<16x256xf32, #tpu.memory_space<vmem>>
        %dma_wait3A_912 = arith.constant 9984 : i32
        %dma_wait3A_913 = arith.constant 0 : i32
        %dma_wait3A_914 = tpu.memref_slice %arg5[%dma_wait3A_912, %dma_wait3A_913] : memref<10000x256xf32, #tpu.memory_space<hbm>> -> memref<16x256xf32, #tpu.memory_space<hbm>>
        %dma_wait3A_915 = arith.constant 9984 : i32
        %dma_wait3A_916 = arith.constant 0 : i32
        %dma_wait3A_917 = tpu.memref_slice %arg5[%dma_wait3A_915, %dma_wait3A_916] : memref<10000x256xf32, #tpu.memory_space<hbm>> -> memref<16x256xf32, #tpu.memory_space<hbm>>
        %dma_wait3A_918 = arith.constant 0 : i32
        %dma_wait3A_919 = arith.constant 0 : i32
        %dma_wait3A_920 = tpu.memref_slice %arg14[%dma_wait3A_918, %dma_wait3A_919] : memref<64x256xf32, #tpu.memory_space<vmem>> -> memref<16x256xf32, #tpu.memory_space<vmem>>
        tpu.wait_dma2 semaphore(%run_scoped3A : memref<!tpu.dma_semaphore, #tpu.memory_space<semaphore_mem>>) src(%dma_wait3A_920 : memref<16x256xf32, #tpu.memory_space<vmem>>) dst(%dma_wait3A_917 : memref<16x256xf32, #tpu.memory_space<hbm>>)
        tpu.yield
      }) : () -> ()
    } else {
    }
    %dma_wait3A_878 = arith.constant 256 : i32
    %dma_wait3A_879 = tpu.memref_slice %arg12[%dma_wait3A_878] : memref<320xi32, #tpu.memory_space<vmem>> -> memref<64xi32, #tpu.memory_space<vmem>>
    %dma_wait3A_880 = arith.constant 0 : i32
    %dma_wait3A_881 = arith.constant 0 : i32
    %dma_wait3A_882 = tpu.memref_slice %arg4[%dma_wait3A_880, %dma_wait3A_881] : memref<160000x256xf32, #tpu.memory_space<hbm>> -> memref<160000x256xf32, #tpu.memory_space<hbm>>
    tpu.wait_indirect_dma semaphore(%arg15 : memref<!tpu.dma_semaphore, #tpu.memory_space<semaphore_mem>>) src(%dma_wait3A_882 : memref<160000x256xf32, #tpu.memory_space<hbm>>) dst(%arg13 : memref<64x256xf32, #tpu.memory_space<vmem>>)
    %add3A_883 = arith.constant 256 : i32
    %add3A_884 = arith.addi %add3A_773, %add3A_883 : i32
    %add3A_885 = arith.constant 64 : i32
    %add3A_886 = arith.addi %add3A_884, %add3A_885 : i32
    %le3A_887 = arith.constant 10000 : i32
    %le3A_888 = arith.cmpi sle, %add3A_886, %le3A_887 : i32
    %convert_element_type3A_889 = arith.extui %le3A_888 : i1 to i32
    %cond3A_890 = arith.constant 0 : i32
    %cond3A_891 = arith.cmpi ne, %convert_element_type3A_889, %cond3A_890 : i32
    scf.if %cond3A_891 {
      "tpu.region"() ({
        %run_scoped3A = tpu.sem_alloc : memref<!tpu.dma_semaphore, #tpu.memory_space<semaphore_mem>>
        %dma_start3A_897 = arith.constant 0 : i32
        %dma_start3A_898 = tpu.memref_slice %arg5[%add3A_884, %dma_start3A_897] : memref<10000x256xf32, #tpu.memory_space<hbm>> -> memref<64x256xf32, #tpu.memory_space<hbm>>
        %dma_start3A_899 = arith.constant 0 : i32
        %dma_start3A_900 = tpu.memref_slice %arg5[%add3A_884, %dma_start3A_899] : memref<10000x256xf32, #tpu.memory_space<hbm>> -> memref<64x256xf32, #tpu.memory_space<hbm>>
        tpu.enqueue_dma source(%arg13 : memref<64x256xf32, #tpu.memory_space<vmem>>) target(%dma_start3A_900 : memref<64x256xf32, #tpu.memory_space<hbm>>) target_semaphore(%run_scoped3A : memref<!tpu.dma_semaphore, #tpu.memory_space<semaphore_mem>>)
        %dma_wait3A_901 = arith.constant 0 : i32
        %dma_wait3A_902 = tpu.memref_slice %arg5[%add3A_884, %dma_wait3A_901] : memref<10000x256xf32, #tpu.memory_space<hbm>> -> memref<64x256xf32, #tpu.memory_space<hbm>>
        %dma_wait3A_903 = arith.constant 0 : i32
        %dma_wait3A_904 = tpu.memref_slice %arg5[%add3A_884, %dma_wait3A_903] : memref<10000x256xf32, #tpu.memory_space<hbm>> -> memref<64x256xf32, #tpu.memory_space<hbm>>
        tpu.wait_dma2 semaphore(%run_scoped3A : memref<!tpu.dma_semaphore, #tpu.memory_space<semaphore_mem>>) src(%arg13 : memref<64x256xf32, #tpu.memory_space<vmem>>) dst(%dma_wait3A_904 : memref<64x256xf32, #tpu.memory_space<hbm>>)
        tpu.yield
      }) : () -> ()
    } else {
    }
    %eq3A_892 = arith.constant 9984 : i32
    %eq3A_893 = arith.cmpi eq, %add3A_884, %eq3A_892 : i32
    %convert_element_type3A_894 = arith.extui %eq3A_893 : i1 to i32
    %cond3A_895 = arith.constant 0 : i32
    %cond3A_896 = arith.cmpi ne, %convert_element_type3A_894, %cond3A_895 : i32
    scf.if %cond3A_896 {
      "tpu.region"() ({
        %run_scoped3A = tpu.sem_alloc : memref<!tpu.dma_semaphore, #tpu.memory_space<semaphore_mem>>
        %dma_start3A_897 = arith.constant 0 : i32
        %dma_start3A_898 = arith.constant 0 : i32
        %dma_start3A_899 = tpu.memref_slice %arg13[%dma_start3A_897, %dma_start3A_898] : memref<64x256xf32, #tpu.memory_space<vmem>> -> memref<16x256xf32, #tpu.memory_space<vmem>>
        %dma_start3A_900 = arith.constant 9984 : i32
        %dma_start3A_901 = arith.constant 0 : i32
        %dma_start3A_902 = tpu.memref_slice %arg5[%dma_start3A_900, %dma_start3A_901] : memref<10000x256xf32, #tpu.memory_space<hbm>> -> memref<16x256xf32, #tpu.memory_space<hbm>>
        %dma_start3A_903 = arith.constant 9984 : i32
        %dma_start3A_904 = arith.constant 0 : i32
        %dma_start3A_905 = tpu.memref_slice %arg5[%dma_start3A_903, %dma_start3A_904] : memref<10000x256xf32, #tpu.memory_space<hbm>> -> memref<16x256xf32, #tpu.memory_space<hbm>>
        %dma_start3A_906 = arith.constant 0 : i32
        %dma_start3A_907 = arith.constant 0 : i32
        %dma_start3A_908 = tpu.memref_slice %arg13[%dma_start3A_906, %dma_start3A_907] : memref<64x256xf32, #tpu.memory_space<vmem>> -> memref<16x256xf32, #tpu.memory_space<vmem>>
        tpu.enqueue_dma source(%dma_start3A_908 : memref<16x256xf32, #tpu.memory_space<vmem>>) target(%dma_start3A_905 : memref<16x256xf32, #tpu.memory_space<hbm>>) target_semaphore(%run_scoped3A : memref<!tpu.dma_semaphore, #tpu.memory_space<semaphore_mem>>)
        %dma_wait3A_909 = arith.constant 0 : i32
        %dma_wait3A_910 = arith.constant 0 : i32
        %dma_wait3A_911 = tpu.memref_slice %arg13[%dma_wait3A_909, %dma_wait3A_910] : memref<64x256xf32, #tpu.memory_space<vmem>> -> memref<16x256xf32, #tpu.memory_space<vmem>>
        %dma_wait3A_912 = arith.constant 9984 : i32
        %dma_wait3A_913 = arith.constant 0 : i32
        %dma_wait3A_914 = tpu.memref_slice %arg5[%dma_wait3A_912, %dma_wait3A_913] : memref<10000x256xf32, #tpu.memory_space<hbm>> -> memref<16x256xf32, #tpu.memory_space<hbm>>
        %dma_wait3A_915 = arith.constant 9984 : i32
        %dma_wait3A_916 = arith.constant 0 : i32
        %dma_wait3A_917 = tpu.memref_slice %arg5[%dma_wait3A_915, %dma_wait3A_916] : memref<10000x256xf32, #tpu.memory_space<hbm>> -> memref<16x256xf32, #tpu.memory_space<hbm>>
        %dma_wait3A_918 = arith.constant 0 : i32
        %dma_wait3A_919 = arith.constant 0 : i32
        %dma_wait3A_920 = tpu.memref_slice %arg13[%dma_wait3A_918, %dma_wait3A_919] : memref<64x256xf32, #tpu.memory_space<vmem>> -> memref<16x256xf32, #tpu.memory_space<vmem>>
        tpu.wait_dma2 semaphore(%run_scoped3A : memref<!tpu.dma_semaphore, #tpu.memory_space<semaphore_mem>>) src(%dma_wait3A_920 : memref<16x256xf32, #tpu.memory_space<vmem>>) dst(%dma_wait3A_917 : memref<16x256xf32, #tpu.memory_space<hbm>>)
        tpu.yield
      }) : () -> ()
    } else {
    }
    return
  }
}

</mosaic_0001>

<sc_bundles>
// kernel: _aggregate.3.cloned.1.call-start
scs
__scs_entry_jumppad:
0x0: {  	(pc) =	sbr.rel $0x88, $3  }
0x1: {  	(tag) =	ssettag $0x0;
	lr =	simm.s32 $0x1  }
0x2: {  	[smem:$0x3F9E] =	sst lr;
	_ =	strace $0xD0000000  }
0x3: {  	_ = 	snop  }
0x4: {  	_ = 	snop  }
0x5: {  	_ = 	snop  }
0x6: {  	_ = 	snop  }
0x7: {  	_ = 	snop  }
__scs_overlays_trampoline_lowered:
0x8: {  	[smem:$0x3FAD] =	sst s0  }
0x9: {  	[smem:$0x3FAE] =	sst s1  }
0xa: {  	[smem:$0x3FAF] =	sst s2  }
0xb: {  	[smem:$0x3FB0] =	sst s3  }
0xc: {  	[smem:$0x3FB1] =	sst s4  }
0xd: {  	[smem:$0x3FB2] =	sst s5  }
0xe: {  	[smem:$0x3FB3] =	sst s6  }
0xf: {  	[smem:$0x3FB4] =	sst s7  }
0x10: {  	[smem:$0x3FB5] =	sst s8  }
0x11: {  	[smem:$0x3FB6] =	sst s9;
	s0 =	simm.s32 @!p0 $0x0  }
0x12: {  	s1 =	sld [smem:$0x3F9C];
	s0 =	simm.s32 @p0 $0x1  }
0x13: {  	[smem:$0x3FB7] =	sst s0;
	s0 =	simm.s32 @!p1 $0x0  }
0x14: {  	s2 =	sld [smem:$0x3F9B];
	s0 =	simm.s32 @p1 $0x1  }
0x15: {  	[smem:$0x3FB8] =	sst s0;
	s0 =	simm.s32 @!p2 $0x0  }
0x16: {  	s3 =	sld [smem:$0x3FDB];
	s0 =	simm.s32 @p2 $0x1  }
0x17: {  	s4 =	simm.s32 $0x1BF5;
	[smem:$0x3FBA] =	sst s0  }
0x18: {  	s0 =	sld [smem:$0x3F9D];
	_ =	swait.ge [sflag:s4], $0x0  }
0x19: {  	s7 =	sld [smem:$0x3F9E]  }
0x1a: {  	s8 =	sadd.s32 $0xFFFFE003, lr  }
0x1b: {  	s9 =	sadd.s32 $0xFFFFFEF7, lr;
	s5 =	simm.s32 $0xFFFFFFFF;
	p2 =	slt.u32 s8, $0xFFFFF086  }
0x1c: {  	p1 =	slt.u32 s9, $0xF7A;
	s5 =	simm.s32 @!p2 $0x0  }
0x1d: {  	s5 =	simm.s32 @p1 $0x1;
	p0 =	seq.s32 s7, s2  }
0x1e: {  	s7 =	smul.u32 @!p0 $0xF7A, s2;
	p2 =	seq.s32 @!p0 s5, $0x0  }
0x1f: {  	s9 =	smul.u32 $0xF7A, s1;
	s8 =	simm.s32 @!p0 $0x1BF5;
	p2 =	por !p2, p0  }
0x20: {  	[sflag:s8] =	ssyncset.s32 @!p0 $0xFFFFF086;
	s6 =	sadd.s32 @!p0 s3, s7;
	s7 =	simm.s32 @!p0 $0x108  }
0x21: {  	s3 =	sadd.s32 s3, s9;
	s6 =	sadd.s32 @!p0 $0x88, s6;
	s7 =	simm.s32 @p2 $0x1082  }
0x22: {  	[simem:s7], [sflag:s8] =	dma.local @!p0 [hbm:s6], $0xF7A  }
0x23: {  	s9 =	sor.u32 $0xD0000000, s2;
	s6 =	simm.s32 $0x108;
	_ =	swait.ge @!p0 [sflag:s8], $0x0  }
0x24: {  	s3 =	sadd.s32 $0x88, s3;
	s6 =	simm.s32 @!p1 $0x1082;
	[sflag:s4] =	ssyncset.s32 $0xFFFFF086  }
0x25: {  	[simem:s6], [sflag:s4] =	dma.local [hbm:s3], $0xF7A  }
0x26: {  	[smem:$0x3F9E] =	sst s1;
	(tag) =	ssettag s2;
	_ =	strace s9  }
0x27: {  	s1 =	sld [smem:$0x3FAE]  }
0x28: {  	s2 =	sld [smem:$0x3FAF]  }
0x29: {  	s4 =	sld [smem:$0x3FB1]  }
0x2a: {  	p0 =	seq.s32 s5, $0x0;
	s5 =	sld [smem:$0x3FB2]  }
0x2b: {  	s6 =	sld [smem:$0x3FB3]  }
0x2c: {  	s7 =	sld [smem:$0x3FB4]  }
0x2d: {  	s3 =	simm.s32 $0x108;
	s8 =	sld [smem:$0x3FB5]  }
0x2e: {  	s3 =	simm.s32 @!p0 $0x1082;
	s9 =	sld [smem:$0x3FB6]  }
0x2f: {  	lr =	sadd.s32 s0, s3;
	s0 =	sld [smem:$0x3FAD]  }
0x30: {  	s3 =	sld [smem:$0x3FB0]  }
0x31: {  	[smem:$0x3FB9] =	sst s10  }
0x32: {  	s10 =	sld [smem:$0x3FB7];
	_ =	sdelay $0x3  }
0x33: {  	p0 =	seq.s32 s10, $0x1;
	s10 =	sld [smem:$0x3FB9];
	_ =	sdelay $0x3  }
0x34: {  	[smem:$0x3FB9] =	sst s10  }
0x35: {  	s10 =	sld [smem:$0x3FB8];
	_ =	sdelay $0x3  }
0x36: {  	p1 =	seq.s32 s10, $0x1;
	s10 =	sld [smem:$0x3FB9];
	_ =	sdelay $0x3  }
0x37: {  	[smem:$0x3FB9] =	sst s10  }
0x38: {  	s10 =	sld [smem:$0x3FBA]  }
0x39: {  	_ = 	snop;
	(pc) =	sbr.ind lr, $3  }
0x3a: {  	_ = 	snop  }
0x3b: {  	_ = 	snop  }
0x3c: {  	p2 =	seq.s32 s10, $0x1;
	s10 =	sld [smem:$0x3FB9]  }
0x3d: {  	_ =	shalt  }
0x3e: {  	_ =	shalt  }
0x3f: {  	_ =	shalt  }
0x40: {  	_ =	shalt  }
0x41: {  	_ =	shalt  }
0x42: {  	_ =	shalt  }
0x43: {  	_ =	shalt  }
0x44: {  	_ =	shalt  }
0x45: {  	_ =	shalt  }
0x46: {  	_ =	shalt  }
0x47: {  	_ =	shalt  }
0x48: {  	_ =	shalt  }
0x49: {  	_ =	shalt  }
0x4a: {  	_ =	shalt  }
0x4b: {  	_ =	shalt  }
0x4c: {  	_ =	shalt  }
0x4d: {  	_ =	shalt  }
0x4e: {  	_ =	shalt  }
0x4f: {  	_ =	shalt  }
0x50: {  	_ =	shalt  }
0x51: {  	_ =	shalt  }
0x52: {  	_ =	shalt  }
0x53: {  	_ =	shalt  }
0x54: {  	_ =	shalt  }
0x55: {  	_ =	shalt  }
0x56: {  	_ =	shalt  }
0x57: {  	_ =	shalt  }
0x58: {  	_ =	shalt  }
0x59: {  	_ =	shalt  }
0x5a: {  	_ =	shalt  }
0x5b: {  	_ =	shalt  }
0x5c: {  	_ =	shalt  }
0x5d: {  	_ =	shalt  }
0x5e: {  	_ =	shalt  }
0x5f: {  	_ =	shalt  }
0x60: {  	_ =	shalt  }
0x61: {  	_ =	shalt  }
0x62: {  	_ =	shalt  }
0x63: {  	_ =	shalt  }
0x64: {  	_ =	shalt  }
0x65: {  	_ =	shalt  }
0x66: {  	_ =	shalt  }
0x67: {  	_ =	shalt  }
0x68: {  	_ =	shalt  }
0x69: {  	_ =	shalt  }
0x6a: {  	_ =	shalt  }
0x6b: {  	_ =	shalt  }
0x6c: {  	_ =	shalt  }
0x6d: {  	_ =	shalt  }
0x6e: {  	_ =	shalt  }
0x6f: {  	_ =	shalt  }
0x70: {  	_ =	shalt  }
0x71: {  	_ =	shalt  }
0x72: {  	_ =	shalt  }
0x73: {  	_ =	shalt  }
0x74: {  	_ =	shalt  }
0x75: {  	_ =	shalt  }
0x76: {  	_ =	shalt  }
0x77: {  	_ =	shalt  }
0x78: {  	_ =	shalt  }
0x79: {  	_ =	shalt  }
0x7a: {  	_ =	shalt  }
0x7b: {  	_ =	shalt  }
0x7c: {  	_ =	shalt  }
0x7d: {  	_ =	shalt  }
0x7e: {  	_ =	shalt  }
0x7f: {  	_ =	shalt  }
0x80: {  	_ =	shalt  }
0x81: {  	_ =	shalt  }
0x82: {  	_ =	shalt  }
0x83: {  	_ =	shalt  }
0x84: {  	_ =	shalt  }
0x85: {  	_ =	shalt  }
0x86: {  	_ =	shalt  }
0x87: {  	_ =	shalt  }
.Lfunc_end0:
.L_simem_size_0:
called_computation_lowered:
.L_overlay_start_0:
0x88: {  	s2 =	sld [smem:$0x3FD9]  }
0x89: {  	s3 =	sld [smem:$0x3FFE];
	_ =	sdelay $0x1  }
0x8a: {  	s1 =	srdreg.scid  }
0x8b: {  	s0 =	sand.u32 $0x1, s1  }
0x8c: {  	s18 =	sshll.u32 s0, $0xA;
	s2 =	sadd.s32 s3, s2  }
0x8d: {  	s2 =	sadd.s32 s2, s18  }
0x8e: {  	[smem:$0x3FC5] =	sst s2  }
0x8f: {  	_ = 	snop  }
0x90: {  	s2 =	sld [smem:$0x3FC9]  }
0x91: {  	s19 =	sld [smem:$0x3FC8]  }
0x92: {  	s4 =	sld [smem:$0x3FC7]  }
0x93: {  	s5 =	sld [smem:$0x3FD0];
	(tm) =	ssettm $0x1  }
0x94: {  	s6 =	sld [smem:$0x3FFB];
	_ =	sdelay $0x3  }
0x95: {  	_ =	strace s6  }
0x96: {  	s6 =	sld [smem:$0x3FFC];
	_ =	sdelay $0x3  }
0x97: {  	_ =	strace s6  }
0x98: {  	s6 =	sld [smem:$0x3FFD];
	_ =	sdelay $0x3  }
0x99: {  	_ =	strace s6  }
0x9a: {  	_ =	strace $0x8FFFFFFF  }
0x9b: {  	s20 =	sld [smem:$0x3FDB];
	_ =	sdelay $0x1  }
0x9c: {  	s7 =	simm.s32 $_scs_section_size  }
0x9d: {  	s8 =	simm.s32 $_size__tile_overlayer_lowered;
	s9 =	simm.s32 $_tile_overlayer_lowered  }
0x9e: {  	s23 =	simm.s32 $0x1BFF;
	s22 =	sshll.u32 s9, $0x1;
	s6 =	sadd.s32 s7, s20  }
0x9f: {  	s10 =	simm.s32 $0x0;
	s21 =	sshll.u32 s8, $0x1;
	s8 =	sadd.s32 s22, s6  }
0xa0: {  	[timem:s10], [sflag:s23] =	dma.local [hbm:s8], s21  }
0xa1: {  	_ =	swait.ge [sflag:s23], s21  }
0xa2: {  	s7 =	ssub.s32 $0x0, s21;
	[sflag:s23] =	ssyncset.done $0x0  }
0xa3: {  	[sflag:s23] =	ssyncadd.s32 s7;
	_ =	sdelay $0x1  }
0xa4: {  	s24 =	simm.s32 $0x1B8B  }
0xa5: {  	_ =	swait.ge [sflag:s24], $0x1  }
0xa6: {  	[sflag:s24] =	ssyncset.done $0x0  }
0xa7: {  	s25 =	simm.s32 $0x1B8E;
	[sflag:s24] =	ssyncadd.s32 $0xFFFFFFFF  }
0xa8: {  	s26 =	simm.s32 $execute0_lowered;
	[smem:$0x3FD2] =	sst s25  }
0xa9: {  	s7 =	sshll.u32 s26, $0x1;
	_ =	strace $0x80000046;
	[dreg:$0x1] =	wrdreg $0xFFFFFFFF  }
0xaa: {  	s28 =	simm.s32 $_size_execute0_lowered;
	s6 =	sadd.s32 s6, s7;
	[dreg:$0x0] =	wrdreg $0x0  }
0xab: {  	s7 =	sshll.u32 s28, $0x1;
	[dreg:$0x2] =	wrdreg s6  }
0xac: {  	[dreg:$0x3] =	wrdreg s7  }
0xad: {  	[dreg:$0x4] =	wrdreg $0xC0  }
0xae: {  	_ =	task [dreg:s10], $0x5FFFF  }
0xaf: {  	[dreg:$0x1] =	wrdreg $0xFFFFFFFF  }
0xb0: {  	[dreg:$0x0] =	wrdreg $0x60  }
0xb1: {  	[dreg:$0x2] =	wrdreg s19  }
0xb2: {  	[dreg:$0x3] =	wrdreg s4  }
0xb3: {  	[dreg:$0x4] =	wrdreg s2  }
0xb4: {  	[dreg:$0x5] =	wrdreg s5  }
0xb5: {  	[dreg:$0x6] =	wrdreg $0x171800  }
0xb6: {  	[dreg:$0x7] =	wrdreg $0x199800  }
0xb7: {  	[dreg:$0x8] =	wrdreg $0x9  }
0xb8: {  	_ =	task.clear_ibuf [dreg:s10], $0x9FFFF;
	_ =	strace $0x90000046  }
0xb9: {  	s29 =	simm.s32 $0x9;
	_ =	strace $0x80000048  }
0xba: {  	_ =	swait.ge [sflag:s29], $0x1  }
0xbb: {  	[sflag:s29] =	ssyncadd.s32 $0xFFFFFFFF  }
0xbc: {  	_ =	strace $0x90000048  }
0xbd: {  	_ =	sfence  }
0xbe: {  	s30 =	sld [smem:$0x0];
	_ =	sdelay $0x2  }
0xbf: {  	s31 =	sshll.u32 s1, $0xD;
	s1 =	sshrl.u32 s1, $0x2  }
0xc0: {  	s3 =	sand.u32 $0x4000, s31;
	s1 =	sadd.s32 s1, s30  }
0xc1: {  	s0 =	sor.u32 s3, s0;
	s1 =	sshll.u32 s1, $0x11  }
0xc2: {  	s0 =	sor.u32 s1, s0  }
0xc3: {  	s0 =	sadd.s32 $0x8F2B, s0  }
0xc4: {  	[sflag:s0] =	ssyncadd.remote.s32 $0x1  }
0xc5: {  	_ =	sfence.sel $0xFFFF  }
0xc6: {  	[dreg:$0x0] =	wrdreg $0xFFFFFFFF;
	(pc) =	sbr.abs _section_cstart, $3  }
0xc7: {  	[dreg:$0x1] =	wrdreg $0xFFFFFFFF  }
0xc8: {  	_ =	task.clear_ibuf [dreg:s10], $0x2FFFF;
	_ =	strace $0x9FFFFFFF  }
0xc9: {  	(tm) =	ssettm $0x7FFFFFFF  }
tec
execute0_lowered:
.L_overlay_start_1:
0x0: {  	(tag) =	ssettag $0x1  }
0x1: {  	s6 =	rddreg [dreg:$0x0]  }
0x2: {  	s7 =	rddreg [dreg:$0x1];
	s9 =	stileid.u32  }
0x3: {  	s1 =	rddreg [dreg:$0x4];
	s10 =	smul.u32 $0x2710, s9  }
0x4: {  	s0 =	srdreg.scid;
	s4 =	rddreg [dreg:$0x5];
	s2 =	simm.s32 $0x0  }
0x5: {  	s3 =	sand.u32 $0x1, s0;
	s5 =	smul.u32 $0x280, s9;
	s16 =	sshrl.u32 s10, $0x3  }
0x6: {  	[smem:$0x7FF] =	sst s2;
	s0 =	ssub.s32 $0x2, s3;
	s6 =	sadd.s32 s6, s16  }
0x7: {  	s17 =	sadd.s32 $0x140, s5;
	s7 =	sadd.s32 s7, s16;
	[dreg:$0x8] =	wrdreg s6  }
0x8: {  	s19 =	sadd.s32 $0x2800, s5;
	s18 =	sadd.s32 s17, s1;
	[dreg:$0x9] =	wrdreg s7  }
0x9: {  	s21 =	sadd.s32 $0x2940, s5;
	s20 =	sadd.s32 s19, s1;
	[dreg:$0xa] =	wrdreg s18  }
0xa: {  	s23 =	sadd.s32 $0x5000, s5;
	s22 =	sadd.s32 s21, s1;
	[dreg:$0xc] =	wrdreg s20  }
0xb: {  	s25 =	sadd.s32 $0x5140, s5;
	s24 =	sadd.s32 s23, s1;
	[dreg:$0xe] =	wrdreg s22  }
0xc: {  	s29 =	sadd.s32 $0x7800, s5;
	s26 =	sadd.s32 s25, s1;
	[dreg:$0x10] =	wrdreg s24  }
0xd: {  	s12 =	sadd.s32 $0xA000, s5;
	s30 =	sadd.s32 s29, s1;
	[dreg:$0x12] =	wrdreg s26  }
0xe: {  	s14 =	sadd.s32 $0xA140, s5;
	s13 =	sadd.s32 s12, s1;
	[dreg:$0x14] =	wrdreg s30  }
0xf: {  	s8 =	sshrl.u32 s0, $0x1;
	s15 =	sadd.s32 s14, s1;
	[dreg:$0x18] =	wrdreg s13  }
0x10: {  	s0 =	ssub.s32 s0, s8;
	s6 =	sadd.s32 s17, s4;
	[dreg:$0x1a] =	wrdreg s15  }
0x11: {  	s8 =	sadd.s32 $0x7940, s5;
	s7 =	sadd.s32 s19, s4;
	[dreg:$0xb] =	wrdreg s6  }
0x12: {  	s16 =	sadd.s32 $0xC800, s5;
	s11 =	sadd.s32 s8, s1;
	[dreg:$0xd] =	wrdreg s7  }
0x13: {  	s17 =	sadd.s32 s16, s1;
	[dreg:$0x16] =	wrdreg s11  }
0x14: {  	s6 =	sadd.s32 s21, s4;
	[dreg:$0x1c] =	wrdreg s17  }
0x15: {  	s18 =	sadd.s32 $0xC940, s5;
	s7 =	sadd.s32 s23, s4;
	[dreg:$0xf] =	wrdreg s6  }
0x16: {  	s20 =	sadd.s32 $0xF000, s5;
	s19 =	sadd.s32 s18, s1;
	[dreg:$0x11] =	wrdreg s7  }
0x17: {  	s22 =	sadd.s32 $0xF140, s5;
	s21 =	sadd.s32 s20, s1;
	[dreg:$0x1e] =	wrdreg s19  }
0x18: {  	s23 =	sadd.s32 s22, s1;
	[smem:$0x788] =	sst s21  }
0x19: {  	s6 =	sadd.s32 s25, s4;
	[smem:$0x78A] =	sst s23  }
0x1a: {  	s24 =	sadd.s32 $0x11800, s5;
	s7 =	sadd.s32 s29, s4;
	[dreg:$0x13] =	wrdreg s6  }
0x1b: {  	s26 =	sadd.s32 $0x11940, s5;
	s25 =	sadd.s32 s24, s1;
	[dreg:$0x15] =	wrdreg s7  }
0x1c: {  	s29 =	sadd.s32 s26, s1;
	[smem:$0x78C] =	sst s25  }
0x1d: {  	s6 =	sadd.s32 s8, s4;
	[smem:$0x78E] =	sst s29  }
0x1e: {  	s30 =	sor.u32 $0x14000, s5;
	s7 =	sadd.s32 s12, s4;
	[dreg:$0x17] =	wrdreg s6  }
0x1f: {  	s11 =	sadd.s32 $0x14140, s5;
	s8 =	sadd.s32 s30, s1;
	[dreg:$0x19] =	wrdreg s7  }
0x20: {  	s12 =	sadd.s32 s11, s1;
	[smem:$0x790] =	sst s8  }
0x21: {  	s6 =	sadd.s32 s14, s4;
	[smem:$0x792] =	sst s12  }
0x22: {  	s13 =	sadd.s32 $0x16800, s5;
	s7 =	sadd.s32 s16, s4;
	[dreg:$0x1b] =	wrdreg s6  }
0x23: {  	s15 =	sadd.s32 $0x16940, s5;
	s14 =	sadd.s32 s13, s1;
	[dreg:$0x1d] =	wrdreg s7  }
0x24: {  	s16 =	sadd.s32 s15, s1;
	[smem:$0x794] =	sst s14  }
0x25: {  	s6 =	sadd.s32 s18, s4;
	[smem:$0x796] =	sst s16  }
0x26: {  	s17 =	sadd.s32 $0x19000, s5;
	s7 =	sadd.s32 s20, s4;
	[dreg:$0x1f] =	wrdreg s6  }
0x27: {  	s19 =	sadd.s32 $0x19140, s5;
	s18 =	sadd.s32 s17, s1;
	[smem:$0x789] =	sst s7  }
0x28: {  	s20 =	sadd.s32 s19, s1;
	[smem:$0x798] =	sst s18  }
0x29: {  	s6 =	sadd.s32 s22, s4;
	[smem:$0x79A] =	sst s20  }
0x2a: {  	s21 =	sadd.s32 $0x1B800, s5;
	s7 =	sadd.s32 s24, s4;
	[smem:$0x78B] =	sst s6  }
0x2b: {  	s23 =	sadd.s32 $0x1B940, s5;
	s22 =	sadd.s32 s21, s1;
	[smem:$0x78D] =	sst s7  }
0x2c: {  	s24 =	sadd.s32 s23, s1;
	[smem:$0x79C] =	sst s22  }
0x2d: {  	s18 =	sadd.s32 s5, s1;
	[smem:$0x79E] =	sst s24  }
0x2e: {  	s6 =	sadd.s32 s26, s4;
	[smem:$0x7AC] =	sst s18  }
0x2f: {  	s25 =	sadd.s32 $0x1E000, s5;
	s7 =	sadd.s32 s30, s4;
	[smem:$0x78F] =	sst s6  }
0x30: {  	s29 =	sadd.s32 $0x1E140, s5;
	s26 =	sadd.s32 s25, s1;
	[smem:$0x791] =	sst s7  }
0x31: {  	s30 =	sadd.s32 s29, s1;
	[smem:$0x7A0] =	sst s26  }
0x32: {  	[smem:$0x7A2] =	sst s30  }
0x33: {  	s6 =	sadd.s32 s11, s4;
	s26 =	rddreg [dreg:$0x3]  }
0x34: {  	s8 =	sadd.s32 $0x20800, s5;
	s7 =	sadd.s32 s13, s4;
	[smem:$0x793] =	sst s6  }
0x35: {  	s12 =	sadd.s32 $0x20940, s5;
	s11 =	sadd.s32 s8, s1;
	[smem:$0x795] =	sst s7  }
0x36: {  	s13 =	sadd.s32 s12, s1;
	[smem:$0x7A4] =	sst s11  }
0x37: {  	s6 =	sadd.s32 s15, s4;
	[smem:$0x7A6] =	sst s13  }
0x38: {  	s14 =	sadd.s32 $0x23000, s5;
	s7 =	sadd.s32 s17, s4;
	[smem:$0x797] =	sst s6  }
0x39: {  	s16 =	sadd.s32 $0x23140, s5;
	s15 =	sadd.s32 s14, s1;
	[smem:$0x799] =	sst s7  }
0x3a: {  	s17 =	sadd.s32 s16, s1;
	[smem:$0x7A8] =	sst s15  }
0x3b: {  	[smem:$0x7AA] =	sst s17  }
0x3c: {  	s6 =	sadd.s32 s19, s4;
	s15 =	rddreg [dreg:$0x2]  }
0x3d: {  	s7 =	sadd.s32 s21, s4;
	[smem:$0x79B] =	sst s6  }
0x3e: {  	s20 =	sadd.s32 $0x25800, s5;
	s19 =	sadd.s32 s5, s4;
	[smem:$0x79D] =	sst s7  }
0x3f: {  	s21 =	sadd.s32 s20, s1;
	[smem:$0x7AD] =	sst s19  }
0x40: {  	s6 =	sadd.s32 s23, s4;
	[smem:$0x7AE] =	sst s21  }
0x41: {  	s5 =	sadd.s32 $0x25940, s5;
	s7 =	sadd.s32 s25, s4;
	[smem:$0x79F] =	sst s6  }
0x42: {  	s22 =	smul.u32 $0x2800, s9;
	s23 =	sadd.s32 s5, s1;
	[smem:$0x7A1] =	sst s7  }
0x43: {  	s5 =	sadd.s32 s5, s4;
	[smem:$0x7B0] =	sst s23  }
0x44: {  	s1 =	sadd.s32 s22, s1;
	[smem:$0x7B1] =	sst s5  }
0x45: {  	s25 =	sadd.s32 s22, s4;
	[smem:$0x7B2] =	sst s1  }
0x46: {  	s6 =	sadd.s32 s29, s4;
	[smem:$0x7B3] =	sst s25  }
0x47: {  	s3 =	smul.u32 $0x1400, s3;
	s7 =	sadd.s32 s8, s4;
	[smem:$0x7A3] =	sst s6  }
0x48: {  	s24 =	smul.u32 $0x140, s9;
	[smem:$0x7A5] =	sst s7;
	s6 =	sadd.s32 s12, s4  }
0x49: {  	s7 =	sadd.s32 s14, s4;
	[smem:$0x7A7] =	sst s6  }
0x4a: {  	s17 =	sadd.s32 s24, s3;
	[smem:$0x7A9] =	sst s7;
	s6 =	sadd.s32 s16, s4  }
0x4b: {  	s29 =	sshll.u32 s17, $0x5;
	[smem:$0x7AB] =	sst s6;
	s6 =	sadd.s32 s20, s4  }
0x4c: {  	s5 =	sadd.s32 s26, s29;
	[smem:$0x7AF] =	sst s6  }
0x4d: {  	s1 =	sadd.s32 $0x4E000, s26;
	_ =	strace $0x80000047;
	[smem:$0x7B4] =	sst s5  }
0x4e: {  	s0 =	smax.u32 s0, $0x1;
	[smem:$0x7B9] =	sst s1  }
0x4f: {  	[smem:$0x7BA] =	sst s0  }
0x50: {  	s9 =	sadd.s32 $0x5000, s3;
	[dreg:$0x7] =	wrdreg s10  }
0x51: {  	s11 =	sor.u32 $0xA000, s3;
	[smem:$0x7BE] =	sst s9  }
0x52: {  	s12 =	sadd.s32 $0xC800, s3;
	[smem:$0x7C0] =	sst s11  }
0x53: {  	s13 =	sadd.s32 $0x5140, s3;
	[smem:$0x7C1] =	sst s12  }
0x54: {  	s14 =	sadd.s32 $0x7940, s3;
	[smem:$0x7C2] =	sst s13  }
0x55: {  	s16 =	sor.u32 $0xA140, s3;
	[smem:$0x7C3] =	sst s14  }
0x56: {  	s18 =	sadd.s32 $0xC940, s3;
	[smem:$0x7C4] =	sst s16  }
0x57: {  	s19 =	sadd.s32 $0x5280, s3;
	[smem:$0x7C5] =	sst s18  }
0x58: {  	s20 =	sadd.s32 $0x7A80, s3;
	[smem:$0x7C6] =	sst s19  }
0x59: {  	s21 =	sor.u32 $0xA280, s3;
	[smem:$0x7C7] =	sst s20  }
0x5a: {  	s22 =	sadd.s32 $0xCA80, s3;
	[smem:$0x7C8] =	sst s21  }
0x5b: {  	s24 =	sadd.s32 $0x7BC0, s3;
	s23 =	sadd.s32 $0x53C0, s3;
	[smem:$0x7C9] =	sst s22  }
0x5c: {  	p0 =	sgt.u32 s17, $0x2690;
	s25 =	sor.u32 $0xA3C0, s3;
	[smem:$0x7CA] =	sst s23  }
0x5d: {  	s29 =	sadd.s32 $0x5500, s3;
	s4 =	sadd.s32 $0x40, s17;
	[smem:$0x7CB] =	sst s24  }
0x5e: {  	p3 =	sne.s32 @p0 s4, $0x2700;
	s4 =	sshll.u32 s4, $0x5;
	[smem:$0x7CC] =	sst s25  }
0x5f: {  	s4 =	sadd.s32 s26, s4;
	[smem:$0x7CE] =	sst s29  }
0x60: {  	s9 =	sadd.s32 $0xCE40, s3;
	[smem:$0x7B5] =	sst s4  }
0x61: {  	s11 =	sadd.s32 $0x7F80, s3;
	[smem:$0x7D5] =	sst s9  }
0x62: {  	s12 =	sadd.s32 $0xA780, s3;
	[smem:$0x7D7] =	sst s11  }
0x63: {  	s13 =	sadd.s32 $0xCF80, s3;
	[smem:$0x7D8] =	sst s12  }
0x64: {  	s14 =	sadd.s32 $0x58C0, s3;
	[smem:$0x7D9] =	sst s13  }
0x65: {  	s16 =	sor.u32 $0x80C0, s3;
	[smem:$0x7DA] =	sst s14  }
0x66: {  	s18 =	sadd.s32 $0xA8C0, s3;
	[smem:$0x7DB] =	sst s16  }
0x67: {  	s19 =	sadd.s32 $0xD0C0, s3;
	[smem:$0x7DC] =	sst s18  }
0x68: {  	s20 =	sadd.s32 $0x5A00, s3;
	[smem:$0x7DD] =	sst s19  }
0x69: {  	s21 =	sor.u32 $0x8200, s3;
	[smem:$0x7DE] =	sst s20  }
0x6a: {  	s22 =	sadd.s32 $0xAA00, s3;
	[smem:$0x7DF] =	sst s21  }
0x6b: {  	s23 =	sadd.s32 $0xD200, s3;
	[smem:$0x7E0] =	sst s22  }
0x6c: {  	s24 =	sadd.s32 $0x5B40, s3;
	[smem:$0x7E1] =	sst s23  }
0x6d: {  	s6 =	sadd.s32 $0x80, s17;
	s25 =	sor.u32 $0x8340, s3;
	[smem:$0x7E2] =	sst s24  }
0x6e: {  	s30 =	sshll.u32 s6, $0x5;
	s29 =	sadd.s32 $0xD340, s3;
	[smem:$0x7E3] =	sst s25  }
0x6f: {  	s0 =	simm.s32 @!p0 $0x0;
	s4 =	sadd.s32 s26, s30;
	[smem:$0x7E5] =	sst s29  }
0x70: {  	s0 =	simm.s32 @p0 $0x1;
	[smem:$0x7B6] =	sst s4  }
0x71: {  	s30 =	sadd.s32 $0x7D00, s3;
	[smem:$0x7BB] =	sst s0  }
0x72: {  	s28 =	simm.s32 $0x2800;
	s9 =	sadd.s32 $0xADC0, s3;
	[smem:$0x7CF] =	sst s30  }
0x73: {  	s31 =	simm.s32 $0x14980;
	s11 =	sadd.s32 $0x5F00, s3;
	[smem:$0x7EC] =	sst s9  }
0x74: {  	p4 =	sgt.u32 s17, $0x2650;
	s12 =	sadd.s32 $0x8700, s3;
	[smem:$0x7EE] =	sst s11  }
0x75: {  	p2 =	slt.u32 s17, $0x2611;
	s13 =	sadd.s32 $0xAF00, s3;
	[smem:$0x7EF] =	sst s12  }
0x76: {  	p6 =	sgt.u32 @p2 s17, $0x25D0;
	s14 =	sadd.s32 $0xD700, s3;
	[smem:$0x7F0] =	sst s13  }
0x77: {  	p1 =	sne.s32 @p4 s6, $0x2700;
	s16 =	sor.u32 $0x6040, s3;
	[smem:$0x7F1] =	sst s14  }
0x78: {  	s5 =	sadd.s32 $0xC0, s17;
	s18 =	sadd.s32 $0x8840, s3;
	[smem:$0x7F2] =	sst s16  }
0x79: {  	p3 =	por p3, !p0;
	s19 =	sadd.s32 $0xB040, s3;
	[smem:$0x7F3] =	sst s18  }
0x7a: {  	s1 =	simm.s32 $0x15180;
	s20 =	sadd.s32 $0xD840, s3;
	[smem:$0x7F4] =	sst s19  }
0x7b: {  	p5 =	sne.s32 @!p2 s5, $0x2700;
	s21 =	sor.u32 $0x6180, s3;
	[smem:$0x7F5] =	sst s20  }
0x7c: {  	s6 =	sshll.u32 s5, $0x5;
	s22 =	sadd.s32 $0x8980, s3;
	[smem:$0x7F6] =	sst s21  }
0x7d: {  	s5 =	sadd.s32 $0x100, s17;
	s23 =	sadd.s32 $0xB180, s3;
	[smem:$0x7F7] =	sst s22  }
0x7e: {  	s24 =	sadd.s32 $0xD980, s3;
	s25 =	sor.u32 $0x62C0, s3;
	[smem:$0x7F8] =	sst s23  }
0x7f: {  	s29 =	sadd.s32 $0xB2C0, s3;
	s4 =	simm.s32 @!p5 $0x0;
	[smem:$0x7F9] =	sst s24  }
0x80: {  	s7 =	sshll.u32 s5, $0x5;
	s0 =	simm.s32 @!p4 $0x0;
	[smem:$0x7FA] =	sst s25  }
0x81: {  	s30 =	sadd.s32 $0x5C80, s3;
	[smem:$0x7FC] =	sst s29;
	s9 =	simm.s32 $0x1  }
0x82: {  	s11 =	simm.s32 $0x5000;
	s4 =	simm.s32 @p5 $0x1;
	[smem:$0x7E6] =	sst s30  }
0x83: {  	s12 =	simm.s32 $0x7800;
	s0 =	simm.s32 @p4 $0x1;
	[smem:$0x7BD] =	sst s4  }
0x84: {  	s13 =	simm.s32 $0xA000;
	s30 =	sadd.s32 $0xDAC0, s3;
	[smem:$0x7BC] =	sst s0  }
0x85: {  	s14 =	simm.s32 $0xC800;
	s4 =	sadd.s32 s26, s6;
	[smem:$0x7FD] =	sst s30  }
0x86: {  	s23 =	simm.s32 $0xF180;
	p5 =	por !p6, !p2;
	[smem:$0x7B7] =	sst s4  }
0x87: {  	s0 =	sadd.s32 $0x2700, s10;
	s10 =	sadd.s32 $0x7800, s3;
	s8 =	sld [smem:$0x7BD]  }
0x88: {  	p5 =	sne.s32 @!p5 s5, $0x2700;
	s5 =	sadd.s32 $0xCD00, s3;
	[smem:$0x7BF] =	sst s10  }
0x89: {  	s19 =	simm.s32 $0xF980;
	s6 =	sadd.s32 $0x5640, s3;
	[smem:$0x7D1] =	sst s5  }
0x8a: {  	s20 =	simm.s32 $0x10180;
	s4 =	sadd.s32 s26, s7;
	[smem:$0x7D2] =	sst s6  }
0x8b: {  	s21 =	simm.s32 $0x10980;
	s26 =	sadd.s32 $0xCBC0, s3;
	[smem:$0x7B8] =	sst s4  }
0x8c: {  	s22 =	simm.s32 $0x11180;
	s7 =	sadd.s32 $0x7E40, s3;
	[smem:$0x7CD] =	sst s26  }
0x8d: {  	s24 =	simm.s32 $0x11980;
	s10 =	sadd.s32 $0x5780, s3;
	[smem:$0x7D3] =	sst s7  }
0x8e: {  	s25 =	simm.s32 $0x12180;
	s5 =	sadd.s32 $0xAC80, s3;
	[smem:$0x7D6] =	sst s10  }
0x8f: {  	s18 =	simm.s32 $0x12980;
	s6 =	sadd.s32 $0xD480, s3;
	[smem:$0x7E8] =	sst s5  }
0x90: {  	p4 =	por p1, !p4;
	s4 =	sadd.s32 $0xA500, s3;
	[smem:$0x7E9] =	sst s6  }
0x91: {  	p1 =	por @p2 p5, !p6;
	s26 =	sadd.s32 $0xAB40, s3;
	[smem:$0x7D0] =	sst s4  }
0x92: {  	p6 =	por p6, !p2;
	s7 =	sadd.s32 $0x5DC0, s3;
	[smem:$0x7E4] =	sst s26  }
0x93: {  	p5 =	por p1, !p2;
	s10 =	sadd.s32 $0xD5C0, s3;
	[smem:$0x7EA] =	sst s7  }
0x94: {  	s5 =	simm.s32 $0x0;
	s4 =	sadd.s32 $0x8480, s3;
	[smem:$0x7ED] =	sst s10  }
0x95: {  	s26 =	sadd.s32 $0x8AC0, s3;
	s10 =	simm.s32 $0x2;
	[smem:$0x7E7] =	sst s4  }
0x96: {  	p1 =	seq.s32 s8, $0x1;
	s8 =	sadd.s32 $0xA640, s3;
	[smem:$0x7FB] =	sst s26  }
0x97: {  	s4 =	simm.s32 $0x16180;
	[smem:$0x7D4] =	sst s8;
	s8 =	sadd.s32 $0x85C0, s3  }
0x98: {  	v1 =	vimm.f32 $-Inf;
	v2 =	vlaneseq.u32;
	v0 =	vmov s0;
	p0 =	por p1, p2;
	[smem:$0x7EB] =	sst s8;
	s8 =	simm.s32 $0x16980  }
.LBB2_1:
0x99: {  	s6 =	rddreg [dreg:$0x8];
	s30 =	sadd.s32 $0x0, s3  }
0x9a: {  	[tilespmem:s2], [sflag:$0x1] =	stream.linear.gather [hbm4b:s6+s2], $0x2710, $0x38;
	[tilespmem:$0x1C180] =	vst v63  }
0x9b: {  	s26 =	sand.u32 $0x70, s2;
	s7 =	sand.u32 $0x3F80, s30  }
0x9c: {  	s29 =	rddreg [dreg:$0x9];
	s6 =	simm.s32 $0x10;
	s7 =	sor.u32 s26, s7  }
0x9d: {  	[tilespmem:s28], [sflag:$0x2] =	stream.linear.gather [hbm4b:s29+s2], $0x2710, $0x38;
	[tilespmem:$0x1C180] =	vst v63  }
.LBB2_2:
0x9e: {  	p1 =	sne.s32 s6, $0x13F0;
	[tilespmem:s7+$0x5000] =	vst v1;
	s26 =	smov.u32 s6;
	s6 =	sadd.s32 $0x10, s6  }
.Ltmp0:
0x9f: {  	[tilespmem:s7+$0xA000] =	vst v1;
	(pc) =	sbr.rel @p1 .LBB2_2-.Ltmp0, $4  }
0xa0: {  	_ = 	snop  }
0xa1: {  	s7 =	sadd.s32 s26, s3  }
0xa2: {  	s26 =	sand.u32 $0x70, s26;
	s7 =	sand.u32 $0x3F80, s7  }
0xa3: {  	s7 =	sor.u32 s26, s7  }
0xa4: {  	[tilespmem:s7+$0x5000] =	vst v1  }
0xa5: {  	[tilespmem:s7+$0xA000] =	vst v1  }
0xa6: {  	_ =	swait.ge [sflag:s9], $0x2710  }
0xa7: {  	[sflag:s9] =	ssyncset.done $0x0  }
0xa8: {  	[sflag:s9] =	ssyncadd.s32 $0xFFFFD8F0  }
0xa9: {  	_ =	swait.ge [sflag:s10], $0x2710  }
0xaa: {  	[sflag:s10] =	ssyncset.done $0x0  }
0xab: {  	s6 =	simm.s32 $0x0;
	s7 =	rddreg [dreg:$0x7];
	[sflag:s10] =	ssyncadd.s32 $0xFFFFD8F0  }
.LBB2_4:
0xac: {  	s26 =	sshra.s32 s6, $0x2  }
0xad: {  	v3 =	vld [tilespmem:s26+$0x0];
	_ =	sdelay $0x1  }
0xae: {  	v4 =	vld [tilespmem:s26+$0x2800];
	_ =	sdelay $0x2  }
0xaf: {  	v3 =	vshll.u32 v3, $0x4  }
0xb0: {  	v3 =	vor.u32 v2, v3  }
0xb1: {  	(xrf1) =	vsort.ascd.msk.f32 $0xffff, v4, v3;
	_ =	sdelay $0x4  }
0xb2: {  	v3 =	vld [tilespmem:s26+$0x10];
	_ =	sdelay $0x2  }
0xb3: {  	v62 =	vld [tilespmem:s26+$0x2810];
	_ =	sdelay $0x1  }
0xb4: {  	v3 =	vshll.u32 v3, $0x4  }
0xb5: {  	v3 =	vor.u32 v2, v3;
	_ =	sdelay $0x1  }
0xb6: {  	(xrf1) =	vsort.ascd.msk.f32 $0xffff, v62, v3  }
0xb7: {  	v3, v4, _ =	vpop (xrf1)  }
0xb8: {  	v5 =	vshrl.u32 v4, $0x4;
	_ =	sdelay $0x4  }
0xb9: {  	v6 =	vld.idx.msk [tilespmem:v5+s11+$0x0], $0xffff;
	_ =	sdelay $0x4  }
0xba: {  	vm0 =	vge.f32 v3, v6;
	_ =	sdelay $0x1  }
0xbb: {  	v63, v7, _ =	vpop (xrf1)  }
0xbc: {  	v8 =	vshrl.u32 v7, $0x4;
	_ =	sdelay $0x1  }
0xbd: {  	v4 =	vand.u32 $0xF, v4  }
0xbe: {  	v4 =	vor.u32 s7, v4;
	[tilespmem:v5+s11+$0x0] =	vst.idx.msk vm0, v3  }
0xbf: {  	[tilespmem:v5+s12+$0x0] =	vst.idx.msk vm0, v4  }
0xc0: {  	v3 =	vld.idx.msk [tilespmem:v8+s13+$0x0], $0xffff;
	_ =	sdelay $0x4  }
0xc1: {  	vm15 =	vge.f32 v63, v3;
	_ =	sdelay $0x1  }
0xc2: {  	p1 =	sne.s32 s6, $0x9B80  }
.Ltmp1:
0xc3: {  	_ = 	snop;
	(pc) =	sbr.rel @p1 .LBB2_4-.Ltmp1, $4  }
0xc4: {  	_ = 	snop  }
0xc5: {  	s30 =	sadd.s32 $0x10, s7;
	v3 =	vand.u32 $0xF, v7  }
0xc6: {  	v3 =	vor.u32 s30, v3;
	[tilespmem:v8+s13+$0x0] =	vst.idx.msk vm15, v63  }
0xc7: {  	s6 =	sadd.s32 $0x80, s6;
	s7 =	sadd.s32 $0x20, s7;
	[tilespmem:v8+s14+$0x0] =	vst.idx.msk vm15, v3  }
0xc8: {  	v3 =	vld [tilespmem:$0x2700];
	_ =	sdelay $0x1  }
0xc9: {  	v4 =	vld [tilespmem:$0x4F00];
	_ =	sdelay $0x2  }
0xca: {  	v3 =	vshll.u32 v3, $0x4  }
0xcb: {  	v3 =	vor.u32 v2, v3  }
0xcc: {  	(xrf1) =	vsort.ascd.msk.f32 $0xffff, v4, v3;
	_ =	sdelay $0xd  }
0xcd: {  	v3, v4, _ =	vpop (xrf1)  }
0xce: {  	v5 =	vshrl.u32 v4, $0x4;
	_ =	sdelay $0x4  }
0xcf: {  	v6 =	vld.idx.msk [tilespmem:v5+s11+$0x0], $0xffff;
	_ =	sdelay $0x4  }
0xd0: {  	vm0 =	vge.f32 v3, v6;
	_ =	sdelay $0x4  }
0xd1: {  	v4 =	vand.u32 $0xF, v4  }
0xd2: {  	v4 =	vor.u32 v0, v4;
	[tilespmem:v5+s11+$0x0] =	vst.idx.msk vm0, v3  }
0xd3: {  	[tilespmem:v5+s12+$0x0] =	vst.idx.msk vm0, v4  }
0xd4: {  	[bflag:$0x0] =	sbarrier.arrive $0xFFFF  }
0xd5: {  	s6 =	sld [smem:$0x7AC]  }
0xd6: {  	s7 =	sld [smem:$0x7BE]  }
0xd7: {  	s16 =	sld [smem:$0x7BF]  }
0xd8: {  	s26 =	rddreg [dreg:$0xa]  }
0xd9: {  	s29 =	sld [smem:$0x7C0]  }
0xda: {  	[spmem:s6] =	stream.linear.scatter [tilespmem:s7], [sflag:$0x1], $0x140, $0x38;
	[tilespmem:$0x1C180] =	vst v63  }
0xdb: {  	s7 =	sld [smem:$0x7AD]  }
0xdc: {  	s30 =	rddreg [dreg:$0xb]  }
0xdd: {  	s0 =	sld [smem:$0x7C1]  }
0xde: {  	[spmem:s7] =	stream.linear.scatter [tilespmem:s16], [sflag:$0x1], $0x140, $0x38;
	[tilespmem:$0x1C180] =	vst v63  }
0xdf: {  	s7 =	rddreg [dreg:$0xc]  }
0xe0: {  	s16 =	sld [smem:$0x7C2]  }
0xe1: {  	[spmem:s26] =	stream.linear.scatter [tilespmem:s29], [sflag:$0x2], $0x140, $0x38;
	[tilespmem:$0x1C180] =	vst v63  }
0xe2: {  	s26 =	rddreg [dreg:$0xd]  }
0xe3: {  	s29 =	sld [smem:$0x7C3]  }
0xe4: {  	[spmem:s30] =	stream.linear.scatter [tilespmem:s0], [sflag:$0x2], $0x140, $0x38;
	[tilespmem:$0x1C180] =	vst v63  }
0xe5: {  	s30 =	rddreg [dreg:$0xe]  }
0xe6: {  	s0 =	sld [smem:$0x7C4]  }
0xe7: {  	[spmem:s7] =	stream.linear.scatter [tilespmem:s16], [sflag:$0x1], $0x140, $0x38;
	[tilespmem:$0x1C180] =	vst v63  }
0xe8: {  	s7 =	rddreg [dreg:$0xf]  }
0xe9: {  	s16 =	sld [smem:$0x7C5]  }
0xea: {  	[spmem:s26] =	stream.linear.scatter [tilespmem:s29], [sflag:$0x1], $0x140, $0x38;
	[tilespmem:$0x1C180] =	vst v63  }
0xeb: {  	s26 =	rddreg [dreg:$0x10]  }
0xec: {  	s29 =	sld [smem:$0x7C6]  }
0xed: {  	[spmem:s30] =	stream.linear.scatter [tilespmem:s0], [sflag:$0x2], $0x140, $0x38;
	[tilespmem:$0x1C180] =	vst v63  }
0xee: {  	s30 =	rddreg [dreg:$0x11]  }
0xef: {  	s0 =	sld [smem:$0x7C7]  }
0xf0: {  	[spmem:s7] =	stream.linear.scatter [tilespmem:s16], [sflag:$0x2], $0x140, $0x38;
	[tilespmem:$0x1C180] =	vst v63  }
0xf1: {  	s7 =	rddreg [dreg:$0x12]  }
0xf2: {  	s16 =	sld [smem:$0x7C8]  }
0xf3: {  	[spmem:s26] =	stream.linear.scatter [tilespmem:s29], [sflag:$0x1], $0x140, $0x38;
	[tilespmem:$0x1C180] =	vst v63  }
0xf4: {  	s26 =	rddreg [dreg:$0x13]  }
0xf5: {  	s29 =	sld [smem:$0x7C9]  }
0xf6: {  	[spmem:s30] =	stream.linear.scatter [tilespmem:s0], [sflag:$0x1], $0x140, $0x38;
	[tilespmem:$0x1C180] =	vst v63  }
0xf7: {  	s30 =	rddreg [dreg:$0x14]  }
0xf8: {  	s0 =	sld [smem:$0x7CA]  }
0xf9: {  	[spmem:s7] =	stream.linear.scatter [tilespmem:s16], [sflag:$0x2], $0x140, $0x38;
	[tilespmem:$0x1C180] =	vst v63  }
0xfa: {  	s7 =	rddreg [dreg:$0x15]  }
0xfb: {  	s16 =	sld [smem:$0x7CB]  }
0xfc: {  	[spmem:s26] =	stream.linear.scatter [tilespmem:s29], [sflag:$0x2], $0x140, $0x38;
	[tilespmem:$0x1C180] =	vst v63  }
0xfd: {  	s26 =	rddreg [dreg:$0x16]  }
0xfe: {  	s29 =	sld [smem:$0x7CC]  }
0xff: {  	[spmem:s30] =	stream.linear.scatter [tilespmem:s0], [sflag:$0x1], $0x140, $0x38;
	[tilespmem:$0x1C180] =	vst v63  }
0x100: {  	s30 =	rddreg [dreg:$0x17]  }
0x101: {  	s0 =	sld [smem:$0x7CD]  }
0x102: {  	[spmem:s7] =	stream.linear.scatter [tilespmem:s16], [sflag:$0x1], $0x140, $0x38;
	[tilespmem:$0x1C180] =	vst v63  }
0x103: {  	s7 =	rddreg [dreg:$0x18]  }
0x104: {  	s16 =	sld [smem:$0x7CE]  }
0x105: {  	[spmem:s26] =	stream.linear.scatter [tilespmem:s29], [sflag:$0x2], $0x140, $0x38;
	[tilespmem:$0x1C180] =	vst v63  }
0x106: {  	s26 =	rddreg [dreg:$0x19]  }
0x107: {  	s29 =	sld [smem:$0x7CF]  }
0x108: {  	[spmem:s30] =	stream.linear.scatter [tilespmem:s0], [sflag:$0x2], $0x140, $0x38;
	[tilespmem:$0x1C180] =	vst v63  }
0x109: {  	s30 =	rddreg [dreg:$0x1a]  }
0x10a: {  	s0 =	sld [smem:$0x7D0]  }
0x10b: {  	[spmem:s7] =	stream.linear.scatter [tilespmem:s16], [sflag:$0x1], $0x140, $0x38;
	[tilespmem:$0x1C180] =	vst v63  }
0x10c: {  	s7 =	rddreg [dreg:$0x1b]  }
0x10d: {  	s16 =	sld [smem:$0x7D1]  }
0x10e: {  	[spmem:s26] =	stream.linear.scatter [tilespmem:s29], [sflag:$0x1], $0x140, $0x38;
	[tilespmem:$0x1C180] =	vst v63  }
0x10f: {  	s26 =	rddreg [dreg:$0x1c]  }
0x110: {  	s29 =	sld [smem:$0x7D2]  }
0x111: {  	[spmem:s30] =	stream.linear.scatter [tilespmem:s0], [sflag:$0x2], $0x140, $0x38;
	[tilespmem:$0x1C180] =	vst v63  }
0x112: {  	s30 =	rddreg [dreg:$0x1d]  }
0x113: {  	s0 =	sld [smem:$0x7D3]  }
0x114: {  	[spmem:s7] =	stream.linear.scatter [tilespmem:s16], [sflag:$0x2], $0x140, $0x38;
	[tilespmem:$0x1C180] =	vst v63  }
0x115: {  	s7 =	rddreg [dreg:$0x1e]  }
0x116: {  	s16 =	sld [smem:$0x7D4]  }
0x117: {  	[spmem:s26] =	stream.linear.scatter [tilespmem:s29], [sflag:$0x1], $0x140, $0x38;
	[tilespmem:$0x1C180] =	vst v63  }
0x118: {  	s26 =	rddreg [dreg:$0x1f]  }
0x119: {  	s29 =	sld [smem:$0x7D5]  }
0x11a: {  	[spmem:s30] =	stream.linear.scatter [tilespmem:s0], [sflag:$0x1], $0x140, $0x38;
	[tilespmem:$0x1C180] =	vst v63  }
0x11b: {  	s30 =	sld [smem:$0x788]  }
0x11c: {  	s0 =	sld [smem:$0x7D6]  }
0x11d: {  	[spmem:s7] =	stream.linear.scatter [tilespmem:s16], [sflag:$0x2], $0x140, $0x38;
	[tilespmem:$0x1C180] =	vst v63  }
0x11e: {  	s7 =	sld [smem:$0x789]  }
0x11f: {  	s16 =	sld [smem:$0x7D7]  }
0x120: {  	[spmem:s26] =	stream.linear.scatter [tilespmem:s29], [sflag:$0x2], $0x140, $0x38;
	[tilespmem:$0x1C180] =	vst v63  }
0x121: {  	s26 =	sld [smem:$0x78A]  }
0x122: {  	s29 =	sld [smem:$0x7D8]  }
0x123: {  	[spmem:s30] =	stream.linear.scatter [tilespmem:s0], [sflag:$0x1], $0x140, $0x38;
	[tilespmem:$0x1C180] =	vst v63  }
0x124: {  	s30 =	sld [smem:$0x78B]  }
0x125: {  	s0 =	sld [smem:$0x7D9]  }
0x126: {  	[spmem:s7] =	stream.linear.scatter [tilespmem:s16], [sflag:$0x1], $0x140, $0x38;
	[tilespmem:$0x1C180] =	vst v63  }
0x127: {  	s7 =	sld [smem:$0x78C]  }
0x128: {  	s16 =	sld [smem:$0x7DA]  }
0x129: {  	[spmem:s26] =	stream.linear.scatter [tilespmem:s29], [sflag:$0x2], $0x140, $0x38;
	[tilespmem:$0x1C180] =	vst v63  }
0x12a: {  	s26 =	sld [smem:$0x78D]  }
0x12b: {  	s29 =	sld [smem:$0x7DB]  }
0x12c: {  	[spmem:s30] =	stream.linear.scatter [tilespmem:s0], [sflag:$0x2], $0x140, $0x38;
	[tilespmem:$0x1C180] =	vst v63  }
0x12d: {  	s30 =	sld [smem:$0x78E]  }
0x12e: {  	s0 =	sld [smem:$0x7DC]  }
0x12f: {  	[spmem:s7] =	stream.linear.scatter [tilespmem:s16], [sflag:$0x1], $0x140, $0x38;
	[tilespmem:$0x1C180] =	vst v63  }
0x130: {  	s7 =	sld [smem:$0x78F]  }
0x131: {  	s16 =	sld [smem:$0x7DD]  }
0x132: {  	[spmem:s26] =	stream.linear.scatter [tilespmem:s29], [sflag:$0x1], $0x140, $0x38;
	[tilespmem:$0x1C180] =	vst v63  }
0x133: {  	s26 =	sld [smem:$0x790]  }
0x134: {  	s29 =	sld [smem:$0x7DE]  }
0x135: {  	[spmem:s30] =	stream.linear.scatter [tilespmem:s0], [sflag:$0x2], $0x140, $0x38;
	[tilespmem:$0x1C180] =	vst v63  }
0x136: {  	s30 =	sld [smem:$0x791]  }
0x137: {  	s0 =	sld [smem:$0x7DF]  }
0x138: {  	[spmem:s7] =	stream.linear.scatter [tilespmem:s16], [sflag:$0x2], $0x140, $0x38;
	[tilespmem:$0x1C180] =	vst v63  }
0x139: {  	s7 =	sld [smem:$0x792]  }
0x13a: {  	s16 =	sld [smem:$0x7E0]  }
0x13b: {  	[spmem:s26] =	stream.linear.scatter [tilespmem:s29], [sflag:$0x1], $0x140, $0x38;
	[tilespmem:$0x1C180] =	vst v63  }
0x13c: {  	s26 =	sld [smem:$0x793]  }
0x13d: {  	s29 =	sld [smem:$0x7E1]  }
0x13e: {  	[spmem:s30] =	stream.linear.scatter [tilespmem:s0], [sflag:$0x1], $0x140, $0x38;
	[tilespmem:$0x1C180] =	vst v63  }
0x13f: {  	s30 =	sld [smem:$0x794]  }
0x140: {  	s0 =	sld [smem:$0x7E2]  }
0x141: {  	[spmem:s7] =	stream.linear.scatter [tilespmem:s16], [sflag:$0x2], $0x140, $0x38;
	[tilespmem:$0x1C180] =	vst v63  }
0x142: {  	s7 =	sld [smem:$0x795]  }
0x143: {  	s16 =	sld [smem:$0x7E3]  }
0x144: {  	[spmem:s26] =	stream.linear.scatter [tilespmem:s29], [sflag:$0x2], $0x140, $0x38;
	[tilespmem:$0x1C180] =	vst v63  }
0x145: {  	s26 =	sld [smem:$0x796]  }
0x146: {  	s29 =	sld [smem:$0x7E4]  }
0x147: {  	[spmem:s30] =	stream.linear.scatter [tilespmem:s0], [sflag:$0x1], $0x140, $0x38;
	[tilespmem:$0x1C180] =	vst v63  }
0x148: {  	s30 =	sld [smem:$0x797]  }
0x149: {  	s0 =	sld [smem:$0x7E5]  }
0x14a: {  	[spmem:s7] =	stream.linear.scatter [tilespmem:s16], [sflag:$0x1], $0x140, $0x38;
	[tilespmem:$0x1C180] =	vst v63  }
0x14b: {  	s7 =	sld [smem:$0x798]  }
0x14c: {  	s16 =	sld [smem:$0x7E6]  }
0x14d: {  	[spmem:s26] =	stream.linear.scatter [tilespmem:s29], [sflag:$0x2], $0x140, $0x38;
	[tilespmem:$0x1C180] =	vst v63  }
0x14e: {  	s26 =	sld [smem:$0x799]  }
0x14f: {  	s29 =	sld [smem:$0x7E7]  }
0x150: {  	[spmem:s30] =	stream.linear.scatter [tilespmem:s0], [sflag:$0x2], $0x140, $0x38;
	[tilespmem:$0x1C180] =	vst v63  }
0x151: {  	s30 =	sld [smem:$0x79A]  }
0x152: {  	s0 =	sld [smem:$0x7E8]  }
0x153: {  	[spmem:s7] =	stream.linear.scatter [tilespmem:s16], [sflag:$0x1], $0x140, $0x38;
	[tilespmem:$0x1C180] =	vst v63  }
0x154: {  	s7 =	sld [smem:$0x79B]  }
0x155: {  	s16 =	sld [smem:$0x7E9]  }
0x156: {  	[spmem:s26] =	stream.linear.scatter [tilespmem:s29], [sflag:$0x1], $0x140, $0x38;
	[tilespmem:$0x1C180] =	vst v63  }
0x157: {  	s26 =	sld [smem:$0x79C]  }
0x158: {  	s29 =	sld [smem:$0x7EA]  }
0x159: {  	[spmem:s30] =	stream.linear.scatter [tilespmem:s0], [sflag:$0x2], $0x140, $0x38;
	[tilespmem:$0x1C180] =	vst v63  }
0x15a: {  	s30 =	sld [smem:$0x79D]  }
0x15b: {  	s0 =	sld [smem:$0x7EB]  }
0x15c: {  	[spmem:s7] =	stream.linear.scatter [tilespmem:s16], [sflag:$0x2], $0x140, $0x38;
	[tilespmem:$0x1C180] =	vst v63  }
0x15d: {  	s7 =	sld [smem:$0x79E]  }
0x15e: {  	s16 =	sld [smem:$0x7EC]  }
0x15f: {  	[spmem:s26] =	stream.linear.scatter [tilespmem:s29], [sflag:$0x1], $0x140, $0x38;
	[tilespmem:$0x1C180] =	vst v63  }
0x160: {  	s26 =	sld [smem:$0x79F]  }
0x161: {  	s29 =	sld [smem:$0x7ED]  }
0x162: {  	[spmem:s30] =	stream.linear.scatter [tilespmem:s0], [sflag:$0x1], $0x140, $0x38;
	[tilespmem:$0x1C180] =	vst v63  }
0x163: {  	s30 =	sld [smem:$0x7A0]  }
0x164: {  	s0 =	sld [smem:$0x7EE]  }
0x165: {  	[spmem:s7] =	stream.linear.scatter [tilespmem:s16], [sflag:$0x2], $0x140, $0x38;
	[tilespmem:$0x1C180] =	vst v63  }
0x166: {  	s7 =	sld [smem:$0x7A1]  }
0x167: {  	s16 =	sld [smem:$0x7EF]  }
0x168: {  	[spmem:s26] =	stream.linear.scatter [tilespmem:s29], [sflag:$0x2], $0x140, $0x38;
	[tilespmem:$0x1C180] =	vst v63  }
0x169: {  	s26 =	sld [smem:$0x7A2]  }
0x16a: {  	s29 =	sld [smem:$0x7F0]  }
0x16b: {  	[spmem:s30] =	stream.linear.scatter [tilespmem:s0], [sflag:$0x1], $0x140, $0x38;
	[tilespmem:$0x1C180] =	vst v63  }
0x16c: {  	s30 =	sld [smem:$0x7A3]  }
0x16d: {  	s0 =	sld [smem:$0x7F1]  }
0x16e: {  	[spmem:s7] =	stream.linear.scatter [tilespmem:s16], [sflag:$0x1], $0x140, $0x38;
	[tilespmem:$0x1C180] =	vst v63  }
0x16f: {  	s7 =	sld [smem:$0x7A4]  }
0x170: {  	s16 =	sld [smem:$0x7F2]  }
0x171: {  	[spmem:s26] =	stream.linear.scatter [tilespmem:s29], [sflag:$0x2], $0x140, $0x38;
	[tilespmem:$0x1C180] =	vst v63  }
0x172: {  	s26 =	sld [smem:$0x7A5]  }
0x173: {  	s29 =	sld [smem:$0x7F3]  }
0x174: {  	[spmem:s30] =	stream.linear.scatter [tilespmem:s0], [sflag:$0x2], $0x140, $0x38;
	[tilespmem:$0x1C180] =	vst v63  }
0x175: {  	s30 =	sld [smem:$0x7A6]  }
0x176: {  	s0 =	sld [smem:$0x7F4]  }
0x177: {  	[spmem:s7] =	stream.linear.scatter [tilespmem:s16], [sflag:$0x1], $0x140, $0x38;
	[tilespmem:$0x1C180] =	vst v63  }
0x178: {  	s7 =	sld [smem:$0x7A7]  }
0x179: {  	s16 =	sld [smem:$0x7F5]  }
0x17a: {  	[spmem:s26] =	stream.linear.scatter [tilespmem:s29], [sflag:$0x1], $0x140, $0x38;
	[tilespmem:$0x1C180] =	vst v63  }
0x17b: {  	s26 =	sld [smem:$0x7A8]  }
0x17c: {  	s29 =	sld [smem:$0x7F6]  }
0x17d: {  	[spmem:s30] =	stream.linear.scatter [tilespmem:s0], [sflag:$0x2], $0x140, $0x38;
	[tilespmem:$0x1C180] =	vst v63  }
0x17e: {  	s30 =	sld [smem:$0x7A9]  }
0x17f: {  	s0 =	sld [smem:$0x7F7]  }
0x180: {  	[spmem:s7] =	stream.linear.scatter [tilespmem:s16], [sflag:$0x2], $0x140, $0x38;
	[tilespmem:$0x1C180] =	vst v63  }
0x181: {  	s7 =	sld [smem:$0x7AA]  }
0x182: {  	s16 =	sld [smem:$0x7F8]  }
0x183: {  	[spmem:s26] =	stream.linear.scatter [tilespmem:s29], [sflag:$0x1], $0x140, $0x38;
	[tilespmem:$0x1C180] =	vst v63  }
0x184: {  	s26 =	sld [smem:$0x7AB]  }
0x185: {  	s29 =	sld [smem:$0x7F9]  }
0x186: {  	[spmem:s30] =	stream.linear.scatter [tilespmem:s0], [sflag:$0x1], $0x140, $0x38;
	[tilespmem:$0x1C180] =	vst v63  }
0x187: {  	s30 =	sld [smem:$0x7AE]  }
0x188: {  	s0 =	sld [smem:$0x7FA]  }
0x189: {  	[spmem:s7] =	stream.linear.scatter [tilespmem:s16], [sflag:$0x2], $0x140, $0x38;
	[tilespmem:$0x1C180] =	vst v63  }
0x18a: {  	s7 =	sld [smem:$0x7AF]  }
0x18b: {  	s16 =	sld [smem:$0x7FB]  }
0x18c: {  	[spmem:s26] =	stream.linear.scatter [tilespmem:s29], [sflag:$0x2], $0x140, $0x38;
	[tilespmem:$0x1C180] =	vst v63  }
0x18d: {  	s26 =	sld [smem:$0x7B0]  }
0x18e: {  	s29 =	sld [smem:$0x7FC]  }
0x18f: {  	[spmem:s30] =	stream.linear.scatter [tilespmem:s0], [sflag:$0x1], $0x140, $0x38;
	[tilespmem:$0x1C180] =	vst v63  }
0x190: {  	s30 =	sld [smem:$0x7B1]  }
0x191: {  	[spmem:s7] =	stream.linear.scatter [tilespmem:s16], [sflag:$0x1], $0x140, $0x38;
	[tilespmem:$0x1C180] =	vst v63  }
0x192: {  	s0 =	sld [smem:$0x7FD]  }
0x193: {  	[spmem:s26] =	stream.linear.scatter [tilespmem:s29], [sflag:$0x2], $0x140, $0x38;
	[tilespmem:$0x1C180] =	vst v63  }
0x194: {  	_ = 	snop  }
0x195: {  	[spmem:s30] =	stream.linear.scatter [tilespmem:s0], [sflag:$0x2], $0x140, $0x38;
	[tilespmem:$0x1C180] =	vst v63  }
0x196: {  	_ =	swait.ge [sflag:s9], $0x140  }
0x197: {  	[sflag:s9] =	ssyncset.done $0x0  }
0x198: {  	[sflag:s9] =	ssyncadd.s32 $0xFFFFFEC0  }
0x199: {  	_ =	swait.ge [sflag:s9], $0x140  }
0x19a: {  	[sflag:s9] =	ssyncset.done $0x0  }
0x19b: {  	[sflag:s9] =	ssyncadd.s32 $0xFFFFFEC0  }
0x19c: {  	_ =	swait.ge [sflag:s10], $0x140  }
0x19d: {  	[sflag:s10] =	ssyncset.done $0x0  }
0x19e: {  	[sflag:s10] =	ssyncadd.s32 $0xFFFFFEC0  }
0x19f: {  	_ =	swait.ge [sflag:s10], $0x140  }
0x1a0: {  	[sflag:s10] =	ssyncset.done $0x0  }
0x1a1: {  	[sflag:s10] =	ssyncadd.s32 $0xFFFFFEC0  }
0x1a2: {  	_ =	swait.ge [sflag:s9], $0x140  }
0x1a3: {  	[sflag:s9] =	ssyncset.done $0x0  }
0x1a4: {  	[sflag:s9] =	ssyncadd.s32 $0xFFFFFEC0  }
0x1a5: {  	_ =	swait.ge [sflag:s9], $0x140  }
0x1a6: {  	[sflag:s9] =	ssyncset.done $0x0  }
0x1a7: {  	[sflag:s9] =	ssyncadd.s32 $0xFFFFFEC0  }
0x1a8: {  	_ =	swait.ge [sflag:s10], $0x140  }
0x1a9: {  	[sflag:s10] =	ssyncset.done $0x0  }
0x1aa: {  	[sflag:s10] =	ssyncadd.s32 $0xFFFFFEC0  }
0x1ab: {  	_ =	swait.ge [sflag:s10], $0x140  }
0x1ac: {  	[sflag:s10] =	ssyncset.done $0x0  }
0x1ad: {  	[sflag:s10] =	ssyncadd.s32 $0xFFFFFEC0  }
0x1ae: {  	_ =	swait.ge [sflag:s9], $0x140  }
0x1af: {  	[sflag:s9] =	ssyncset.done $0x0  }
0x1b0: {  	[sflag:s9] =	ssyncadd.s32 $0xFFFFFEC0  }
0x1b1: {  	_ =	swait.ge [sflag:s9], $0x140  }
0x1b2: {  	[sflag:s9] =	ssyncset.done $0x0  }
0x1b3: {  	[sflag:s9] =	ssyncadd.s32 $0xFFFFFEC0  }
0x1b4: {  	_ =	swait.ge [sflag:s10], $0x140  }
0x1b5: {  	[sflag:s10] =	ssyncset.done $0x0  }
0x1b6: {  	[sflag:s10] =	ssyncadd.s32 $0xFFFFFEC0  }
0x1b7: {  	_ =	swait.ge [sflag:s10], $0x140  }
0x1b8: {  	[sflag:s10] =	ssyncset.done $0x0  }
0x1b9: {  	[sflag:s10] =	ssyncadd.s32 $0xFFFFFEC0  }
0x1ba: {  	_ =	swait.ge [sflag:s9], $0x140  }
0x1bb: {  	[sflag:s9] =	ssyncset.done $0x0  }
0x1bc: {  	[sflag:s9] =	ssyncadd.s32 $0xFFFFFEC0  }
0x1bd: {  	_ =	swait.ge [sflag:s9], $0x140  }
0x1be: {  	[sflag:s9] =	ssyncset.done $0x0  }
0x1bf: {  	[sflag:s9] =	ssyncadd.s32 $0xFFFFFEC0  }
0x1c0: {  	_ =	swait.ge [sflag:s10], $0x140  }
0x1c1: {  	[sflag:s10] =	ssyncset.done $0x0  }
0x1c2: {  	[sflag:s10] =	ssyncadd.s32 $0xFFFFFEC0  }
0x1c3: {  	_ =	swait.ge [sflag:s10], $0x140  }
0x1c4: {  	[sflag:s10] =	ssyncset.done $0x0  }
0x1c5: {  	[sflag:s10] =	ssyncadd.s32 $0xFFFFFEC0  }
0x1c6: {  	_ =	swait.ge [sflag:s9], $0x140  }
0x1c7: {  	[sflag:s9] =	ssyncset.done $0x0  }
0x1c8: {  	[sflag:s9] =	ssyncadd.s32 $0xFFFFFEC0  }
0x1c9: {  	_ =	swait.ge [sflag:s9], $0x140  }
0x1ca: {  	[sflag:s9] =	ssyncset.done $0x0  }
0x1cb: {  	[sflag:s9] =	ssyncadd.s32 $0xFFFFFEC0  }
0x1cc: {  	_ =	swait.ge [sflag:s10], $0x140  }
0x1cd: {  	[sflag:s10] =	ssyncset.done $0x0  }
0x1ce: {  	[sflag:s10] =	ssyncadd.s32 $0xFFFFFEC0  }
0x1cf: {  	_ =	swait.ge [sflag:s10], $0x140  }
0x1d0: {  	[sflag:s10] =	ssyncset.done $0x0  }
0x1d1: {  	[sflag:s10] =	ssyncadd.s32 $0xFFFFFEC0  }
0x1d2: {  	_ =	swait.ge [sflag:s9], $0x140  }
0x1d3: {  	[sflag:s9] =	ssyncset.done $0x0  }
0x1d4: {  	[sflag:s9] =	ssyncadd.s32 $0xFFFFFEC0  }
0x1d5: {  	_ =	swait.ge [sflag:s9], $0x140  }
0x1d6: {  	[sflag:s9] =	ssyncset.done $0x0  }
0x1d7: {  	[sflag:s9] =	ssyncadd.s32 $0xFFFFFEC0  }
0x1d8: {  	_ =	swait.ge [sflag:s10], $0x140  }
0x1d9: {  	[sflag:s10] =	ssyncset.done $0x0  }
0x1da: {  	[sflag:s10] =	ssyncadd.s32 $0xFFFFFEC0  }
0x1db: {  	_ =	swait.ge [sflag:s10], $0x140  }
0x1dc: {  	[sflag:s10] =	ssyncset.done $0x0  }
0x1dd: {  	[sflag:s10] =	ssyncadd.s32 $0xFFFFFEC0  }
0x1de: {  	_ =	swait.ge [sflag:s9], $0x140  }
0x1df: {  	[sflag:s9] =	ssyncset.done $0x0  }
0x1e0: {  	[sflag:s9] =	ssyncadd.s32 $0xFFFFFEC0  }
0x1e1: {  	_ =	swait.ge [sflag:s9], $0x140  }
0x1e2: {  	[sflag:s9] =	ssyncset.done $0x0  }
0x1e3: {  	[sflag:s9] =	ssyncadd.s32 $0xFFFFFEC0  }
0x1e4: {  	_ =	swait.ge [sflag:s10], $0x140  }
0x1e5: {  	[sflag:s10] =	ssyncset.done $0x0  }
0x1e6: {  	[sflag:s10] =	ssyncadd.s32 $0xFFFFFEC0  }
0x1e7: {  	_ =	swait.ge [sflag:s10], $0x140  }
0x1e8: {  	[sflag:s10] =	ssyncset.done $0x0  }
0x1e9: {  	[sflag:s10] =	ssyncadd.s32 $0xFFFFFEC0  }
0x1ea: {  	_ =	swait.ge [sflag:s9], $0x140  }
0x1eb: {  	[sflag:s9] =	ssyncset.done $0x0  }
0x1ec: {  	[sflag:s9] =	ssyncadd.s32 $0xFFFFFEC0  }
0x1ed: {  	_ =	swait.ge [sflag:s9], $0x140  }
0x1ee: {  	[sflag:s9] =	ssyncset.done $0x0  }
0x1ef: {  	[sflag:s9] =	ssyncadd.s32 $0xFFFFFEC0  }
0x1f0: {  	_ =	swait.ge [sflag:s10], $0x140  }
0x1f1: {  	[sflag:s10] =	ssyncset.done $0x0  }
0x1f2: {  	[sflag:s10] =	ssyncadd.s32 $0xFFFFFEC0  }
0x1f3: {  	_ =	swait.ge [sflag:s10], $0x140  }
0x1f4: {  	[sflag:s10] =	ssyncset.done $0x0  }
0x1f5: {  	[sflag:s10] =	ssyncadd.s32 $0xFFFFFEC0  }
0x1f6: {  	_ =	swait.ge [sflag:s9], $0x140  }
0x1f7: {  	[sflag:s9] =	ssyncset.done $0x0  }
0x1f8: {  	[sflag:s9] =	ssyncadd.s32 $0xFFFFFEC0  }
0x1f9: {  	_ =	swait.ge [sflag:s9], $0x140  }
0x1fa: {  	[sflag:s9] =	ssyncset.done $0x0  }
0x1fb: {  	[sflag:s9] =	ssyncadd.s32 $0xFFFFFEC0  }
0x1fc: {  	_ =	swait.ge [sflag:s10], $0x140  }
0x1fd: {  	[sflag:s10] =	ssyncset.done $0x0  }
0x1fe: {  	[sflag:s10] =	ssyncadd.s32 $0xFFFFFEC0  }
0x1ff: {  	_ =	swait.ge [sflag:s10], $0x140  }
0x200: {  	[sflag:s10] =	ssyncset.done $0x0  }
0x201: {  	[sflag:s10] =	ssyncadd.s32 $0xFFFFFEC0  }
0x202: {  	_ =	swait.ge [sflag:s9], $0x140  }
0x203: {  	[sflag:s9] =	ssyncset.done $0x0  }
0x204: {  	[sflag:s9] =	ssyncadd.s32 $0xFFFFFEC0  }
0x205: {  	_ =	swait.ge [sflag:s9], $0x140  }
0x206: {  	[sflag:s9] =	ssyncset.done $0x0  }
0x207: {  	[sflag:s9] =	ssyncadd.s32 $0xFFFFFEC0  }
0x208: {  	_ =	swait.ge [sflag:s10], $0x140  }
0x209: {  	[sflag:s10] =	ssyncset.done $0x0  }
0x20a: {  	[sflag:s10] =	ssyncadd.s32 $0xFFFFFEC0  }
0x20b: {  	_ =	swait.ge [sflag:s10], $0x140  }
0x20c: {  	[sflag:s10] =	ssyncset.done $0x0  }
0x20d: {  	[sflag:s10] =	ssyncadd.s32 $0xFFFFFEC0  }
0x20e: {  	_ =	swait.ge [sflag:s9], $0x140  }
0x20f: {  	[sflag:s9] =	ssyncset.done $0x0  }
0x210: {  	[sflag:s9] =	ssyncadd.s32 $0xFFFFFEC0  }
0x211: {  	_ =	swait.ge [sflag:s9], $0x140  }
0x212: {  	[sflag:s9] =	ssyncset.done $0x0  }
0x213: {  	[sflag:s9] =	ssyncadd.s32 $0xFFFFFEC0  }
0x214: {  	_ =	swait.ge [sflag:s10], $0x140  }
0x215: {  	[sflag:s10] =	ssyncset.done $0x0  }
0x216: {  	[sflag:s10] =	ssyncadd.s32 $0xFFFFFEC0  }
0x217: {  	_ =	swait.ge [sflag:s10], $0x140  }
0x218: {  	[sflag:s10] =	ssyncset.done $0x0  }
0x219: {  	[sflag:s10] =	ssyncadd.s32 $0xFFFFFEC0  }
0x21a: {  	_ =	swait.ge [sflag:s9], $0x140  }
0x21b: {  	[sflag:s9] =	ssyncset.done $0x0  }
0x21c: {  	[sflag:s9] =	ssyncadd.s32 $0xFFFFFEC0  }
0x21d: {  	_ =	swait.ge [sflag:s9], $0x140  }
0x21e: {  	[sflag:s9] =	ssyncset.done $0x0  }
0x21f: {  	[sflag:s9] =	ssyncadd.s32 $0xFFFFFEC0  }
0x220: {  	_ =	swait.ge [sflag:s10], $0x140  }
0x221: {  	[sflag:s10] =	ssyncset.done $0x0  }
0x222: {  	[sflag:s10] =	ssyncadd.s32 $0xFFFFFEC0  }
0x223: {  	_ =	swait.ge [sflag:s10], $0x140  }
0x224: {  	[sflag:s10] =	ssyncset.done $0x0  }
0x225: {  	[sflag:s10] =	ssyncadd.s32 $0xFFFFFEC0  }
0x226: {  	_ =	swait.ge [sflag:s9], $0x140  }
0x227: {  	[sflag:s9] =	ssyncset.done $0x0  }
0x228: {  	[sflag:s9] =	ssyncadd.s32 $0xFFFFFEC0  }
0x229: {  	_ =	swait.ge [sflag:s9], $0x140  }
0x22a: {  	[sflag:s9] =	ssyncset.done $0x0  }
0x22b: {  	[sflag:s9] =	ssyncadd.s32 $0xFFFFFEC0  }
0x22c: {  	_ =	swait.ge [sflag:s10], $0x140  }
0x22d: {  	[sflag:s10] =	ssyncset.done $0x0  }
0x22e: {  	[sflag:s10] =	ssyncadd.s32 $0xFFFFFEC0  }
0x22f: {  	_ =	swait.ge [sflag:s10], $0x140  }
0x230: {  	[sflag:s10] =	ssyncset.done $0x0  }
0x231: {  	[sflag:s10] =	ssyncadd.s32 $0xFFFFFEC0  }
0x232: {  	_ =	swait.ge [sflag:s9], $0x140  }
0x233: {  	[sflag:s9] =	ssyncset.done $0x0  }
0x234: {  	[sflag:s9] =	ssyncadd.s32 $0xFFFFFEC0  }
0x235: {  	_ =	swait.ge [sflag:s9], $0x140  }
0x236: {  	[sflag:s9] =	ssyncset.done $0x0  }
0x237: {  	[sflag:s9] =	ssyncadd.s32 $0xFFFFFEC0  }
0x238: {  	_ =	swait.ge [sflag:s10], $0x140  }
0x239: {  	[sflag:s10] =	ssyncset.done $0x0  }
0x23a: {  	[sflag:s10] =	ssyncadd.s32 $0xFFFFFEC0  }
0x23b: {  	_ =	swait.ge [sflag:s10], $0x140  }
0x23c: {  	[sflag:s10] =	ssyncset.done $0x0  }
0x23d: {  	[sflag:s10] =	ssyncadd.s32 $0xFFFFFEC0  }
0x23e: {  	_ =	swait.ge [sflag:s9], $0x140  }
0x23f: {  	[sflag:s9] =	ssyncset.done $0x0  }
0x240: {  	[sflag:s9] =	ssyncadd.s32 $0xFFFFFEC0  }
0x241: {  	_ =	swait.ge [sflag:s9], $0x140  }
0x242: {  	[sflag:s9] =	ssyncset.done $0x0  }
0x243: {  	[sflag:s9] =	ssyncadd.s32 $0xFFFFFEC0  }
0x244: {  	_ =	swait.ge [sflag:s10], $0x140  }
0x245: {  	[sflag:s10] =	ssyncset.done $0x0  }
0x246: {  	[sflag:s10] =	ssyncadd.s32 $0xFFFFFEC0  }
0x247: {  	_ =	swait.ge [sflag:s10], $0x140  }
0x248: {  	[sflag:s10] =	ssyncset.done $0x0  }
0x249: {  	[sflag:s10] =	ssyncadd.s32 $0xFFFFFEC0  }
0x24a: {  	_ =	swait.ge [sflag:s9], $0x140  }
0x24b: {  	[sflag:s9] =	ssyncset.done $0x0  }
0x24c: {  	[sflag:s9] =	ssyncadd.s32 $0xFFFFFEC0  }
0x24d: {  	_ =	swait.ge [sflag:s9], $0x140  }
0x24e: {  	[sflag:s9] =	ssyncset.done $0x0  }
0x24f: {  	[sflag:s9] =	ssyncadd.s32 $0xFFFFFEC0  }
0x250: {  	_ =	swait.ge [sflag:s10], $0x140  }
0x251: {  	[sflag:s10] =	ssyncset.done $0x0  }
0x252: {  	[sflag:s10] =	ssyncadd.s32 $0xFFFFFEC0  }
0x253: {  	_ =	swait.ge [sflag:s10], $0x140  }
0x254: {  	[sflag:s10] =	ssyncset.done $0x0  }
0x255: {  	[sflag:s10] =	ssyncadd.s32 $0xFFFFFEC0  }
0x256: {  	[bflag:$0x0] =	sbarrier.arrive $0xFFFF  }
0x257: {  	s16 =	sld [smem:$0x7B2];
	_ =	sdelay $0x1  }
0x258: {  	s0 =	simm.s32 $0x3  }
0x259: {  	[tilespmem:s28], [sflag:$0x3] =	stream.linear.gather [spmem:s16], $0x2800, $0x38;
	[tilespmem:$0x1C180] =	vst v63  }
0x25a: {  	_ =	swait.ge [sflag:s0], $0x2800  }
0x25b: {  	s29 =	sld [smem:$0x7B3]  }
0x25c: {  	[sflag:s0] =	ssyncset.done $0x0  }
0x25d: {  	s26 =	simm.s32 $0x0;
	[sflag:s0] =	ssyncadd.s32 $0xFFFFD800  }
0x25e: {  	[tilespmem:s26], [sflag:$0x3] =	stream.linear.gather [spmem:s29], $0x2800, $0x38;
	[tilespmem:$0x1C180] =	vst v63  }
0x25f: {  	_ =	swait.ge [sflag:s0], $0x2800  }
0x260: {  	[sflag:s0] =	ssyncset.done $0x0  }
0x261: {  	s6 =	simm.s32 $0x3C00;
	[sflag:s0] =	ssyncadd.s32 $0xFFFFD800  }
0x262: {  	v20 =	vld [tilespmem:s6+$0xFFFFEC00]  }
0x263: {  	v7 =	vld [tilespmem:s6+$0xFFFFED40]  }
0x264: {  	s7 =	sand.u32 $0x1F0, s26;
	v3 =	vld [tilespmem:s6+$0x12C0]  }
0x265: {  	s26 =	simm.s32 $0x1400;
	v8 =	vld [tilespmem:s7+$0x2A80]  }
0x266: {  	v4 =	vld [tilespmem:s26+$0xDC0]  }
0x267: {  	v9 =	vld [tilespmem:s6+$0xFFFFEFC0]  }
0x268: {  	v5 =	vld [tilespmem:s6+$0x1040];
	vm0 =	vgt.f32 v7, v20  }
0x269: {  	v21 =	vld [tilespmem:s7+$0x2D00];
	v6 =	vsel vm0, v7, v20  }
0x26a: {  	v10 =	vld [tilespmem:s26+$0x8C0];
	vm1 =	vgt.f32 v8, v6  }
0x26b: {  	v22 =	vld [tilespmem:s6+$0xFFFFF240];
	v6 =	vsel vm1, v8, v6  }
0x26c: {  	v11 =	vld [tilespmem:s6+$0xDC0];
	vm2 =	vgt.f32 v9, v6  }
0x26d: {  	v23 =	vld [tilespmem:s7+$0x2F80];
	v6 =	vsel vm2, v9, v6  }
0x26e: {  	v12 =	vld [tilespmem:s26+$0x3C0];
	vm3 =	vgt.f32 v21, v6  }
0x26f: {  	v24 =	vld [tilespmem:s6+$0xFFFFF4C0];
	v6 =	vsel vm3, v21, v6  }
0x270: {  	v13 =	vld [tilespmem:s6+$0xB40];
	vm4 =	vgt.f32 v22, v6  }
0x271: {  	v25 =	vld [tilespmem:s6+$0xFFFFF600];
	v6 =	vsel vm4, v22, v6  }
0x272: {  	v14 =	vld [tilespmem:s6+$0xA00];
	vm5 =	vgt.f32 v23, v6  }
0x273: {  	v26 =	vld [tilespmem:s6+$0xFFFFF740];
	v6 =	vsel vm5, v23, v6  }
0x274: {  	v15 =	vld [tilespmem:s6+$0x8C0];
	vm6 =	vgt.f32 v24, v6  }
0x275: {  	v27 =	vld [tilespmem:s7+$0x3480];
	v6 =	vsel vm6, v24, v6  }
0x276: {  	v16 =	vld [tilespmem:s26+$0xFFFFF9C0];
	vm7 =	vgt.f32 v25, v6  }
0x277: {  	v28 =	vld [tilespmem:s6+$0xFFFFF9C0];
	v6 =	vsel vm7, v25, v6  }
0x278: {  	v17 =	vld [tilespmem:s6+$0x640];
	vm8 =	vgt.f32 v26, v6  }
0x279: {  	v29 =	vld [tilespmem:s7+$0x3700];
	v6 =	vsel vm8, v26, v6  }
0x27a: {  	v18 =	vld [tilespmem:s26+$0xFFFFF4C0];
	vm9 =	vgt.f32 v27, v6  }
0x27b: {  	v30 =	vld [tilespmem:s6+$0xFFFFFC40];
	v6 =	vsel vm9, v27, v6  }
0x27c: {  	v19 =	vld [tilespmem:s6+$0x3C0];
	vm10 =	vgt.f32 v28, v6  }
0x27d: {  	v31 =	vld [tilespmem:s7+$0x3980];
	v6 =	vsel vm10, v28, v6  }
0x27e: {  	v32 =	vld [tilespmem:s6+$0xFFFFFEC0];
	vm11 =	vgt.f32 v29, v6  }
0x27f: {  	v33 =	vld [tilespmem:s6+$0x0];
	v6 =	vsel vm11, v29, v6  }
0x280: {  	v34 =	vld [tilespmem:s7+$0x280];
	vm12 =	vgt.f32 v30, v6  }
0x281: {  	v21 =	vld [tilespmem:s6+$0x140];
	v6 =	vsel vm12, v30, v6  }
0x282: {  	v22 =	vld [tilespmem:s26+$0xFFFFED40];
	vm13 =	vgt.f32 v31, v6  }
0x283: {  	v23 =	vld [tilespmem:s26+$0xFFFFEC00];
	v6 =	vsel vm13, v31, v6  }
0x284: {  	v35 =	vld [tilespmem:s7+$0x3E80];
	vm14 =	vgt.f32 v32, v6  }
0x285: {  	v20 =	vld [tilespmem:s26+$0xFFFFEFC0];
	v6 =	vsel vm14, v32, v6  }
0x286: {  	v24 =	vld [tilespmem:s7+$0x500];
	vm15 =	vgt.f32 v33, v6  }
0x287: {  	v25 =	vld [tilespmem:s26+$0xFFFFF240];
	v6 =	vsel vm15, v33, v6  }
0x288: {  	v37 =	vld [tilespmem:s7+$0x780];
	v36 =	vsel vm0, v22, v23;
	vm0 =	vgt.f32 v21, v6  }
0x289: {  	v38 =	vld [tilespmem:s7+$0x4100];
	v7 =	vsel vm1, v34, v36;
	v6 =	vsel vm0, v21, v6  }
0x28a: {  	v39 =	vld [tilespmem:s26+$0xFFFFF600];
	v7 =	vsel vm2, v20, v7;
	vm1 =	vgt.f32 v35, v6  }
0x28b: {  	v40 =	vld [tilespmem:s26+$0xFFFFF740];
	v7 =	vsel vm3, v24, v7;
	v6 =	vsel vm1, v35, v6  }
0x28c: {  	v41 =	vld [tilespmem:s7+$0xC80];
	v7 =	vsel vm4, v25, v7;
	vm2 =	vgt.f32 v19, v6  }
0x28d: {  	v42 =	vld [tilespmem:s7+$0x4380];
	v7 =	vsel vm5, v37, v7;
	v6 =	vsel vm2, v19, v6  }
0x28e: {  	v43 =	vld [tilespmem:s7+$0xF00];
	v7 =	vsel vm6, v18, v7;
	vm3 =	vgt.f32 v38, v6  }
0x28f: {  	v44 =	vld [tilespmem:s26+$0xFFFFFC40];
	v7 =	vsel vm7, v39, v7;
	v6 =	vsel vm3, v38, v6  }
0x290: {  	v45 =	vld [tilespmem:s7+$0x1180];
	v7 =	vsel vm8, v40, v7;
	vm4 =	vgt.f32 v17, v6  }
0x291: {  	v46 =	vld [tilespmem:s26+$0xFFFFFEC0];
	v7 =	vsel vm9, v41, v7;
	v6 =	vsel vm4, v17, v6  }
0x292: {  	v47 =	vld [tilespmem:s26+$0x0];
	v7 =	vsel vm10, v16, v7;
	vm10 =	vgt.f32 v42, v6  }
0x293: {  	v48 =	vld [tilespmem:s26+$0x140];
	v7 =	vsel vm11, v43, v7;
	v6 =	vsel vm10, v42, v6  }
0x294: {  	v49 =	vld [tilespmem:s7+$0x1680];
	v7 =	vsel vm12, v44, v7;
	vm12 =	vgt.f32 v15, v6  }
0x295: {  	v50 =	vld [tilespmem:s7+$0x4880];
	v7 =	vsel vm13, v45, v7;
	v6 =	vsel vm12, v15, v6  }
0x296: {  	v51 =	vld [tilespmem:s7+$0x1900];
	v7 =	vsel vm14, v46, v7;
	vm14 =	vgt.f32 v14, v6  }
0x297: {  	v52 =	vld [tilespmem:s26+$0x640];
	v7 =	vsel vm15, v47, v7;
	v6 =	vsel vm14, v14, v6  }
0x298: {  	v53 =	vld [tilespmem:s7+$0x1B80];
	v7 =	vsel vm0, v48, v7;
	vm15 =	vgt.f32 v13, v6  }
0x299: {  	v54 =	vld [tilespmem:s7+$0x4B00];
	v7 =	vsel vm1, v49, v7;
	v6 =	vsel vm15, v13, v6  }
0x29a: {  	v55 =	vld [tilespmem:s26+$0xA00];
	v7 =	vsel vm2, v12, v7;
	vm8 =	vgt.f32 v50, v6  }
0x29b: {  	v56 =	vld [tilespmem:s26+$0xB40];
	v7 =	vsel vm3, v51, v7;
	v6 =	vsel vm8, v50, v6  }
0x29c: {  	v57 =	vld [tilespmem:s7+$0x2080];
	v7 =	vsel vm4, v52, v7;
	vm9 =	vgt.f32 v11, v6  }
0x29d: {  	v58 =	vld [tilespmem:s7+$0x4D80];
	v7 =	vsel vm10, v53, v7;
	v6 =	vsel vm9, v11, v6  }
0x29e: {  	v59 =	vld [tilespmem:s7+$0x2300];
	v7 =	vsel vm12, v10, v7;
	vm10 =	vgt.f32 v54, v6  }
0x29f: {  	v60 =	vld [tilespmem:s26+$0x1040];
	v7 =	vsel vm14, v55, v7;
	v6 =	vsel vm10, v54, v6  }
0x2a0: {  	v61 =	vld [tilespmem:s7+$0x2580];
	v7 =	vsel vm15, v56, v7;
	vm11 =	vgt.f32 v5, v6  }
0x2a1: {  	v62 =	vld [tilespmem:s26+$0x12C0];
	v7 =	vsel vm8, v57, v7;
	v5 =	vsel vm11, v5, v6  }
0x2a2: {  	v4 =	vsel vm9, v4, v7;
	vm12 =	vgt.f32 v58, v5  }
0x2a3: {  	s30 =	sadd.s32 $0x0, s17;
	v4 =	vsel vm10, v59, v4;
	v5 =	vsel vm12, v58, v5  }
0x2a4: {  	v63 =	vor.u32 s30, v2;
	v4 =	vsel vm11, v60, v4;
	vm13 =	vgt.f32 v3, v5  }
0x2a5: {  	vm14 =	vgt.s32 v63, $0x270F;
	v4 =	vsel vm12, v61, v4;
	v3 =	vsel vm13, v3, v5  }
0x2a6: {  	v4 =	vsel vm13, v62, v4;
	v5 =	vnsel vm14, $0x270F, v63;
	vm15 =	veq.f32 v3, $-Inf  }
0x2a7: {  	s28 =	simm.s32 $0x10;
	s7 =	simm.s32 $0xF000;
	v3 =	vsel vm15, v5, v4  }
.LBB2_6:
0x2a8: {  	[tilespmem:s7+$0x0] =	vst v3;
	s7 =	sadd.s32 $0x10, s7;
	s26 =	sadd.s32 $0x10, s26;
	s6 =	sadd.s32 $0x10, s6  }
0x2a9: {  	p1 =	sne.s32 s28, $0x130;
	s29 =	smov.u32 s28;
	s28 =	sadd.s32 $0x10, s28;
	v6 =	vld [tilespmem:s6+$0xFFFFEC00]  }
0x2aa: {  	v7 =	vld [tilespmem:s6+$0xFFFFED40]  }
0x2ab: {  	s30 =	sand.u32 $0x1F0, s29;
	v3 =	vld [tilespmem:s6+$0x12C0]  }
0x2ac: {  	v8 =	vld [tilespmem:s30+$0x2A80]  }
0x2ad: {  	v4 =	vld [tilespmem:s26+$0xDC0]  }
0x2ae: {  	v9 =	vld [tilespmem:s6+$0xFFFFEFC0]  }
0x2af: {  	vm0 =	vgt.f32 v7, v6;
	v5 =	vld [tilespmem:s6+$0x1040]  }
0x2b0: {  	v7 =	vsel vm0, v7, v6;
	v10 =	vld [tilespmem:s30+$0x2D00]  }
0x2b1: {  	vm1 =	vgt.f32 v8, v7;
	v6 =	vld [tilespmem:s26+$0x8C0]  }
0x2b2: {  	v8 =	vsel vm1, v8, v7;
	v11 =	vld [tilespmem:s6+$0xFFFFF240]  }
0x2b3: {  	vm2 =	vgt.f32 v9, v8;
	v7 =	vld [tilespmem:s6+$0xDC0]  }
0x2b4: {  	v9 =	vsel vm2, v9, v8;
	v12 =	vld [tilespmem:s30+$0x2F80]  }
0x2b5: {  	vm3 =	vgt.f32 v10, v9;
	v8 =	vld [tilespmem:s26+$0x3C0]  }
0x2b6: {  	v10 =	vsel vm3, v10, v9;
	v13 =	vld [tilespmem:s6+$0xFFFFF4C0]  }
0x2b7: {  	vm4 =	vgt.f32 v11, v10;
	v9 =	vld [tilespmem:s6+$0xB40]  }
0x2b8: {  	v10 =	vsel vm4, v11, v10;
	v11 =	vld [tilespmem:s6+$0xFFFFF600]  }
0x2b9: {  	vm5 =	vgt.f32 v12, v10;
	v14 =	vld [tilespmem:s6+$0xA00]  }
0x2ba: {  	v10 =	vsel vm5, v12, v10;
	v12 =	vld [tilespmem:s6+$0xFFFFF740]  }
0x2bb: {  	vm6 =	vgt.f32 v13, v10;
	v15 =	vld [tilespmem:s6+$0x8C0]  }
0x2bc: {  	v10 =	vsel vm6, v13, v10;
	v13 =	vld [tilespmem:s30+$0x3480]  }
0x2bd: {  	vm7 =	vgt.f32 v11, v10;
	v16 =	vld [tilespmem:s26+$0xFFFFF9C0]  }
0x2be: {  	v10 =	vsel vm7, v11, v10;
	v11 =	vld [tilespmem:s6+$0xFFFFF9C0]  }
0x2bf: {  	vm8 =	vgt.f32 v12, v10;
	v17 =	vld [tilespmem:s6+$0x640]  }
0x2c0: {  	v10 =	vsel vm8, v12, v10;
	v12 =	vld [tilespmem:s30+$0x3700]  }
0x2c1: {  	v18 =	vld [tilespmem:s26+$0xFFFFF4C0];
	vm9 =	vgt.f32 v13, v10  }
0x2c2: {  	v10 =	vsel vm9, v13, v10;
	v13 =	vld [tilespmem:s6+$0xFFFFFC40]  }
0x2c3: {  	vm10 =	vgt.f32 v11, v10;
	v19 =	vld [tilespmem:s6+$0x3C0]  }
0x2c4: {  	v10 =	vsel vm10, v11, v10;
	v11 =	vld [tilespmem:s30+$0x3980]  }
0x2c5: {  	v20 =	vld [tilespmem:s26+$0xFFFFEFC0];
	vm11 =	vgt.f32 v12, v10  }
0x2c6: {  	v10 =	vsel vm11, v12, v10;
	v12 =	vld [tilespmem:s6+$0xFFFFFEC0]  }
0x2c7: {  	vm12 =	vgt.f32 v13, v10;
	v21 =	vld [tilespmem:s6+$0x140]  }
0x2c8: {  	v10 =	vsel vm12, v13, v10;
	v13 =	vld [tilespmem:s6+$0x0]  }
0x2c9: {  	v22 =	vld [tilespmem:s26+$0xFFFFED40];
	vm13 =	vgt.f32 v11, v10  }
0x2ca: {  	v23 =	vld [tilespmem:s26+$0xFFFFEC00];
	v10 =	vsel vm13, v11, v10  }
0x2cb: {  	v11 =	vld [tilespmem:s30+$0x280];
	vm14 =	vgt.f32 v12, v10  }
0x2cc: {  	v10 =	vsel vm14, v12, v10;
	v12 =	vld [tilespmem:s30+$0x3E80]  }
0x2cd: {  	v24 =	vld [tilespmem:s30+$0x500];
	vm15 =	vgt.f32 v13, v10  }
0x2ce: {  	v25 =	vld [tilespmem:s26+$0xFFFFF240];
	v10 =	vsel vm15, v13, v10  }
0x2cf: {  	v13 =	vsel vm0, v22, v23;
	v22 =	vld [tilespmem:s30+$0x780];
	vm0 =	vgt.f32 v21, v10  }
0x2d0: {  	v11 =	vsel vm1, v11, v13;
	v10 =	vsel vm0, v21, v10;
	v13 =	vld [tilespmem:s30+$0x4100]  }
0x2d1: {  	v11 =	vsel vm2, v20, v11;
	v20 =	vld [tilespmem:s26+$0xFFFFF600];
	vm1 =	vgt.f32 v12, v10  }
0x2d2: {  	v11 =	vsel vm3, v24, v11;
	v21 =	vld [tilespmem:s26+$0xFFFFF740];
	v10 =	vsel vm1, v12, v10  }
0x2d3: {  	v11 =	vsel vm4, v25, v11;
	v12 =	vld [tilespmem:s30+$0xC80];
	vm2 =	vgt.f32 v19, v10  }
0x2d4: {  	v11 =	vsel vm5, v22, v11;
	v10 =	vsel vm2, v19, v10;
	v19 =	vld [tilespmem:s30+$0x4380]  }
0x2d5: {  	v11 =	vsel vm6, v18, v11;
	v18 =	vld [tilespmem:s30+$0xF00];
	vm3 =	vgt.f32 v13, v10  }
0x2d6: {  	v11 =	vsel vm7, v20, v11;
	v20 =	vld [tilespmem:s26+$0xFFFFFC40];
	v10 =	vsel vm3, v13, v10  }
0x2d7: {  	v11 =	vsel vm8, v21, v11;
	v13 =	vld [tilespmem:s30+$0x1180];
	vm4 =	vgt.f32 v17, v10  }
0x2d8: {  	v11 =	vsel vm9, v12, v11;
	v12 =	vld [tilespmem:s26+$0xFFFFFEC0];
	v10 =	vsel vm4, v17, v10  }
0x2d9: {  	v11 =	vsel vm10, v16, v11;
	v16 =	vld [tilespmem:s26+$0x0];
	vm5 =	vgt.f32 v19, v10  }
0x2da: {  	v11 =	vsel vm11, v18, v11;
	v17 =	vld [tilespmem:s26+$0x140];
	v10 =	vsel vm5, v19, v10  }
0x2db: {  	v11 =	vsel vm12, v20, v11;
	v18 =	vld [tilespmem:s30+$0x1680];
	vm6 =	vgt.f32 v15, v10  }
0x2dc: {  	v11 =	vsel vm13, v13, v11;
	v10 =	vsel vm6, v15, v10;
	v13 =	vld [tilespmem:s30+$0x4880]  }
0x2dd: {  	v11 =	vsel vm14, v12, v11;
	v12 =	vld [tilespmem:s30+$0x1900];
	vm7 =	vgt.f32 v14, v10  }
0x2de: {  	v11 =	vsel vm15, v16, v11;
	v15 =	vld [tilespmem:s26+$0x640];
	v10 =	vsel vm7, v14, v10  }
0x2df: {  	v11 =	vsel vm0, v17, v11;
	v14 =	vld [tilespmem:s30+$0x1B80];
	vm0 =	vgt.f32 v9, v10  }
0x2e0: {  	v11 =	vsel vm1, v18, v11;
	v9 =	vsel vm0, v9, v10;
	v10 =	vld [tilespmem:s30+$0x4B00]  }
0x2e1: {  	v8 =	vsel vm2, v8, v11;
	v11 =	vld [tilespmem:s26+$0xA00];
	vm1 =	vgt.f32 v13, v9  }
0x2e2: {  	v8 =	vsel vm3, v12, v8;
	v12 =	vld [tilespmem:s26+$0xB40];
	v9 =	vsel vm1, v13, v9  }
0x2e3: {  	v8 =	vsel vm4, v15, v8;
	v13 =	vld [tilespmem:s30+$0x2080];
	vm2 =	vgt.f32 v7, v9  }
0x2e4: {  	v8 =	vsel vm5, v14, v8;
	v7 =	vsel vm2, v7, v9;
	v9 =	vld [tilespmem:s30+$0x4D80]  }
0x2e5: {  	v6 =	vsel vm6, v6, v8;
	v8 =	vld [tilespmem:s30+$0x2300];
	vm3 =	vgt.f32 v10, v7  }
0x2e6: {  	v6 =	vsel vm7, v11, v6;
	v7 =	vsel vm3, v10, v7;
	v10 =	vld [tilespmem:s26+$0x1040]  }
0x2e7: {  	v6 =	vsel vm0, v12, v6;
	vm0 =	vgt.f32 v5, v7;
	v11 =	vld [tilespmem:s30+$0x2580]  }
0x2e8: {  	v6 =	vsel vm1, v13, v6;
	v5 =	vsel vm0, v5, v7;
	v7 =	vld [tilespmem:s26+$0x12C0]  }
0x2e9: {  	v4 =	vsel vm2, v4, v6;
	vm1 =	vgt.f32 v9, v5  }
.Ltmp2:
0x2ea: {  	s29 =	sadd.s32 s29, s17;
	v4 =	vsel vm3, v8, v4;
	v5 =	vsel vm1, v9, v5;
	(pc) =	sbr.rel @p1 .LBB2_6-.Ltmp2, $4  }
0x2eb: {  	v6 =	vor.u32 s29, v2;
	v4 =	vsel vm0, v10, v4;
	vm0 =	vgt.f32 v3, v5  }
0x2ec: {  	v4 =	vsel vm1, v11, v4;
	v3 =	vsel vm0, v3, v5;
	vm1 =	vgt.s32 v6, $0x270F  }
0x2ed: {  	v4 =	vsel vm0, v7, v4;
	v5 =	vnsel vm1, $0x270F, v6;
	vm0 =	veq.f32 v3, $-Inf  }
0x2ee: {  	v3 =	vsel vm0, v5, v4  }
0x2ef: {  	[tilespmem:s7+$0x0] =	vst v3  }
0x2f0: {  	[bflag:$0x0] =	sbarrier.arrive $0xFFFF  }
0x2f1: {  	v3 =	vld [tilespmem:$0xF000];
	_ =	sdelay $0x4  }
0x2f2: {  	v4 =	vshll.u32 v3, $0x1  }
0x2f3: {  	v3 =	vand.u32 $0x7, v3;
	v4 =	vand.u32 $0xFFFFFFF0, v4  }
0x2f4: {  	v40 =	vshrl.u32 v2, $0x3;
	v6 =	vor.u32 v3, v4;
	v3 =	vand.u32 $0x7, v2  }
0x2f5: {  	v4 =	vmul.u32 $0x8, v40;
	v7 =	vperm.xlane v6, v3  }
0x2f6: {  	v5 =	vor.u32 $0x8, v2  }
0x2f7: {  	v6 =	vperm.xlane v6, v5;
	v7 =	vadd.s32 v4, v7;
	_ =	sdelay $0x1  }
0x2f8: {  	v6 =	vadd.s32 v4, v6;
	_ =	sdelay $0x1  }
0x2f9: {  	vm0 =	vmmov $0xffff  }
0x2fa: {  	[tilespmem:s23], [sflag:$0x1] =	stream.indirect_vreg.gather [hbm4b:s15+s2], $0x80, v7, vm0, $0xb8;
	[tilespmem:$0x1C180] =	vst v63  }
0x2fb: {  	_ = 	snop  }
0x2fc: {  	[tilespmem:s19], [sflag:$0x1] =	stream.indirect_vreg.gather [hbm4b:s15+s2], $0x80, v6, vm0, $0xb8;
	[tilespmem:$0x1C180] =	vst v63  }
0x2fd: {  	v6 =	vld [tilespmem:$0xF010];
	_ =	sdelay $0x4  }
0x2fe: {  	v41 =	vshll.u32 v6, $0x1  }
0x2ff: {  	v6 =	vand.u32 $0x7, v6;
	v7 =	vand.u32 $0xFFFFFFF0, v41  }
0x300: {  	v6 =	vor.u32 v6, v7  }
0x301: {  	v7 =	vperm.xlane v6, v3;
	_ =	sdelay $0x1  }
0x302: {  	v6 =	vperm.xlane v6, v5;
	v7 =	vadd.s32 v4, v7;
	_ =	sdelay $0x1  }
0x303: {  	v6 =	vadd.s32 v4, v6;
	_ =	sdelay $0x2  }
0x304: {  	[tilespmem:s20], [sflag:$0x1] =	stream.indirect_vreg.gather [hbm4b:s15+s2], $0x80, v7, vm0, $0xb8;
	[tilespmem:$0x1C180] =	vst v63  }
0x305: {  	_ = 	snop  }
0x306: {  	[tilespmem:s21], [sflag:$0x1] =	stream.indirect_vreg.gather [hbm4b:s15+s2], $0x80, v6, vm0, $0xb8;
	[tilespmem:$0x1C180] =	vst v63  }
0x307: {  	v6 =	vld [tilespmem:$0xF020];
	_ =	sdelay $0x4  }
0x308: {  	v42 =	vshll.u32 v6, $0x1  }
0x309: {  	v6 =	vand.u32 $0x7, v6;
	v7 =	vand.u32 $0xFFFFFFF0, v42  }
0x30a: {  	v6 =	vor.u32 v6, v7  }
0x30b: {  	v7 =	vperm.xlane v6, v3;
	_ =	sdelay $0x1  }
0x30c: {  	v6 =	vperm.xlane v6, v5;
	v7 =	vadd.s32 v4, v7;
	_ =	sdelay $0x1  }
0x30d: {  	v6 =	vadd.s32 v4, v6;
	_ =	sdelay $0x2  }
0x30e: {  	[tilespmem:s22], [sflag:$0x1] =	stream.indirect_vreg.gather [hbm4b:s15+s2], $0x80, v7, vm0, $0xb8;
	[tilespmem:$0x1C180] =	vst v63  }
0x30f: {  	_ = 	snop  }
0x310: {  	[tilespmem:s24], [sflag:$0x1] =	stream.indirect_vreg.gather [hbm4b:s15+s2], $0x80, v6, vm0, $0xb8;
	[tilespmem:$0x1C180] =	vst v63  }
0x311: {  	v6 =	vld [tilespmem:$0xF030];
	_ =	sdelay $0x4  }
0x312: {  	v43 =	vshll.u32 v6, $0x1  }
0x313: {  	v6 =	vand.u32 $0x7, v6;
	v7 =	vand.u32 $0xFFFFFFF0, v43  }
0x314: {  	v6 =	vor.u32 v6, v7  }
0x315: {  	v7 =	vperm.xlane v6, v3;
	_ =	sdelay $0x1  }
0x316: {  	v6 =	vperm.xlane v6, v5;
	v7 =	vadd.s32 v4, v7;
	_ =	sdelay $0x1  }
0x317: {  	v6 =	vadd.s32 v4, v6;
	_ =	sdelay $0x2  }
0x318: {  	[tilespmem:s25], [sflag:$0x1] =	stream.indirect_vreg.gather [hbm4b:s15+s2], $0x80, v7, vm0, $0xb8;
	[tilespmem:$0x1C180] =	vst v63  }
0x319: {  	_ = 	snop  }
0x31a: {  	[tilespmem:s18], [sflag:$0x1] =	stream.indirect_vreg.gather [hbm4b:s15+s2], $0x80, v6, vm0, $0xb8;
	[tilespmem:$0x1C180] =	vst v63  }
0x31b: {  	_ =	swait.ge [sflag:s9], $0x4000  }
0x31c: {  	[sflag:s9] =	ssyncset.done $0x0  }
0x31d: {  	[sflag:s9] =	ssyncadd.s32 $0xFFFFC000  }
0x31e: {  	v44 =	vld [tilespmem:$0xF040];
	_ =	sdelay $0x4  }
0x31f: {  	v45 =	vshll.u32 v44, $0x1  }
0x320: {  	v6 =	vand.u32 $0x7, v44;
	v7 =	vand.u32 $0xFFFFFFF0, v45  }
0x321: {  	v6 =	vor.u32 v6, v7  }
0x322: {  	v7 =	vperm.xlane v6, v3;
	_ =	sdelay $0x1  }
0x323: {  	v6 =	vperm.xlane v6, v5;
	v7 =	vadd.s32 v4, v7;
	_ =	sdelay $0x1  }
0x324: {  	v6 =	vadd.s32 v4, v6;
	_ =	sdelay $0x1  }
0x325: {  	s28 =	simm.s32 $0x13180  }
0x326: {  	[tilespmem:s28], [sflag:$0x2] =	stream.indirect_vreg.gather [hbm4b:s15+s2], $0x80, v7, vm0, $0xb8;
	[tilespmem:$0x1C180] =	vst v63  }
0x327: {  	s29 =	simm.s32 $0x13980  }
0x328: {  	[tilespmem:s29], [sflag:$0x2] =	stream.indirect_vreg.gather [hbm4b:s15+s2], $0x80, v6, vm0, $0xb8;
	[tilespmem:$0x1C180] =	vst v63  }
0x329: {  	v6 =	vld [tilespmem:$0xF050];
	_ =	sdelay $0x4  }
0x32a: {  	v46 =	vshll.u32 v6, $0x1  }
0x32b: {  	v6 =	vand.u32 $0x7, v6;
	v7 =	vand.u32 $0xFFFFFFF0, v46  }
0x32c: {  	v6 =	vor.u32 v6, v7  }
0x32d: {  	v7 =	vperm.xlane v6, v3;
	_ =	sdelay $0x1  }
0x32e: {  	v6 =	vperm.xlane v6, v5;
	v7 =	vadd.s32 v4, v7;
	_ =	sdelay $0x1  }
0x32f: {  	v6 =	vadd.s32 v4, v6;
	_ =	sdelay $0x1  }
0x330: {  	s30 =	simm.s32 $0x14180  }
0x331: {  	[tilespmem:s30], [sflag:$0x2] =	stream.indirect_vreg.gather [hbm4b:s15+s2], $0x80, v7, vm0, $0xb8;
	[tilespmem:$0x1C180] =	vst v63  }
0x332: {  	_ = 	snop  }
0x333: {  	[tilespmem:s31], [sflag:$0x2] =	stream.indirect_vreg.gather [hbm4b:s15+s2], $0x80, v6, vm0, $0xb8;
	[tilespmem:$0x1C180] =	vst v63  }
0x334: {  	v6 =	vld [tilespmem:$0xF060];
	_ =	sdelay $0x4  }
0x335: {  	v47 =	vshll.u32 v6, $0x1  }
0x336: {  	v6 =	vand.u32 $0x7, v6;
	v7 =	vand.u32 $0xFFFFFFF0, v47  }
0x337: {  	v6 =	vor.u32 v6, v7  }
0x338: {  	v7 =	vperm.xlane v6, v3;
	_ =	sdelay $0x1  }
0x339: {  	v6 =	vperm.xlane v6, v5;
	v7 =	vadd.s32 v4, v7;
	_ =	sdelay $0x1  }
0x33a: {  	v6 =	vadd.s32 v4, v6;
	_ =	sdelay $0x2  }
0x33b: {  	[tilespmem:s1], [sflag:$0x2] =	stream.indirect_vreg.gather [hbm4b:s15+s2], $0x80, v7, vm0, $0xb8;
	[tilespmem:$0x1C180] =	vst v63  }
0x33c: {  	s0 =	simm.s32 $0x15980  }
0x33d: {  	[tilespmem:s0], [sflag:$0x2] =	stream.indirect_vreg.gather [hbm4b:s15+s2], $0x80, v6, vm0, $0xb8;
	[tilespmem:$0x1C180] =	vst v63  }
0x33e: {  	v6 =	vld [tilespmem:$0xF070];
	_ =	sdelay $0x4  }
0x33f: {  	v48 =	vshll.u32 v6, $0x1  }
0x340: {  	v6 =	vand.u32 $0x7, v6;
	v7 =	vand.u32 $0xFFFFFFF0, v48  }
0x341: {  	v6 =	vor.u32 v6, v7  }
0x342: {  	v7 =	vperm.xlane v6, v3;
	_ =	sdelay $0x1  }
0x343: {  	v6 =	vperm.xlane v6, v5;
	v7 =	vadd.s32 v4, v7;
	_ =	sdelay $0x1  }
0x344: {  	v6 =	vadd.s32 v4, v6;
	_ =	sdelay $0x2  }
0x345: {  	[tilespmem:s4], [sflag:$0x2] =	stream.indirect_vreg.gather [hbm4b:s15+s2], $0x80, v7, vm0, $0xb8;
	[tilespmem:$0x1C180] =	vst v63  }
0x346: {  	s6 =	sld [smem:$0x7B4]  }
0x347: {  	[tilespmem:s8], [sflag:$0x2] =	stream.indirect_vreg.gather [hbm4b:s15+s2], $0x80, v6, vm0, $0xb8;
	[tilespmem:$0x1C180] =	vst v63  }
0x348: {  	s16 =	simm.s32 $0x3  }
0x349: {  	[hbm4b:s6+s2] =	stream.linear.scatter [tilespmem:s23], [sflag:$0x3], $0x4000, $0x38;
	[tilespmem:$0x1C180] =	vst v63  }
0x34a: {  	_ =	swait.ge [sflag:s16], $0x4000  }
0x34b: {  	[sflag:s16] =	ssyncset.done $0x0  }
0x34c: {  	[sflag:s16] =	ssyncadd.s32 $0xFFFFC000  }
0x34d: {  	_ =	swait.ge [sflag:s10], $0x4000  }
0x34e: {  	[sflag:s10] =	ssyncset.done $0x0  }
0x34f: {  	[sflag:s10] =	ssyncadd.s32 $0xFFFFC000  }
0x350: {  	v49 =	vld [tilespmem:$0xF080];
	_ =	sdelay $0x4  }
0x351: {  	v50 =	vshll.u32 v49, $0x1  }
0x352: {  	v6 =	vand.u32 $0x7, v49;
	v7 =	vand.u32 $0xFFFFFFF0, v50  }
0x353: {  	v6 =	vor.u32 v6, v7  }
0x354: {  	v7 =	vperm.xlane v6, v3;
	_ =	sdelay $0x1  }
0x355: {  	v6 =	vperm.xlane v6, v5;
	v7 =	vadd.s32 v4, v7;
	_ =	sdelay $0x1  }
0x356: {  	v6 =	vadd.s32 v4, v6;
	_ =	sdelay $0x2  }
0x357: {  	[tilespmem:s23], [sflag:$0x1] =	stream.indirect_vreg.gather [hbm4b:s15+s2], $0x80, v7, vm0, $0xb8;
	[tilespmem:$0x1C180] =	vst v63  }
0x358: {  	_ = 	snop  }
0x359: {  	[tilespmem:s19], [sflag:$0x1] =	stream.indirect_vreg.gather [hbm4b:s15+s2], $0x80, v6, vm0, $0xb8;
	[tilespmem:$0x1C180] =	vst v63  }
0x35a: {  	v6 =	vld [tilespmem:$0xF090];
	_ =	sdelay $0x4  }
0x35b: {  	v51 =	vshll.u32 v6, $0x1  }
0x35c: {  	v6 =	vand.u32 $0x7, v6;
	v7 =	vand.u32 $0xFFFFFFF0, v51  }
0x35d: {  	v6 =	vor.u32 v6, v7  }
0x35e: {  	v7 =	vperm.xlane v6, v3;
	_ =	sdelay $0x1  }
0x35f: {  	v6 =	vperm.xlane v6, v5;
	v7 =	vadd.s32 v4, v7;
	_ =	sdelay $0x1  }
0x360: {  	v6 =	vadd.s32 v4, v6;
	_ =	sdelay $0x2  }
0x361: {  	[tilespmem:s20], [sflag:$0x1] =	stream.indirect_vreg.gather [hbm4b:s15+s2], $0x80, v7, vm0, $0xb8;
	[tilespmem:$0x1C180] =	vst v63  }
0x362: {  	_ = 	snop  }
0x363: {  	[tilespmem:s21], [sflag:$0x1] =	stream.indirect_vreg.gather [hbm4b:s15+s2], $0x80, v6, vm0, $0xb8;
	[tilespmem:$0x1C180] =	vst v63  }
0x364: {  	v6 =	vld [tilespmem:$0xF0A0];
	_ =	sdelay $0x4  }
0x365: {  	v52 =	vshll.u32 v6, $0x1  }
0x366: {  	v6 =	vand.u32 $0x7, v6;
	v7 =	vand.u32 $0xFFFFFFF0, v52  }
0x367: {  	v6 =	vor.u32 v6, v7  }
0x368: {  	v7 =	vperm.xlane v6, v3;
	_ =	sdelay $0x1  }
0x369: {  	v6 =	vperm.xlane v6, v5;
	v7 =	vadd.s32 v4, v7;
	_ =	sdelay $0x1  }
0x36a: {  	v6 =	vadd.s32 v4, v6;
	_ =	sdelay $0x2  }
0x36b: {  	[tilespmem:s22], [sflag:$0x1] =	stream.indirect_vreg.gather [hbm4b:s15+s2], $0x80, v7, vm0, $0xb8;
	[tilespmem:$0x1C180] =	vst v63  }
0x36c: {  	_ = 	snop  }
0x36d: {  	[tilespmem:s24], [sflag:$0x1] =	stream.indirect_vreg.gather [hbm4b:s15+s2], $0x80, v6, vm0, $0xb8;
	[tilespmem:$0x1C180] =	vst v63  }
0x36e: {  	v6 =	vld [tilespmem:$0xF0B0];
	_ =	sdelay $0x4  }
0x36f: {  	v53 =	vshll.u32 v6, $0x1  }
0x370: {  	v6 =	vand.u32 $0x7, v6;
	v7 =	vand.u32 $0xFFFFFFF0, v53  }
0x371: {  	v6 =	vor.u32 v6, v7  }
0x372: {  	v7 =	vperm.xlane v6, v3;
	_ =	sdelay $0x1  }
0x373: {  	v6 =	vperm.xlane v6, v5;
	v7 =	vadd.s32 v4, v7;
	_ =	sdelay $0x1  }
0x374: {  	v6 =	vadd.s32 v4, v6;
	_ =	sdelay $0x2  }
0x375: {  	[tilespmem:s25], [sflag:$0x1] =	stream.indirect_vreg.gather [hbm4b:s15+s2], $0x80, v7, vm0, $0xb8;
	[tilespmem:$0x1C180] =	vst v63  }
0x376: {  	s16 =	sld [smem:$0x7B9]  }
0x377: {  	[tilespmem:s18], [sflag:$0x1] =	stream.indirect_vreg.gather [hbm4b:s15+s2], $0x80, v6, vm0, $0xb8;
	[tilespmem:$0x1C180] =	vst v63  }
0x378: {  	s7 =	simm.s32 @!p3 $0x13180;
	s6 =	simm.s32 @!p3 $0x0  }
0x379: {  	[hbm4b:s16+s6] =	stream.linear.scatter @!p3 [tilespmem:s7], [sflag:$0x3], $0x1000, $0x38;
	[tilespmem:$0x1C180] =	vst v63  }
0x37a: {  	s6 =	simm.s32 @!p3 $0x3  }
0x37b: {  	_ =	swait.ge @!p3 [sflag:s6], $0x1000  }
0x37c: {  	s26 =	sld [smem:$0x7BB];
	_ =	sdelay $0x2  }
0x37d: {  	p1 =	seq.s32 s26, $0x1;
	s26 =	sld [smem:$0x7B5]  }
0x37e: {  	[sflag:s6] =	ssyncset.done @!p3 $0x0  }
0x37f: {  	[sflag:s6] =	ssyncadd.s32 @!p3 $0xFFFFF000;
	s6 =	simm.s32 @!p1 $0x0;
	s7 =	simm.s32 @!p1 $0x13180  }
0x380: {  	[hbm4b:s26+s6] =	stream.linear.scatter @!p1 [tilespmem:s7], [sflag:$0x3], $0x4000, $0x38;
	[tilespmem:$0x1C180] =	vst v63  }
0x381: {  	s6 =	simm.s32 @!p1 $0x3  }
0x382: {  	_ =	swait.ge @!p1 [sflag:s6], $0x4000  }
0x383: {  	[sflag:s6] =	ssyncset.done @!p1 $0x0  }
0x384: {  	[sflag:s6] =	ssyncadd.s32 @!p1 $0xFFFFC000  }
0x385: {  	_ =	swait.ge [sflag:s9], $0x4000  }
0x386: {  	[sflag:s9] =	ssyncset.done $0x0  }
0x387: {  	[sflag:s9] =	ssyncadd.s32 $0xFFFFC000  }
0x388: {  	v54 =	vld [tilespmem:$0xF0C0];
	_ =	sdelay $0x4  }
0x389: {  	v55 =	vshll.u32 v54, $0x1  }
0x38a: {  	v6 =	vand.u32 $0x7, v54;
	v7 =	vand.u32 $0xFFFFFFF0, v55  }
0x38b: {  	v6 =	vor.u32 v6, v7  }
0x38c: {  	v7 =	vperm.xlane v6, v3;
	_ =	sdelay $0x1  }
0x38d: {  	v6 =	vperm.xlane v6, v5;
	v7 =	vadd.s32 v4, v7;
	_ =	sdelay $0x1  }
0x38e: {  	v6 =	vadd.s32 v4, v6;
	_ =	sdelay $0x2  }
0x38f: {  	[tilespmem:s28], [sflag:$0x2] =	stream.indirect_vreg.gather [hbm4b:s15+s2], $0x80, v7, vm0, $0xb8;
	[tilespmem:$0x1C180] =	vst v63  }
0x390: {  	_ = 	snop  }
0x391: {  	[tilespmem:s29], [sflag:$0x2] =	stream.indirect_vreg.gather [hbm4b:s15+s2], $0x80, v6, vm0, $0xb8;
	[tilespmem:$0x1C180] =	vst v63  }
0x392: {  	v6 =	vld [tilespmem:$0xF0D0];
	_ =	sdelay $0x4  }
0x393: {  	v56 =	vshll.u32 v6, $0x1  }
0x394: {  	v6 =	vand.u32 $0x7, v6;
	v7 =	vand.u32 $0xFFFFFFF0, v56  }
0x395: {  	v6 =	vor.u32 v6, v7  }
0x396: {  	v7 =	vperm.xlane v6, v3;
	_ =	sdelay $0x1  }
0x397: {  	v6 =	vperm.xlane v6, v5;
	v7 =	vadd.s32 v4, v7;
	_ =	sdelay $0x1  }
0x398: {  	v6 =	vadd.s32 v4, v6;
	_ =	sdelay $0x2  }
0x399: {  	[tilespmem:s30], [sflag:$0x2] =	stream.indirect_vreg.gather [hbm4b:s15+s2], $0x80, v7, vm0, $0xb8;
	[tilespmem:$0x1C180] =	vst v63  }
0x39a: {  	_ = 	snop  }
0x39b: {  	[tilespmem:s31], [sflag:$0x2] =	stream.indirect_vreg.gather [hbm4b:s15+s2], $0x80, v6, vm0, $0xb8;
	[tilespmem:$0x1C180] =	vst v63  }
0x39c: {  	v6 =	vld [tilespmem:$0xF0E0];
	_ =	sdelay $0x4  }
0x39d: {  	v57 =	vshll.u32 v6, $0x1  }
0x39e: {  	v6 =	vand.u32 $0x7, v6;
	v7 =	vand.u32 $0xFFFFFFF0, v57  }
0x39f: {  	v6 =	vor.u32 v6, v7  }
0x3a0: {  	v7 =	vperm.xlane v6, v3;
	_ =	sdelay $0x1  }
0x3a1: {  	v6 =	vperm.xlane v6, v5;
	v7 =	vadd.s32 v4, v7;
	_ =	sdelay $0x1  }
0x3a2: {  	v6 =	vadd.s32 v4, v6;
	_ =	sdelay $0x2  }
0x3a3: {  	[tilespmem:s1], [sflag:$0x2] =	stream.indirect_vreg.gather [hbm4b:s15+s2], $0x80, v7, vm0, $0xb8;
	[tilespmem:$0x1C180] =	vst v63  }
0x3a4: {  	_ = 	snop  }
0x3a5: {  	[tilespmem:s0], [sflag:$0x2] =	stream.indirect_vreg.gather [hbm4b:s15+s2], $0x80, v6, vm0, $0xb8;
	[tilespmem:$0x1C180] =	vst v63  }
0x3a6: {  	v6 =	vld [tilespmem:$0xF0F0];
	_ =	sdelay $0x4  }
0x3a7: {  	v58 =	vshll.u32 v6, $0x1  }
0x3a8: {  	v6 =	vand.u32 $0x7, v6;
	v7 =	vand.u32 $0xFFFFFFF0, v58  }
0x3a9: {  	v6 =	vor.u32 v6, v7  }
0x3aa: {  	v7 =	vperm.xlane v6, v3;
	_ =	sdelay $0x1  }
0x3ab: {  	v6 =	vperm.xlane v6, v5;
	v7 =	vadd.s32 v4, v7;
	_ =	sdelay $0x1  }
0x3ac: {  	v6 =	vadd.s32 v4, v6;
	_ =	sdelay $0x2  }
0x3ad: {  	[tilespmem:s4], [sflag:$0x2] =	stream.indirect_vreg.gather [hbm4b:s15+s2], $0x80, v7, vm0, $0xb8;
	[tilespmem:$0x1C180] =	vst v63  }
0x3ae: {  	_ = 	snop  }
0x3af: {  	[tilespmem:s8], [sflag:$0x2] =	stream.indirect_vreg.gather [hbm4b:s15+s2], $0x80, v6, vm0, $0xb8;
	[tilespmem:$0x1C180] =	vst v63  }
0x3b0: {  	s7 =	simm.s32 @!p4 $0xF180;
	s6 =	simm.s32 @!p4 $0x0  }
0x3b1: {  	[hbm4b:s16+s6] =	stream.linear.scatter @!p4 [tilespmem:s7], [sflag:$0x3], $0x1000, $0x38;
	[tilespmem:$0x1C180] =	vst v63  }
0x3b2: {  	s6 =	simm.s32 @!p4 $0x3  }
0x3b3: {  	_ =	swait.ge @!p4 [sflag:s6], $0x1000  }
0x3b4: {  	s29 =	sld [smem:$0x7BC];
	_ =	sdelay $0x1  }
0x3b5: {  	s26 =	sld [smem:$0x7B6]  }
0x3b6: {  	[sflag:s6] =	ssyncset.done @!p4 $0x0;
	p1 =	seq.s32 s29, $0x1  }
0x3b7: {  	[sflag:s6] =	ssyncadd.s32 @!p4 $0xFFFFF000;
	s6 =	simm.s32 @!p1 $0x0;
	s7 =	simm.s32 @!p1 $0xF180  }
0x3b8: {  	[hbm4b:s26+s6] =	stream.linear.scatter @!p1 [tilespmem:s7], [sflag:$0x3], $0x4000, $0x38;
	[tilespmem:$0x1C180] =	vst v63  }
0x3b9: {  	s6 =	simm.s32 @!p1 $0x3  }
0x3ba: {  	_ =	swait.ge @!p1 [sflag:s6], $0x4000  }
0x3bb: {  	[sflag:s6] =	ssyncset.done @!p1 $0x0  }
0x3bc: {  	[sflag:s6] =	ssyncadd.s32 @!p1 $0xFFFFC000  }
0x3bd: {  	_ =	swait.ge [sflag:s10], $0x4000  }
0x3be: {  	[sflag:s10] =	ssyncset.done $0x0  }
0x3bf: {  	[sflag:s10] =	ssyncadd.s32 $0xFFFFC000  }
0x3c0: {  	v59 =	vld [tilespmem:$0xF100];
	_ =	sdelay $0x4  }
0x3c1: {  	v60 =	vshll.u32 v59, $0x1  }
0x3c2: {  	v6 =	vand.u32 $0x7, v59;
	v7 =	vand.u32 $0xFFFFFFF0, v60  }
0x3c3: {  	v6 =	vor.u32 v6, v7  }
0x3c4: {  	v7 =	vperm.xlane v6, v3;
	_ =	sdelay $0x1  }
0x3c5: {  	v6 =	vperm.xlane v6, v5;
	v7 =	vadd.s32 v4, v7;
	_ =	sdelay $0x1  }
0x3c6: {  	v6 =	vadd.s32 v4, v6;
	_ =	sdelay $0x2  }
0x3c7: {  	[tilespmem:s23], [sflag:$0x1] =	stream.indirect_vreg.gather [hbm4b:s15+s2], $0x80, v7, vm0, $0xb8;
	[tilespmem:$0x1C180] =	vst v63  }
0x3c8: {  	_ = 	snop  }
0x3c9: {  	[tilespmem:s19], [sflag:$0x1] =	stream.indirect_vreg.gather [hbm4b:s15+s2], $0x80, v6, vm0, $0xb8;
	[tilespmem:$0x1C180] =	vst v63  }
0x3ca: {  	v6 =	vld [tilespmem:$0xF110];
	_ =	sdelay $0x4  }
0x3cb: {  	v61 =	vshll.u32 v6, $0x1  }
0x3cc: {  	v6 =	vand.u32 $0x7, v6;
	v7 =	vand.u32 $0xFFFFFFF0, v61  }
0x3cd: {  	v6 =	vor.u32 v6, v7  }
0x3ce: {  	v7 =	vperm.xlane v6, v3;
	_ =	sdelay $0x1  }
0x3cf: {  	v6 =	vperm.xlane v6, v5;
	v7 =	vadd.s32 v4, v7;
	_ =	sdelay $0x1  }
0x3d0: {  	v6 =	vadd.s32 v4, v6;
	_ =	sdelay $0x2  }
0x3d1: {  	[tilespmem:s20], [sflag:$0x1] =	stream.indirect_vreg.gather [hbm4b:s15+s2], $0x80, v7, vm0, $0xb8;
	[tilespmem:$0x1C180] =	vst v63  }
0x3d2: {  	_ = 	snop  }
0x3d3: {  	[tilespmem:s21], [sflag:$0x1] =	stream.indirect_vreg.gather [hbm4b:s15+s2], $0x80, v6, vm0, $0xb8;
	[tilespmem:$0x1C180] =	vst v63  }
0x3d4: {  	v6 =	vld [tilespmem:$0xF120];
	_ =	sdelay $0x4  }
0x3d5: {  	v62 =	vshll.u32 v6, $0x1  }
0x3d6: {  	v6 =	vand.u32 $0x7, v6;
	v7 =	vand.u32 $0xFFFFFFF0, v62  }
0x3d7: {  	v6 =	vor.u32 v6, v7  }
0x3d8: {  	v7 =	vperm.xlane v6, v3;
	_ =	sdelay $0x1  }
0x3d9: {  	v6 =	vperm.xlane v6, v5;
	v7 =	vadd.s32 v4, v7;
	_ =	sdelay $0x1  }
0x3da: {  	v6 =	vadd.s32 v4, v6;
	_ =	sdelay $0x2  }
0x3db: {  	[tilespmem:s22], [sflag:$0x1] =	stream.indirect_vreg.gather [hbm4b:s15+s2], $0x80, v7, vm0, $0xb8;
	[tilespmem:$0x1C180] =	vst v63  }
0x3dc: {  	_ = 	snop  }
0x3dd: {  	[tilespmem:s24], [sflag:$0x1] =	stream.indirect_vreg.gather [hbm4b:s15+s2], $0x80, v6, vm0, $0xb8;
	[tilespmem:$0x1C180] =	vst v63  }
0x3de: {  	v6 =	vld [tilespmem:$0xF130];
	_ =	sdelay $0x4  }
0x3df: {  	v63 =	vshll.u32 v6, $0x1  }
0x3e0: {  	v6 =	vand.u32 $0x7, v6;
	v7 =	vand.u32 $0xFFFFFFF0, v63  }
0x3e1: {  	v6 =	vor.u32 v6, v7  }
0x3e2: {  	v3 =	vperm.xlane v6, v3;
	_ =	sdelay $0x1  }
0x3e3: {  	v5 =	vperm.xlane v6, v5;
	v3 =	vadd.s32 v4, v3;
	_ =	sdelay $0x1  }
0x3e4: {  	v4 =	vadd.s32 v4, v5;
	_ =	sdelay $0x2  }
0x3e5: {  	[tilespmem:s25], [sflag:$0x1] =	stream.indirect_vreg.gather [hbm4b:s15+s2], $0x80, v3, vm0, $0xb8;
	[tilespmem:$0x1C180] =	vst v63  }
0x3e6: {  	s26 =	sld [smem:$0x7B7]  }
0x3e7: {  	[tilespmem:s18], [sflag:$0x1] =	stream.indirect_vreg.gather [hbm4b:s15+s2], $0x80, v4, vm0, $0xb8;
	[tilespmem:$0x1C180] =	vst v63  }
0x3e8: {  	s7 =	simm.s32 @p2 $0x13180;
	s6 =	simm.s32 @p2 $0x0  }
0x3e9: {  	[hbm4b:s26+s6] =	stream.linear.scatter @p2 [tilespmem:s7], [sflag:$0x3], $0x4000, $0x38;
	[tilespmem:$0x1C180] =	vst v63  }
0x3ea: {  	s6 =	simm.s32 @p2 $0x3  }
0x3eb: {  	_ =	swait.ge @p2 [sflag:s6], $0x4000  }
0x3ec: {  	[sflag:s6] =	ssyncset.done @p2 $0x0  }
0x3ed: {  	[sflag:s6] =	ssyncadd.s32 @p2 $0xFFFFC000;
	s6 =	simm.s32 @p2 $0x1  }
0x3ee: {  	_ =	swait.ge @p2 [sflag:s6], $0x4000  }
0x3ef: {  	[sflag:s6] =	ssyncset.done @p2 $0x0  }
0x3f0: {  	s7 =	simm.s32 @!p5 $0xF180;
	[sflag:s6] =	ssyncadd.s32 @p2 $0xFFFFC000;
	s6 =	simm.s32 @!p5 $0x0  }
0x3f1: {  	[hbm4b:s16+s6] =	stream.linear.scatter @!p5 [tilespmem:s7], [sflag:$0x3], $0x1000, $0x38;
	[tilespmem:$0x1C180] =	vst v63  }
0x3f2: {  	s6 =	simm.s32 @!p5 $0x3  }
0x3f3: {  	_ =	swait.ge @!p5 [sflag:s6], $0x1000  }
0x3f4: {  	s26 =	sld [smem:$0x7B8]  }
0x3f5: {  	[sflag:s6] =	ssyncset.done @!p5 $0x0  }
0x3f6: {  	s7 =	simm.s32 @!p6 $0xF180;
	[sflag:s6] =	ssyncadd.s32 @!p5 $0xFFFFF000;
	s6 =	simm.s32 @!p6 $0x0  }
0x3f7: {  	[hbm4b:s26+s6] =	stream.linear.scatter @!p6 [tilespmem:s7], [sflag:$0x3], $0x4000, $0x38;
	[tilespmem:$0x1C180] =	vst v63  }
0x3f8: {  	s6 =	simm.s32 @!p6 $0x3  }
0x3f9: {  	_ =	swait.ge @!p6 [sflag:s6], $0x4000  }
0x3fa: {  	[sflag:s6] =	ssyncset.done @!p6 $0x0  }
0x3fb: {  	s7 =	simm.s32 @!p0 $0x13180;
	[sflag:s6] =	ssyncadd.s32 @!p6 $0xFFFFC000;
	s6 =	simm.s32 @!p0 $0x0  }
0x3fc: {  	[hbm4b:s16+s6] =	stream.linear.scatter @!p0 [tilespmem:s7], [sflag:$0x3], $0x1000, $0x38;
	[tilespmem:$0x1C180] =	vst v63  }
0x3fd: {  	s6 =	simm.s32 @!p0 $0x3  }
0x3fe: {  	_ =	swait.ge @!p0 [sflag:s6], $0x1000  }
0x3ff: {  	[sflag:s6] =	ssyncset.done @!p0 $0x0  }
0x400: {  	[sflag:s6] =	ssyncadd.s32 @!p0 $0xFFFFF000;
	s6 =	simm.s32 @!p2 $0x1  }
0x401: {  	_ =	swait.ge @!p2 [sflag:s6], $0x4000  }
0x402: {  	s30 =	sld [smem:$0x7BA];
	_ =	sdelay $0x1  }
0x403: {  	s5 =	sadd.s32 $0x1, s5  }
0x404: {  	p1 =	sne.s32 s5, s30  }
.Ltmp3:
0x405: {  	_ = 	snop;
	(pc) =	sbr.rel @p1 .LBB2_1-.Ltmp3, $3  }
0x406: {  	_ =	sdelay $0x1  }
0x407: {  	[sflag:s6] =	ssyncset.done @!p2 $0x0  }
0x408: {  	s28 =	simm.s32 $0x2800;
	[sflag:s6] =	ssyncadd.s32 @!p2 $0xFFFFC000  }
0x409: {  	_ =	sfence.sel $0x180000  }
0x40a: {  	[bflag:$0x0] =	sbarrier.arrive $0xFFFF  }
0x40b: {  	_ =	strace $0x90000047  }
0x40c: {  	s0 =	stileid.u32;
	[bflag:$0x2] =	sbarrier.arrive $0xFFFF  }
0x40d: {  	p0 =	sne.s32 s0, $0x0;
	s0 =	rddreg [dreg:$0x6]  }
0x40e: {  	s0 =	sadd.s32 @!p0 $0x100000, s0  }
0x40f: {  	[sflag:s0] =	ssyncadd.tile.s32 @!p0 $0x1;
	_ =	shalt  }
.Lfunc_end2:
_tile_overlayer_lowered:
.L_overlay_start_2:
0x410: {  	(tag) =	ssettag $0x2  }
0x411: {  	s0 =	rddreg [dreg:$0x0];
	s2 =	stileid.u32  }
0x412: {  	s1 =	rddreg [dreg:$0x1];
	p0 =	sne.s32 s2, $0x0  }
0x413: {  	s3 =	rddreg [dreg:$0x2];
	[bflag:$0x3] =	sbarrier.arrive $0xFFFF;
	s2 =	simm.s32 @!p0 $0x1C03  }
0x414: {  	[timem:s3], [sflag:s2] =	dma.local @!p0 [hbm:s0], s1  }
0x415: {  	s0 =	simm.s32 @!p0 $0x3  }
0x416: {  	_ =	swait.ge @!p0 [sflag:s0], s1  }
0x417: {  	s1 =	ssub.s32 @!p0 $0x0, s1;
	[sflag:s0] =	ssyncset.done @!p0 $0x0  }
0x418: {  	[sflag:s0] =	ssyncadd.s32 @!p0 s1  }
0x419: {  	[bflag:$0x3] =	sbarrier.arrive $0xFFFF  }
0x41a: {  	_ =	shalt  }

</sc_bundles>
